<compile_context>
chip_gen: v7x
topology: tpu7x:2x2x1
jax: 0.10.2.dev20260603
libtpu: 0.0.44.dev20260713+nightly
codegen_flags: <defaults>
</compile_context>

<pallas_src>
import functools

import jax
import jax.numpy as jnp
from jax import lax
from jax.experimental import pallas as pl
from jax.experimental.pallas import tpu as pltpu
from jax.experimental.pallas import tpu_sc as plsc

N = 8192
D = 512
E = 131072
CW = 256
NCHUNK = D // CW
NC = 2
NS = 16
NW = NC * NS
RPT = N // NW
ECH = 4096
NSC = E // ECH
GB = 64
CNTW = 16


def _sc_segment_sum(x0, x1, e3):
    mesh = plsc.VectorSubcoreMesh(core_axis_name="c", subcore_axis_name="s")

    @functools.partial(
        pl.kernel,
        mesh=mesh,
        out_type=[
            jax.ShapeDtypeStruct((NCHUNK, N, CW), jnp.float32),
            jax.ShapeDtypeStruct((N, CNTW), jnp.float32),
        ],
        scratch_types=[
            pltpu.VMEM((2, ECH), jnp.int32),
            pltpu.VMEM((ECH + GB,), jnp.int32),
            pltpu.VMEM((GB,), jnp.int32),
            pltpu.VMEM((GB, CW), jnp.float32),
            pltpu.VMEM((RPT, CW), jnp.float32),
            pltpu.VMEM((RPT, CNTW), jnp.float32),
        ],
    )
    def seg_kernel(x0_h, x1_h, e_h, agg_out, cnt_out,
                   ebuf, mpk, gidx, gbuf, slab, cnt):
        cid = lax.axis_index("c")
        sid = lax.axis_index("s")
        wid = sid * NC + cid
        lo = wid * RPT

        zvec = jnp.zeros((16,), jnp.float32)
        ovec = jnp.ones((16,), jnp.float32)
        xs = (x0_h, x1_h)

        for c in range(NCHUNK):
            xc = xs[c]

            @plsc.parallel_loop(0, RPT)
            def fill_zero(i):
                for k in range(CW // 16):
                    slab[i, pl.ds(k * 16, 16)] = zvec
                if c == 0:
                    cnt[i, pl.ds(0, 16)] = zvec

            def scan_chunk(kc, carry0):
                pltpu.sync_copy(e_h.at[kc], ebuf)

                def match(v, off):
                    svec = ebuf[0, pl.ds(v * 16, 16)]
                    dvec = ebuf[1, pl.ds(v * 16, 16)]
                    lvec = dvec - lo
                    mbit = ((lvec | (RPT - 1 - lvec)) >> 31) + 1
                    pvec = (svec << 8) + lvec

                    def append(off2):
                        o = off2
                        for l in range(16):
                            mpk[pl.ds(o, 16)] = jnp.broadcast_to(
                                pvec[l], (16,))
                            o = o + mbit[l]
                        return o

                    return append(off)

                nm = lax.fori_loop(0, ECH // 16, match, 0)

                for t in range(GB // 16):
                    mpk[pl.ds(nm + t * 16, 16)] = jnp.zeros((16,), jnp.int32)

                def gather_batch(b, carry1):
                    for t in range(GB // 16):
                        gidx[pl.ds(t * 16, 16)] = (
                            mpk[pl.ds(b * GB + t * 16, 16)] >> 8)
                    pltpu.sync_copy(xc.at[gidx], gbuf)
                    mb = jnp.minimum(nm - b * GB, GB)

                    @plsc.parallel_loop(0, mb)
                    def accum(i):
                        pk = mpk[pl.ds(b * GB + i, 16)][0]
                        r = pk & (RPT - 1)
                        for k in range(CW // 16):
                            plsc.addupdate(
                                slab.at[r, pl.ds(k * 16, 16)],
                                gbuf[i, pl.ds(k * 16, 16)])
                        if c == 0:
                            plsc.addupdate(cnt.at[r, pl.ds(0, 16)], ovec)
                    return carry1

                lax.fori_loop(0, (nm + GB - 1) // GB, gather_batch, 0)
                return carry0

            lax.fori_loop(0, NSC, scan_chunk, 0)

            pltpu.sync_copy(slab, agg_out.at[c, pl.ds(lo, RPT)])
            if c == 0:
                pltpu.sync_copy(cnt, cnt_out.at[pl.ds(lo, RPT)])

    return seg_kernel(x0, x1, e3)


BM = 1024


def _mlp(agg_part, cnt_part, x, W_l, b_l, W_r, Wa, ba, W1, b1, W2, b2, W3p, b3p):
    def body(aggp_r, cntp_r, x_r, wl_r, bl_r, wr_r, wa_r, ba_r,
             w1_r, b1_r, w2_r, b2_r, w3_r, b3_r, z_r):
        ap = aggp_r[...]
        cnt = cntp_r[...][:, 0]
        inv = 1.0 / jnp.maximum(cnt, 1.0)
        agg = jnp.concatenate([ap[cc] for cc in range(NCHUNK)], axis=1)
        agg = agg * inv[:, None]
        h = jnp.dot(agg, wl_r[...], preferred_element_type=jnp.float32)
        h = h + jnp.dot(x_r[...], wr_r[...], preferred_element_type=jnp.float32)
        h = jnp.maximum(h + bl_r[...], 0.0)
        h = jnp.maximum(
            jnp.dot(h, wa_r[...], preferred_element_type=jnp.float32)
            + ba_r[...], 0.0)
        h = jnp.maximum(
            jnp.dot(h, w1_r[...], preferred_element_type=jnp.float32)
            + b1_r[...], 0.0)
        h = jnp.maximum(
            jnp.dot(h, w2_r[...], preferred_element_type=jnp.float32)
            + b2_r[...], 0.0)
        z_r[...] = (jnp.dot(h, w3_r[...], preferred_element_type=jnp.float32)
                    + b3_r[...])

    full = lambda a: pl.BlockSpec(a.shape, lambda i: (0,) * a.ndim)
    return pl.pallas_call(
        body,
        grid=(N // BM,),
        in_specs=[
            pl.BlockSpec((NCHUNK, BM, CW), lambda i: (0, i, 0)),
            pl.BlockSpec((BM, CNTW), lambda i: (i, 0)),
            pl.BlockSpec((BM, D), lambda i: (i, 0)),
            full(W_l), full(b_l), full(W_r), full(Wa), full(ba),
            full(W1), full(b1), full(W2), full(b2), full(W3p), full(b3p),
        ],
        out_specs=pl.BlockSpec((BM, 128), lambda i: (i, 0)),
        out_shape=jax.ShapeDtypeStruct((N, 128), jnp.float32),
    )(agg_part, cnt_part, x, W_l, b_l, W_r, Wa, ba, W1, b1, W2, b2, W3p, b3p)


CM = 1024
CN = 1024


def _cdist(z):
    def body(zi_r, zj_r, out_r):
        zi = zi_r[...]
        zj = zj_r[...]
        g = lax.dot_general(zi, zj, (((1,), (1,)), ((), ())),
                            preferred_element_type=jnp.float32)
        sqi = jnp.sum(zi * zi, axis=1)[:, None]
        sqj = jnp.sum(zj * zj, axis=1)[None, :]
        d2 = sqi + sqj - 2.0 * g
        out_r[...] = jnp.sqrt(jnp.maximum(d2, 1e-12))

    return pl.pallas_call(
        body,
        grid=(N // CM, N // CN),
        in_specs=[
            pl.BlockSpec((CM, 128), lambda i, j: (i, 0)),
            pl.BlockSpec((CN, 128), lambda i, j: (j, 0)),
        ],
        out_specs=pl.BlockSpec((CM, CN), lambda i, j: (i, j)),
        out_shape=jax.ShapeDtypeStruct((N, N), jnp.float32),
    )(z, z)


def kernel(x, edge_index, W_l, b_l, W_r, Wa, ba, W1, b1, W2, b2, W3, b3):
    e3 = jnp.stack([edge_index[0].reshape(NSC, ECH),
                    edge_index[1].reshape(NSC, ECH)], axis=1)
    x0 = x[:, :CW]
    x1 = x[:, CW:]
    agg_part, cnt_part = _sc_segment_sum(x0, x1, e3)
    W3p = jnp.pad(W3, ((0, 0), (0, 128 - 3)))
    b3p = jnp.pad(b3, (0, 128 - 3)).reshape(1, 128)
    z = _mlp(agg_part, cnt_part, x,
             W_l, b_l.reshape(1, D), W_r,
             Wa, ba.reshape(1, 256),
             W1, b1.reshape(1, 128),
             W2, b2.reshape(1, 64),
             W3p, b3p)
    return _cdist(z)

# --- scband reference (transcript-rebuilt; emitter-appended) ---
"""Pipeline reference for scband-net-26620207301223 (READ-ONLY COPY).

The authoritative reference and input builder live on the scoring server;
editing this copy changes nothing except your own understanding.
"""

import jax, jax.numpy as jnp
import numpy as np

N = 8192
E = 131072
D = 512


def _lin_params(key, fan_in, fan_out, bias=True):
    k1, k2 = jax.random.split(key)
    s = 1.0 / np.sqrt(fan_in)
    W = jax.random.uniform(k1, (fan_in, fan_out), jnp.float32, -s, s)
    if bias:
        b = jax.random.uniform(k2, (fan_out,), jnp.float32, -s, s)
        return W, b
    return W, None


def setup_inputs(seed: int = 0) -> dict:
    key = jax.random.key(seed)
    ks = jax.random.split(key, 10)
    x = jax.random.normal(ks[0], (N, D), dtype=jnp.float32)
    edge_index = jax.random.randint(ks[1], (2, E), 0, N, dtype=jnp.int32)
    W_l, b_l = _lin_params(ks[2], D, D)          # SAGEConv lin_l (aggregated neighbors, has bias)
    W_r, _ = _lin_params(ks[3], D, D, bias=False)  # SAGEConv lin_r (root, no bias)
    Wa, ba = _lin_params(ks[4], 512, 256)
    W1, b1 = _lin_params(ks[5], 256, 128)
    W2, b2 = _lin_params(ks[6], 128, 64)
    W3, b3 = _lin_params(ks[7], 64, 3)
    return {"x": x, "edge_index": edge_index, "W_l": W_l, "b_l": b_l, "W_r": W_r,
            "Wa": Wa, "ba": ba, "W1": W1, "b1": b1, "W2": W2, "b2": b2, "W3": W3, "b3": b3}


def reference(x, edge_index, W_l, b_l, W_r, Wa, ba, W1, b1, W2, b2, W3, b3):
    src = edge_index[0]
    dst = edge_index[1]
    # SAGEConv with mean aggregation: gather source node features, scatter-mean to dst
    msgs = jnp.take(x, src, axis=0)
    agg = jax.ops.segment_sum(msgs, dst, num_segments=N)
    cnt = jax.ops.segment_sum(jnp.ones((E,), dtype=x.dtype), dst, num_segments=N)
    agg = agg / jnp.maximum(cnt, 1.0)[:, None]
    h = agg @ W_l + b_l + x @ W_r
    h = jax.nn.relu(h)
    h = jax.nn.relu(h @ Wa + ba)
    h = jax.nn.relu(h @ W1 + b1)
    h = jax.nn.relu(h @ W2 + b2)
    z = h @ W3 + b3  # [N, 3]
    # cdist(z, z, p=2) via gram trick
    sq = jnp.sum(z * z, axis=1)
    d2 = sq[:, None] + sq[None, :] - 2.0 * (z @ z.T)
    d = jnp.sqrt(jnp.maximum(d2, 1e-12))
    return d

if __name__ == "__main__":
    import jax
    _d = setup_inputs()
    print(jax.jit(kernel)(*tuple(_d.values())))

</pallas_src>

<mosaic_0001>
#map = affine_map<(d0, d1) -> (0, 0)>
#map1 = affine_map<(d0, d1) -> (0, 0, 0)>
module attributes {stable_mosaic.version = 14 : i64} {
  func.func @seg_kernel(%arg0: i32, %arg1: i32, %arg2: memref<8192x256xf32, #tpu.memory_space<hbm>>, %arg3: memref<8192x256xf32, #tpu.memory_space<hbm>>, %arg4: memref<32x2x4096xi32, #tpu.memory_space<hbm>>, %arg5: memref<2x8192x256xf32, #tpu.memory_space<hbm>>, %arg6: memref<8192x16xf32, #tpu.memory_space<hbm>>, %arg7: memref<2x4096xi32, #tpu.memory_space<vmem>>, %arg8: memref<4160xi32, #tpu.memory_space<vmem>>, %arg9: memref<64xi32, #tpu.memory_space<vmem>>, %arg10: memref<64x256xf32, #tpu.memory_space<vmem>>, %arg11: memref<256x256xf32, #tpu.memory_space<vmem>>, %arg12: memref<256x16xf32, #tpu.memory_space<vmem>>) attributes {dimension_semantics = [#tpu.dimension_semantics<core_parallel>, #tpu.dimension_semantics<subcore_parallel>], iteration_bounds = array<i64: 2, 16>, scalar_prefetch = 0 : i64, scratch_operands = 6 : i64, tpu.core_type = #tpu.core_type<sc_vector_subcore>, window_params = [{transform_indices = #map}, {transform_indices = #map}, {transform_indices = #map1}, {transform_indices = #map1}, {transform_indices = #map}]} {
    %mul3A = arith.constant 2 : i32
    %mul3A_0 = arith.muli %arg1, %mul3A : i32
    %add3A = arith.addi %mul3A_0, %arg0 : i32
    %mul3A_1 = arith.constant 256 : i32
    %mul3A_2 = arith.muli %add3A, %mul3A_1 : i32
    %broadcast_in_dim3A = arith.constant 0.000000e+00 : f32
    %broadcast_in_dim3A_3 = vector.broadcast %broadcast_in_dim3A : f32 to vector<16xf32>
    %broadcast_in_dim3A_4 = arith.constant 1.000000e+00 : f32
    %broadcast_in_dim3A_5 = vector.broadcast %broadcast_in_dim3A_4 : f32 to vector<16xf32>
    %parallel_loop3A = arith.constant 0 : i32
    %parallel_loop3A_6 = arith.constant 256 : i32
    %parallel_loop3A_7 = arith.constant 1 : i32
    scf.for %parallel_loop3A_23 = %parallel_loop3A to %parallel_loop3A_6 step %parallel_loop3A_7  : i32 {
      %parallel_loop3A_24 = arith.index_cast %parallel_loop3A_23 : i32 to index
      %parallel_loop3A_25 = arith.constant 0 : index
      %parallel_loop3A_26 = tpu.vector_load %arg11[%parallel_loop3A_24, %parallel_loop3A_25] {strides = array<i32>} : memref<256x256xf32, #tpu.memory_space<vmem>>, vector<1x16xf32>,
      %parallel_loop3A_27 = vector.shape_cast %parallel_loop3A_26 : vector<1x16xf32> to vector<16xf32>
      %parallel_loop3A_28 = vector.shape_cast %broadcast_in_dim3A_3 : vector<16xf32> to vector<1x16xf32>
      tpu.vector_store %arg11[%parallel_loop3A_24, %parallel_loop3A_25], %parallel_loop3A_28 {strides = array<i32>} : memref<256x256xf32, #tpu.memory_space<vmem>>, vector<1x16xf32>,
      %parallel_loop3A_29 = arith.index_cast %parallel_loop3A_23 : i32 to index
      %parallel_loop3A_30 = arith.constant 16 : index
      %parallel_loop3A_31 = tpu.vector_load %arg11[%parallel_loop3A_29, %parallel_loop3A_30] {strides = array<i32>} : memref<256x256xf32, #tpu.memory_space<vmem>>, vector<1x16xf32>,
      %parallel_loop3A_32 = vector.shape_cast %parallel_loop3A_31 : vector<1x16xf32> to vector<16xf32>
      %parallel_loop3A_33 = vector.shape_cast %broadcast_in_dim3A_3 : vector<16xf32> to vector<1x16xf32>
      tpu.vector_store %arg11[%parallel_loop3A_29, %parallel_loop3A_30], %parallel_loop3A_33 {strides = array<i32>} : memref<256x256xf32, #tpu.memory_space<vmem>>, vector<1x16xf32>,
      %parallel_loop3A_34 = arith.index_cast %parallel_loop3A_23 : i32 to index
      %parallel_loop3A_35 = arith.constant 32 : index
      %parallel_loop3A_36 = tpu.vector_load %arg11[%parallel_loop3A_34, %parallel_loop3A_35] {strides = array<i32>} : memref<256x256xf32, #tpu.memory_space<vmem>>, vector<1x16xf32>,
      %parallel_loop3A_37 = vector.shape_cast %parallel_loop3A_36 : vector<1x16xf32> to vector<16xf32>
      %parallel_loop3A_38 = vector.shape_cast %broadcast_in_dim3A_3 : vector<16xf32> to vector<1x16xf32>
      tpu.vector_store %arg11[%parallel_loop3A_34, %parallel_loop3A_35], %parallel_loop3A_38 {strides = array<i32>} : memref<256x256xf32, #tpu.memory_space<vmem>>, vector<1x16xf32>,
      %parallel_loop3A_39 = arith.index_cast %parallel_loop3A_23 : i32 to index
      %parallel_loop3A_40 = arith.constant 48 : index
      %parallel_loop3A_41 = tpu.vector_load %arg11[%parallel_loop3A_39, %parallel_loop3A_40] {strides = array<i32>} : memref<256x256xf32, #tpu.memory_space<vmem>>, vector<1x16xf32>,
      %parallel_loop3A_42 = vector.shape_cast %parallel_loop3A_41 : vector<1x16xf32> to vector<16xf32>
      %parallel_loop3A_43 = vector.shape_cast %broadcast_in_dim3A_3 : vector<16xf32> to vector<1x16xf32>
      tpu.vector_store %arg11[%parallel_loop3A_39, %parallel_loop3A_40], %parallel_loop3A_43 {strides = array<i32>} : memref<256x256xf32, #tpu.memory_space<vmem>>, vector<1x16xf32>,
      %parallel_loop3A_44 = arith.index_cast %parallel_loop3A_23 : i32 to index
      %parallel_loop3A_45 = arith.constant 64 : index
      %parallel_loop3A_46 = tpu.vector_load %arg11[%parallel_loop3A_44, %parallel_loop3A_45] {strides = array<i32>} : memref<256x256xf32, #tpu.memory_space<vmem>>, vector<1x16xf32>,
      %parallel_loop3A_47 = vector.shape_cast %parallel_loop3A_46 : vector<1x16xf32> to vector<16xf32>
      %parallel_loop3A_48 = vector.shape_cast %broadcast_in_dim3A_3 : vector<16xf32> to vector<1x16xf32>
      tpu.vector_store %arg11[%parallel_loop3A_44, %parallel_loop3A_45], %parallel_loop3A_48 {strides = array<i32>} : memref<256x256xf32, #tpu.memory_space<vmem>>, vector<1x16xf32>,
      %parallel_loop3A_49 = arith.index_cast %parallel_loop3A_23 : i32 to index
      %parallel_loop3A_50 = arith.constant 80 : index
      %parallel_loop3A_51 = tpu.vector_load %arg11[%parallel_loop3A_49, %parallel_loop3A_50] {strides = array<i32>} : memref<256x256xf32, #tpu.memory_space<vmem>>, vector<1x16xf32>,
      %parallel_loop3A_52 = vector.shape_cast %parallel_loop3A_51 : vector<1x16xf32> to vector<16xf32>
      %parallel_loop3A_53 = vector.shape_cast %broadcast_in_dim3A_3 : vector<16xf32> to vector<1x16xf32>
      tpu.vector_store %arg11[%parallel_loop3A_49, %parallel_loop3A_50], %parallel_loop3A_53 {strides = array<i32>} : memref<256x256xf32, #tpu.memory_space<vmem>>, vector<1x16xf32>,
      %parallel_loop3A_54 = arith.index_cast %parallel_loop3A_23 : i32 to index
      %parallel_loop3A_55 = arith.constant 96 : index
      %parallel_loop3A_56 = tpu.vector_load %arg11[%parallel_loop3A_54, %parallel_loop3A_55] {strides = array<i32>} : memref<256x256xf32, #tpu.memory_space<vmem>>, vector<1x16xf32>,
      %parallel_loop3A_57 = vector.shape_cast %parallel_loop3A_56 : vector<1x16xf32> to vector<16xf32>
      %parallel_loop3A_58 = vector.shape_cast %broadcast_in_dim3A_3 : vector<16xf32> to vector<1x16xf32>
      tpu.vector_store %arg11[%parallel_loop3A_54, %parallel_loop3A_55], %parallel_loop3A_58 {strides = array<i32>} : memref<256x256xf32, #tpu.memory_space<vmem>>, vector<1x16xf32>,
      %parallel_loop3A_59 = arith.index_cast %parallel_loop3A_23 : i32 to index
      %parallel_loop3A_60 = arith.constant 112 : index
      %parallel_loop3A_61 = tpu.vector_load %arg11[%parallel_loop3A_59, %parallel_loop3A_60] {strides = array<i32>} : memref<256x256xf32, #tpu.memory_space<vmem>>, vector<1x16xf32>,
      %parallel_loop3A_62 = vector.shape_cast %parallel_loop3A_61 : vector<1x16xf32> to vector<16xf32>
      %parallel_loop3A_63 = vector.shape_cast %broadcast_in_dim3A_3 : vector<16xf32> to vector<1x16xf32>
      tpu.vector_store %arg11[%parallel_loop3A_59, %parallel_loop3A_60], %parallel_loop3A_63 {strides = array<i32>} : memref<256x256xf32, #tpu.memory_space<vmem>>, vector<1x16xf32>,
      %parallel_loop3A_64 = arith.index_cast %parallel_loop3A_23 : i32 to index
      %parallel_loop3A_65 = arith.constant 128 : index
      %parallel_loop3A_66 = tpu.vector_load %arg11[%parallel_loop3A_64, %parallel_loop3A_65] {strides = array<i32>} : memref<256x256xf32, #tpu.memory_space<vmem>>, vector<1x16xf32>,
      %parallel_loop3A_67 = vector.shape_cast %parallel_loop3A_66 : vector<1x16xf32> to vector<16xf32>
      %parallel_loop3A_68 = vector.shape_cast %broadcast_in_dim3A_3 : vector<16xf32> to vector<1x16xf32>
      tpu.vector_store %arg11[%parallel_loop3A_64, %parallel_loop3A_65], %parallel_loop3A_68 {strides = array<i32>} : memref<256x256xf32, #tpu.memory_space<vmem>>, vector<1x16xf32>,
      %parallel_loop3A_69 = arith.index_cast %parallel_loop3A_23 : i32 to index
      %parallel_loop3A_70 = arith.constant 144 : index
      %parallel_loop3A_71 = tpu.vector_load %arg11[%parallel_loop3A_69, %parallel_loop3A_70] {strides = array<i32>} : memref<256x256xf32, #tpu.memory_space<vmem>>, vector<1x16xf32>,
      %parallel_loop3A_72 = vector.shape_cast %parallel_loop3A_71 : vector<1x16xf32> to vector<16xf32>
      %parallel_loop3A_73 = vector.shape_cast %broadcast_in_dim3A_3 : vector<16xf32> to vector<1x16xf32>
      tpu.vector_store %arg11[%parallel_loop3A_69, %parallel_loop3A_70], %parallel_loop3A_73 {strides = array<i32>} : memref<256x256xf32, #tpu.memory_space<vmem>>, vector<1x16xf32>,
      %parallel_loop3A_74 = arith.index_cast %parallel_loop3A_23 : i32 to index
      %parallel_loop3A_75 = arith.constant 160 : index
      %parallel_loop3A_76 = tpu.vector_load %arg11[%parallel_loop3A_74, %parallel_loop3A_75] {strides = array<i32>} : memref<256x256xf32, #tpu.memory_space<vmem>>, vector<1x16xf32>,
      %parallel_loop3A_77 = vector.shape_cast %parallel_loop3A_76 : vector<1x16xf32> to vector<16xf32>
      %parallel_loop3A_78 = vector.shape_cast %broadcast_in_dim3A_3 : vector<16xf32> to vector<1x16xf32>
      tpu.vector_store %arg11[%parallel_loop3A_74, %parallel_loop3A_75], %parallel_loop3A_78 {strides = array<i32>} : memref<256x256xf32, #tpu.memory_space<vmem>>, vector<1x16xf32>,
      %parallel_loop3A_79 = arith.index_cast %parallel_loop3A_23 : i32 to index
      %parallel_loop3A_80 = arith.constant 176 : index
      %parallel_loop3A_81 = tpu.vector_load %arg11[%parallel_loop3A_79, %parallel_loop3A_80] {strides = array<i32>} : memref<256x256xf32, #tpu.memory_space<vmem>>, vector<1x16xf32>,
      %parallel_loop3A_82 = vector.shape_cast %parallel_loop3A_81 : vector<1x16xf32> to vector<16xf32>
      %parallel_loop3A_83 = vector.shape_cast %broadcast_in_dim3A_3 : vector<16xf32> to vector<1x16xf32>
      tpu.vector_store %arg11[%parallel_loop3A_79, %parallel_loop3A_80], %parallel_loop3A_83 {strides = array<i32>} : memref<256x256xf32, #tpu.memory_space<vmem>>, vector<1x16xf32>,
      %parallel_loop3A_84 = arith.index_cast %parallel_loop3A_23 : i32 to index
      %parallel_loop3A_85 = arith.constant 192 : index
      %parallel_loop3A_86 = tpu.vector_load %arg11[%parallel_loop3A_84, %parallel_loop3A_85] {strides = array<i32>} : memref<256x256xf32, #tpu.memory_space<vmem>>, vector<1x16xf32>,
      %parallel_loop3A_87 = vector.shape_cast %parallel_loop3A_86 : vector<1x16xf32> to vector<16xf32>
      %parallel_loop3A_88 = vector.shape_cast %broadcast_in_dim3A_3 : vector<16xf32> to vector<1x16xf32>
      tpu.vector_store %arg11[%parallel_loop3A_84, %parallel_loop3A_85], %parallel_loop3A_88 {strides = array<i32>} : memref<256x256xf32, #tpu.memory_space<vmem>>, vector<1x16xf32>,
      %parallel_loop3A_89 = arith.index_cast %parallel_loop3A_23 : i32 to index
      %parallel_loop3A_90 = arith.constant 208 : index
      %parallel_loop3A_91 = tpu.vector_load %arg11[%parallel_loop3A_89, %parallel_loop3A_90] {strides = array<i32>} : memref<256x256xf32, #tpu.memory_space<vmem>>, vector<1x16xf32>,
      %parallel_loop3A_92 = vector.shape_cast %parallel_loop3A_91 : vector<1x16xf32> to vector<16xf32>
      %parallel_loop3A_93 = vector.shape_cast %broadcast_in_dim3A_3 : vector<16xf32> to vector<1x16xf32>
      tpu.vector_store %arg11[%parallel_loop3A_89, %parallel_loop3A_90], %parallel_loop3A_93 {strides = array<i32>} : memref<256x256xf32, #tpu.memory_space<vmem>>, vector<1x16xf32>,
      %parallel_loop3A_94 = arith.index_cast %parallel_loop3A_23 : i32 to index
      %parallel_loop3A_95 = arith.constant 224 : index
      %parallel_loop3A_96 = tpu.vector_load %arg11[%parallel_loop3A_94, %parallel_loop3A_95] {strides = array<i32>} : memref<256x256xf32, #tpu.memory_space<vmem>>, vector<1x16xf32>,
      %parallel_loop3A_97 = vector.shape_cast %parallel_loop3A_96 : vector<1x16xf32> to vector<16xf32>
      %parallel_loop3A_98 = vector.shape_cast %broadcast_in_dim3A_3 : vector<16xf32> to vector<1x16xf32>
      tpu.vector_store %arg11[%parallel_loop3A_94, %parallel_loop3A_95], %parallel_loop3A_98 {strides = array<i32>} : memref<256x256xf32, #tpu.memory_space<vmem>>, vector<1x16xf32>,
      %parallel_loop3A_99 = arith.index_cast %parallel_loop3A_23 : i32 to index
      %parallel_loop3A_100 = arith.constant 240 : index
      %parallel_loop3A_101 = tpu.vector_load %arg11[%parallel_loop3A_99, %parallel_loop3A_100] {strides = array<i32>} : memref<256x256xf32, #tpu.memory_space<vmem>>, vector<1x16xf32>,
      %parallel_loop3A_102 = vector.shape_cast %parallel_loop3A_101 : vector<1x16xf32> to vector<16xf32>
      %parallel_loop3A_103 = vector.shape_cast %broadcast_in_dim3A_3 : vector<16xf32> to vector<1x16xf32>
      tpu.vector_store %arg11[%parallel_loop3A_99, %parallel_loop3A_100], %parallel_loop3A_103 {strides = array<i32>} : memref<256x256xf32, #tpu.memory_space<vmem>>, vector<1x16xf32>,
      %parallel_loop3A_104 = arith.index_cast %parallel_loop3A_23 : i32 to index
      %parallel_loop3A_105 = arith.constant 0 : index
      %parallel_loop3A_106 = tpu.vector_load %arg12[%parallel_loop3A_104, %parallel_loop3A_105] {strides = array<i32>} : memref<256x16xf32, #tpu.memory_space<vmem>>, vector<1x16xf32>,
      %parallel_loop3A_107 = vector.shape_cast %parallel_loop3A_106 : vector<1x16xf32> to vector<16xf32>
      %parallel_loop3A_108 = vector.shape_cast %broadcast_in_dim3A_3 : vector<16xf32> to vector<1x16xf32>
      tpu.vector_store %arg12[%parallel_loop3A_104, %parallel_loop3A_105], %parallel_loop3A_108 {strides = array<i32>} : memref<256x16xf32, #tpu.memory_space<vmem>>, vector<1x16xf32>,
    } {sc.loop_unroll_factor = 1 : i64, sc.parallel_access}
    %scan3A = arith.constant 0 : i32
    %scan3A_8 = arith.constant 0 : i32
    %scan3A_9 = arith.constant 32 : i32
    %scan3A_10 = arith.addi %scan3A_8, %scan3A_9 : i32
    %scan3A_11 = arith.constant 1 : i32
    scf.for %scan3A_23 = %scan3A_8 to %scan3A_10 step %scan3A_11  : i32 {
      "tpu.region"() ({
        %run_scoped3A_91 = tpu.sem_alloc : memref<!tpu.dma_semaphore, #tpu.memory_space<semaphore_mem>>
        %dma_start3A = arith.constant 0 : i32
        %dma_start3A_92 = arith.constant 0 : i32
        %dma_start3A_93 = tpu.memref_slice %arg4[%scan3A_23, %dma_start3A, %dma_start3A_92] : memref<32x2x4096xi32, #tpu.memory_space<hbm>> -> memref<1x2x4096xi32, #tpu.memory_space<hbm>>
        %dma_start3A_94 = tpu.memref_squeeze %dma_start3A_93 : memref<1x2x4096xi32, #tpu.memory_space<hbm>> -> memref<2x4096xi32, #tpu.memory_space<hbm>>
        %dma_start3A_95 = arith.constant 0 : i32
        %dma_start3A_96 = arith.constant 0 : i32
        %dma_start3A_97 = tpu.memref_slice %arg4[%scan3A_23, %dma_start3A_95, %dma_start3A_96] : memref<32x2x4096xi32, #tpu.memory_space<hbm>> -> memref<1x2x4096xi32, #tpu.memory_space<hbm>>
        %dma_start3A_98 = tpu.memref_squeeze %dma_start3A_97 : memref<1x2x4096xi32, #tpu.memory_space<hbm>> -> memref<2x4096xi32, #tpu.memory_space<hbm>>
        tpu.enqueue_dma source(%dma_start3A_98 : memref<2x4096xi32, #tpu.memory_space<hbm>>) target(%arg7 : memref<2x4096xi32, #tpu.memory_space<vmem>>) target_semaphore(%run_scoped3A_91 : memref<!tpu.dma_semaphore, #tpu.memory_space<semaphore_mem>>)
        %dma_wait3A = arith.constant 0 : i32
        %dma_wait3A_99 = arith.constant 0 : i32
        %dma_wait3A_100 = tpu.memref_slice %arg4[%scan3A_23, %dma_wait3A, %dma_wait3A_99] : memref<32x2x4096xi32, #tpu.memory_space<hbm>> -> memref<1x2x4096xi32, #tpu.memory_space<hbm>>
        %dma_wait3A_101 = tpu.memref_squeeze %dma_wait3A_100 : memref<1x2x4096xi32, #tpu.memory_space<hbm>> -> memref<2x4096xi32, #tpu.memory_space<hbm>>
        %dma_wait3A_102 = arith.constant 0 : i32
        %dma_wait3A_103 = arith.constant 0 : i32
        %dma_wait3A_104 = tpu.memref_slice %arg4[%scan3A_23, %dma_wait3A_102, %dma_wait3A_103] : memref<32x2x4096xi32, #tpu.memory_space<hbm>> -> memref<1x2x4096xi32, #tpu.memory_space<hbm>>
        %dma_wait3A_105 = tpu.memref_squeeze %dma_wait3A_104 : memref<1x2x4096xi32, #tpu.memory_space<hbm>> -> memref<2x4096xi32, #tpu.memory_space<hbm>>
        tpu.wait_dma2 semaphore(%run_scoped3A_91 : memref<!tpu.dma_semaphore, #tpu.memory_space<semaphore_mem>>) src(%dma_wait3A_105 : memref<2x4096xi32, #tpu.memory_space<hbm>>) dst(%arg7 : memref<2x4096xi32, #tpu.memory_space<vmem>>)
        tpu.yield
      }) : () -> ()
      %scan3A_24 = arith.constant 0 : i32
      %scan3A_25 = arith.constant 0 : i32
      %scan3A_26 = arith.constant 256 : i32
      %scan3A_27 = arith.addi %scan3A_25, %scan3A_26 : i32
      %scan3A_28 = arith.constant 1 : i32
      %scan3A_29 = scf.for %scan3A_91 = %scan3A_25 to %scan3A_27 step %scan3A_28 iter_args(%scan3A_92 = %scan3A_24) -> (i32)  : i32 {
        %mul3A_93 = arith.constant 16 : i32
        %mul3A_94 = arith.muli %scan3A_91, %mul3A_93 : i32
        %get3A = arith.constant 0 : i32
        %get3A_95 = arith.index_cast %get3A : i32 to index
        %get3A_96 = arith.index_cast %mul3A_94 : i32 to index
        %get3A_97 = tpu.vector_load %arg7[%get3A_95, %get3A_96] {strides = array<i32>} : memref<2x4096xi32, #tpu.memory_space<vmem>>, vector<1x16xi32>,
        %get3A_98 = vector.shape_cast %get3A_97 : vector<1x16xi32> to vector<16xi32>
        %mul3A_99 = arith.constant 16 : i32
        %mul3A_100 = arith.muli %scan3A_91, %mul3A_99 : i32
        %get3A_101 = arith.constant 1 : i32
        %get3A_102 = arith.index_cast %get3A_101 : i32 to index
        %get3A_103 = arith.index_cast %mul3A_100 : i32 to index
        %get3A_104 = tpu.vector_load %arg7[%get3A_102, %get3A_103] {strides = array<i32>} : memref<2x4096xi32, #tpu.memory_space<vmem>>, vector<1x16xi32>,
        %get3A_105 = vector.shape_cast %get3A_104 : vector<1x16xi32> to vector<16xi32>
        %sub3A_106 = vector.broadcast %mul3A_2 : i32 to vector<16xi32>
        %sub3A_107 = arith.subi %get3A_105, %sub3A_106 : vector<16xi32>
        %sub3A_108 = arith.constant 255 : i32
        %sub3A_109 = vector.broadcast %sub3A_108 : i32 to vector<16xi32>
        %sub3A_110 = arith.subi %sub3A_109, %sub3A_107 : vector<16xi32>
        %or3A = arith.ori %sub3A_107, %sub3A_110 : vector<16xi32>
        %shift_right_arithmetic3A = arith.constant 31 : i32
        %shift_right_arithmetic3A_111 = vector.broadcast %shift_right_arithmetic3A : i32 to vector<16xi32>
        %shift_right_arithmetic3A_112 = arith.shrsi %or3A, %shift_right_arithmetic3A_111 : vector<16xi32>
        %add3A_113 = arith.constant 1 : i32
        %add3A_114 = vector.broadcast %add3A_113 : i32 to vector<16xi32>
        %add3A_115 = arith.addi %shift_right_arithmetic3A_112, %add3A_114 : vector<16xi32>
        %shift_left3A = arith.constant 8 : i32
        %shift_left3A_116 = vector.broadcast %shift_left3A : i32 to vector<16xi32>
        %shift_left3A_117 = arith.shli %get3A_98, %shift_left3A_116 : vector<16xi32>
        %add3A_118 = arith.addi %shift_left3A_117, %sub3A_107 : vector<16xi32>
        %slice3A = vector.extract_strided_slice %add3A_118 {offsets = [0], sizes = [1], strides = [1]} : vector<16xi32> to vector<1xi32>
        %squeeze3A = vector.extract %slice3A[0] : i32 from vector<1xi32>
        %broadcast_in_dim3A_119 = vector.broadcast %squeeze3A : i32 to vector<16xi32>
        %swap3A_120 = arith.index_cast %scan3A_92 : i32 to index
        %swap3A_121 = tpu.vector_load %arg8[%swap3A_120] {strides = array<i32>} : memref<4160xi32, #tpu.memory_space<vmem>>, vector<16xi32>,
        %swap3A_122 = vector.shape_cast %swap3A_121 : vector<16xi32> to vector<16xi32>
        %swap3A_123 = vector.shape_cast %broadcast_in_dim3A_119 : vector<16xi32> to vector<16xi32>
        tpu.vector_store %arg8[%swap3A_120], %swap3A_123 {strides = array<i32>} : memref<4160xi32, #tpu.memory_space<vmem>>, vector<16xi32>,
        %slice3A_124 = vector.extract_strided_slice %add3A_115 {offsets = [0], sizes = [1], strides = [1]} : vector<16xi32> to vector<1xi32>
        %squeeze3A_125 = vector.extract %slice3A_124[0] : i32 from vector<1xi32>
        %add3A_126 = arith.addi %scan3A_92, %squeeze3A_125 : i32
        %slice3A_127 = vector.extract_strided_slice %add3A_118 {offsets = [1], sizes = [1], strides = [1]} : vector<16xi32> to vector<1xi32>
        %squeeze3A_128 = vector.extract %slice3A_127[0] : i32 from vector<1xi32>
        %broadcast_in_dim3A_129 = vector.broadcast %squeeze3A_128 : i32 to vector<16xi32>
        %swap3A_130 = arith.index_cast %add3A_126 : i32 to index
        %swap3A_131 = tpu.vector_load %arg8[%swap3A_130] {strides = array<i32>} : memref<4160xi32, #tpu.memory_space<vmem>>, vector<16xi32>,
        %swap3A_132 = vector.shape_cast %swap3A_131 : vector<16xi32> to vector<16xi32>
        %swap3A_133 = vector.shape_cast %broadcast_in_dim3A_129 : vector<16xi32> to vector<16xi32>
        tpu.vector_store %arg8[%swap3A_130], %swap3A_133 {strides = array<i32>} : memref<4160xi32, #tpu.memory_space<vmem>>, vector<16xi32>,
        %slice3A_134 = vector.extract_strided_slice %add3A_115 {offsets = [1], sizes = [1], strides = [1]} : vector<16xi32> to vector<1xi32>
        %squeeze3A_135 = vector.extract %slice3A_134[0] : i32 from vector<1xi32>
        %add3A_136 = arith.addi %add3A_126, %squeeze3A_135 : i32
        %slice3A_137 = vector.extract_strided_slice %add3A_118 {offsets = [2], sizes = [1], strides = [1]} : vector<16xi32> to vector<1xi32>
        %squeeze3A_138 = vector.extract %slice3A_137[0] : i32 from vector<1xi32>
        %broadcast_in_dim3A_139 = vector.broadcast %squeeze3A_138 : i32 to vector<16xi32>
        %swap3A_140 = arith.index_cast %add3A_136 : i32 to index
        %swap3A_141 = tpu.vector_load %arg8[%swap3A_140] {strides = array<i32>} : memref<4160xi32, #tpu.memory_space<vmem>>, vector<16xi32>,
        %swap3A_142 = vector.shape_cast %swap3A_141 : vector<16xi32> to vector<16xi32>
        %swap3A_143 = vector.shape_cast %broadcast_in_dim3A_139 : vector<16xi32> to vector<16xi32>
        tpu.vector_store %arg8[%swap3A_140], %swap3A_143 {strides = array<i32>} : memref<4160xi32, #tpu.memory_space<vmem>>, vector<16xi32>,
        %slice3A_144 = vector.extract_strided_slice %add3A_115 {offsets = [2], sizes = [1], strides = [1]} : vector<16xi32> to vector<1xi32>
        %squeeze3A_145 = vector.extract %slice3A_144[0] : i32 from vector<1xi32>
        %add3A_146 = arith.addi %add3A_136, %squeeze3A_145 : i32
        %slice3A_147 = vector.extract_strided_slice %add3A_118 {offsets = [3], sizes = [1], strides = [1]} : vector<16xi32> to vector<1xi32>
        %squeeze3A_148 = vector.extract %slice3A_147[0] : i32 from vector<1xi32>
        %broadcast_in_dim3A_149 = vector.broadcast %squeeze3A_148 : i32 to vector<16xi32>
        %swap3A_150 = arith.index_cast %add3A_146 : i32 to index
        %swap3A_151 = tpu.vector_load %arg8[%swap3A_150] {strides = array<i32>} : memref<4160xi32, #tpu.memory_space<vmem>>, vector<16xi32>,
        %swap3A_152 = vector.shape_cast %swap3A_151 : vector<16xi32> to vector<16xi32>
        %swap3A_153 = vector.shape_cast %broadcast_in_dim3A_149 : vector<16xi32> to vector<16xi32>
        tpu.vector_store %arg8[%swap3A_150], %swap3A_153 {strides = array<i32>} : memref<4160xi32, #tpu.memory_space<vmem>>, vector<16xi32>,
        %slice3A_154 = vector.extract_strided_slice %add3A_115 {offsets = [3], sizes = [1], strides = [1]} : vector<16xi32> to vector<1xi32>
        %squeeze3A_155 = vector.extract %slice3A_154[0] : i32 from vector<1xi32>
        %add3A_156 = arith.addi %add3A_146, %squeeze3A_155 : i32
        %slice3A_157 = vector.extract_strided_slice %add3A_118 {offsets = [4], sizes = [1], strides = [1]} : vector<16xi32> to vector<1xi32>
        %squeeze3A_158 = vector.extract %slice3A_157[0] : i32 from vector<1xi32>
        %broadcast_in_dim3A_159 = vector.broadcast %squeeze3A_158 : i32 to vector<16xi32>
        %swap3A_160 = arith.index_cast %add3A_156 : i32 to index
        %swap3A_161 = tpu.vector_load %arg8[%swap3A_160] {strides = array<i32>} : memref<4160xi32, #tpu.memory_space<vmem>>, vector<16xi32>,
        %swap3A_162 = vector.shape_cast %swap3A_161 : vector<16xi32> to vector<16xi32>
        %swap3A_163 = vector.shape_cast %broadcast_in_dim3A_159 : vector<16xi32> to vector<16xi32>
        tpu.vector_store %arg8[%swap3A_160], %swap3A_163 {strides = array<i32>} : memref<4160xi32, #tpu.memory_space<vmem>>, vector<16xi32>,
        %slice3A_164 = vector.extract_strided_slice %add3A_115 {offsets = [4], sizes = [1], strides = [1]} : vector<16xi32> to vector<1xi32>
        %squeeze3A_165 = vector.extract %slice3A_164[0] : i32 from vector<1xi32>
        %add3A_166 = arith.addi %add3A_156, %squeeze3A_165 : i32
        %slice3A_167 = vector.extract_strided_slice %add3A_118 {offsets = [5], sizes = [1], strides = [1]} : vector<16xi32> to vector<1xi32>
        %squeeze3A_168 = vector.extract %slice3A_167[0] : i32 from vector<1xi32>
        %broadcast_in_dim3A_169 = vector.broadcast %squeeze3A_168 : i32 to vector<16xi32>
        %swap3A_170 = arith.index_cast %add3A_166 : i32 to index
        %swap3A_171 = tpu.vector_load %arg8[%swap3A_170] {strides = array<i32>} : memref<4160xi32, #tpu.memory_space<vmem>>, vector<16xi32>,
        %swap3A_172 = vector.shape_cast %swap3A_171 : vector<16xi32> to vector<16xi32>
        %swap3A_173 = vector.shape_cast %broadcast_in_dim3A_169 : vector<16xi32> to vector<16xi32>
        tpu.vector_store %arg8[%swap3A_170], %swap3A_173 {strides = array<i32>} : memref<4160xi32, #tpu.memory_space<vmem>>, vector<16xi32>,
        %slice3A_174 = vector.extract_strided_slice %add3A_115 {offsets = [5], sizes = [1], strides = [1]} : vector<16xi32> to vector<1xi32>
        %squeeze3A_175 = vector.extract %slice3A_174[0] : i32 from vector<1xi32>
        %add3A_176 = arith.addi %add3A_166, %squeeze3A_175 : i32
        %slice3A_177 = vector.extract_strided_slice %add3A_118 {offsets = [6], sizes = [1], strides = [1]} : vector<16xi32> to vector<1xi32>
        %squeeze3A_178 = vector.extract %slice3A_177[0] : i32 from vector<1xi32>
        %broadcast_in_dim3A_179 = vector.broadcast %squeeze3A_178 : i32 to vector<16xi32>
        %swap3A_180 = arith.index_cast %add3A_176 : i32 to index
        %swap3A_181 = tpu.vector_load %arg8[%swap3A_180] {strides = array<i32>} : memref<4160xi32, #tpu.memory_space<vmem>>, vector<16xi32>,
        %swap3A_182 = vector.shape_cast %swap3A_181 : vector<16xi32> to vector<16xi32>
        %swap3A_183 = vector.shape_cast %broadcast_in_dim3A_179 : vector<16xi32> to vector<16xi32>
        tpu.vector_store %arg8[%swap3A_180], %swap3A_183 {strides = array<i32>} : memref<4160xi32, #tpu.memory_space<vmem>>, vector<16xi32>,
        %slice3A_184 = vector.extract_strided_slice %add3A_115 {offsets = [6], sizes = [1], strides = [1]} : vector<16xi32> to vector<1xi32>
        %squeeze3A_185 = vector.extract %slice3A_184[0] : i32 from vector<1xi32>
        %add3A_186 = arith.addi %add3A_176, %squeeze3A_185 : i32
        %slice3A_187 = vector.extract_strided_slice %add3A_118 {offsets = [7], sizes = [1], strides = [1]} : vector<16xi32> to vector<1xi32>
        %squeeze3A_188 = vector.extract %slice3A_187[0] : i32 from vector<1xi32>
        %broadcast_in_dim3A_189 = vector.broadcast %squeeze3A_188 : i32 to vector<16xi32>
        %swap3A_190 = arith.index_cast %add3A_186 : i32 to index
        %swap3A_191 = tpu.vector_load %arg8[%swap3A_190] {strides = array<i32>} : memref<4160xi32, #tpu.memory_space<vmem>>, vector<16xi32>,
        %swap3A_192 = vector.shape_cast %swap3A_191 : vector<16xi32> to vector<16xi32>
        %swap3A_193 = vector.shape_cast %broadcast_in_dim3A_189 : vector<16xi32> to vector<16xi32>
        tpu.vector_store %arg8[%swap3A_190], %swap3A_193 {strides = array<i32>} : memref<4160xi32, #tpu.memory_space<vmem>>, vector<16xi32>,
        %slice3A_194 = vector.extract_strided_slice %add3A_115 {offsets = [7], sizes = [1], strides = [1]} : vector<16xi32> to vector<1xi32>
        %squeeze3A_195 = vector.extract %slice3A_194[0] : i32 from vector<1xi32>
        %add3A_196 = arith.addi %add3A_186, %squeeze3A_195 : i32
        %slice3A_197 = vector.extract_strided_slice %add3A_118 {offsets = [8], sizes = [1], strides = [1]} : vector<16xi32> to vector<1xi32>
        %squeeze3A_198 = vector.extract %slice3A_197[0] : i32 from vector<1xi32>
        %broadcast_in_dim3A_199 = vector.broadcast %squeeze3A_198 : i32 to vector<16xi32>
        %swap3A_200 = arith.index_cast %add3A_196 : i32 to index
        %swap3A_201 = tpu.vector_load %arg8[%swap3A_200] {strides = array<i32>} : memref<4160xi32, #tpu.memory_space<vmem>>, vector<16xi32>,
        %swap3A_202 = vector.shape_cast %swap3A_201 : vector<16xi32> to vector<16xi32>
        %swap3A_203 = vector.shape_cast %broadcast_in_dim3A_199 : vector<16xi32> to vector<16xi32>
        tpu.vector_store %arg8[%swap3A_200], %swap3A_203 {strides = array<i32>} : memref<4160xi32, #tpu.memory_space<vmem>>, vector<16xi32>,
        %slice3A_204 = vector.extract_strided_slice %add3A_115 {offsets = [8], sizes = [1], strides = [1]} : vector<16xi32> to vector<1xi32>
        %squeeze3A_205 = vector.extract %slice3A_204[0] : i32 from vector<1xi32>
        %add3A_206 = arith.addi %add3A_196, %squeeze3A_205 : i32
        %slice3A_207 = vector.extract_strided_slice %add3A_118 {offsets = [9], sizes = [1], strides = [1]} : vector<16xi32> to vector<1xi32>
        %squeeze3A_208 = vector.extract %slice3A_207[0] : i32 from vector<1xi32>
        %broadcast_in_dim3A_209 = vector.broadcast %squeeze3A_208 : i32 to vector<16xi32>
        %swap3A_210 = arith.index_cast %add3A_206 : i32 to index
        %swap3A_211 = tpu.vector_load %arg8[%swap3A_210] {strides = array<i32>} : memref<4160xi32, #tpu.memory_space<vmem>>, vector<16xi32>,
        %swap3A_212 = vector.shape_cast %swap3A_211 : vector<16xi32> to vector<16xi32>
        %swap3A_213 = vector.shape_cast %broadcast_in_dim3A_209 : vector<16xi32> to vector<16xi32>
        tpu.vector_store %arg8[%swap3A_210], %swap3A_213 {strides = array<i32>} : memref<4160xi32, #tpu.memory_space<vmem>>, vector<16xi32>,
        %slice3A_214 = vector.extract_strided_slice %add3A_115 {offsets = [9], sizes = [1], strides = [1]} : vector<16xi32> to vector<1xi32>
        %squeeze3A_215 = vector.extract %slice3A_214[0] : i32 from vector<1xi32>
        %add3A_216 = arith.addi %add3A_206, %squeeze3A_215 : i32
        %slice3A_217 = vector.extract_strided_slice %add3A_118 {offsets = [10], sizes = [1], strides = [1]} : vector<16xi32> to vector<1xi32>
        %squeeze3A_218 = vector.extract %slice3A_217[0] : i32 from vector<1xi32>
        %broadcast_in_dim3A_219 = vector.broadcast %squeeze3A_218 : i32 to vector<16xi32>
        %swap3A_220 = arith.index_cast %add3A_216 : i32 to index
        %swap3A_221 = tpu.vector_load %arg8[%swap3A_220] {strides = array<i32>} : memref<4160xi32, #tpu.memory_space<vmem>>, vector<16xi32>,
        %swap3A_222 = vector.shape_cast %swap3A_221 : vector<16xi32> to vector<16xi32>
        %swap3A_223 = vector.shape_cast %broadcast_in_dim3A_219 : vector<16xi32> to vector<16xi32>
        tpu.vector_store %arg8[%swap3A_220], %swap3A_223 {strides = array<i32>} : memref<4160xi32, #tpu.memory_space<vmem>>, vector<16xi32>,
        %slice3A_224 = vector.extract_strided_slice %add3A_115 {offsets = [10], sizes = [1], strides = [1]} : vector<16xi32> to vector<1xi32>
        %squeeze3A_225 = vector.extract %slice3A_224[0] : i32 from vector<1xi32>
        %add3A_226 = arith.addi %add3A_216, %squeeze3A_225 : i32
        %slice3A_227 = vector.extract_strided_slice %add3A_118 {offsets = [11], sizes = [1], strides = [1]} : vector<16xi32> to vector<1xi32>
        %squeeze3A_228 = vector.extract %slice3A_227[0] : i32 from vector<1xi32>
        %broadcast_in_dim3A_229 = vector.broadcast %squeeze3A_228 : i32 to vector<16xi32>
        %swap3A_230 = arith.index_cast %add3A_226 : i32 to index
        %swap3A_231 = tpu.vector_load %arg8[%swap3A_230] {strides = array<i32>} : memref<4160xi32, #tpu.memory_space<vmem>>, vector<16xi32>,
        %swap3A_232 = vector.shape_cast %swap3A_231 : vector<16xi32> to vector<16xi32>
        %swap3A_233 = vector.shape_cast %broadcast_in_dim3A_229 : vector<16xi32> to vector<16xi32>
        tpu.vector_store %arg8[%swap3A_230], %swap3A_233 {strides = array<i32>} : memref<4160xi32, #tpu.memory_space<vmem>>, vector<16xi32>,
        %slice3A_234 = vector.extract_strided_slice %add3A_115 {offsets = [11], sizes = [1], strides = [1]} : vector<16xi32> to vector<1xi32>
        %squeeze3A_235 = vector.extract %slice3A_234[0] : i32 from vector<1xi32>
        %add3A_236 = arith.addi %add3A_226, %squeeze3A_235 : i32
        %slice3A_237 = vector.extract_strided_slice %add3A_118 {offsets = [12], sizes = [1], strides = [1]} : vector<16xi32> to vector<1xi32>
        %squeeze3A_238 = vector.extract %slice3A_237[0] : i32 from vector<1xi32>
        %broadcast_in_dim3A_239 = vector.broadcast %squeeze3A_238 : i32 to vector<16xi32>
        %swap3A_240 = arith.index_cast %add3A_236 : i32 to index
        %swap3A_241 = tpu.vector_load %arg8[%swap3A_240] {strides = array<i32>} : memref<4160xi32, #tpu.memory_space<vmem>>, vector<16xi32>,
        %swap3A_242 = vector.shape_cast %swap3A_241 : vector<16xi32> to vector<16xi32>
        %swap3A_243 = vector.shape_cast %broadcast_in_dim3A_239 : vector<16xi32> to vector<16xi32>
        tpu.vector_store %arg8[%swap3A_240], %swap3A_243 {strides = array<i32>} : memref<4160xi32, #tpu.memory_space<vmem>>, vector<16xi32>,
        %slice3A_244 = vector.extract_strided_slice %add3A_115 {offsets = [12], sizes = [1], strides = [1]} : vector<16xi32> to vector<1xi32>
        %squeeze3A_245 = vector.extract %slice3A_244[0] : i32 from vector<1xi32>
        %add3A_246 = arith.addi %add3A_236, %squeeze3A_245 : i32
        %slice3A_247 = vector.extract_strided_slice %add3A_118 {offsets = [13], sizes = [1], strides = [1]} : vector<16xi32> to vector<1xi32>
        %squeeze3A_248 = vector.extract %slice3A_247[0] : i32 from vector<1xi32>
        %broadcast_in_dim3A_249 = vector.broadcast %squeeze3A_248 : i32 to vector<16xi32>
        %swap3A_250 = arith.index_cast %add3A_246 : i32 to index
        %swap3A_251 = tpu.vector_load %arg8[%swap3A_250] {strides = array<i32>} : memref<4160xi32, #tpu.memory_space<vmem>>, vector<16xi32>,
        %swap3A_252 = vector.shape_cast %swap3A_251 : vector<16xi32> to vector<16xi32>
        %swap3A_253 = vector.shape_cast %broadcast_in_dim3A_249 : vector<16xi32> to vector<16xi32>
        tpu.vector_store %arg8[%swap3A_250], %swap3A_253 {strides = array<i32>} : memref<4160xi32, #tpu.memory_space<vmem>>, vector<16xi32>,
        %slice3A_254 = vector.extract_strided_slice %add3A_115 {offsets = [13], sizes = [1], strides = [1]} : vector<16xi32> to vector<1xi32>
        %squeeze3A_255 = vector.extract %slice3A_254[0] : i32 from vector<1xi32>
        %add3A_256 = arith.addi %add3A_246, %squeeze3A_255 : i32
        %slice3A_257 = vector.extract_strided_slice %add3A_118 {offsets = [14], sizes = [1], strides = [1]} : vector<16xi32> to vector<1xi32>
        %squeeze3A_258 = vector.extract %slice3A_257[0] : i32 from vector<1xi32>
        %broadcast_in_dim3A_259 = vector.broadcast %squeeze3A_258 : i32 to vector<16xi32>
        %swap3A_260 = arith.index_cast %add3A_256 : i32 to index
        %swap3A_261 = tpu.vector_load %arg8[%swap3A_260] {strides = array<i32>} : memref<4160xi32, #tpu.memory_space<vmem>>, vector<16xi32>,
        %swap3A_262 = vector.shape_cast %swap3A_261 : vector<16xi32> to vector<16xi32>
        %swap3A_263 = vector.shape_cast %broadcast_in_dim3A_259 : vector<16xi32> to vector<16xi32>
        tpu.vector_store %arg8[%swap3A_260], %swap3A_263 {strides = array<i32>} : memref<4160xi32, #tpu.memory_space<vmem>>, vector<16xi32>,
        %slice3A_264 = vector.extract_strided_slice %add3A_115 {offsets = [14], sizes = [1], strides = [1]} : vector<16xi32> to vector<1xi32>
        %squeeze3A_265 = vector.extract %slice3A_264[0] : i32 from vector<1xi32>
        %add3A_266 = arith.addi %add3A_256, %squeeze3A_265 : i32
        %slice3A_267 = vector.extract_strided_slice %add3A_118 {offsets = [15], sizes = [1], strides = [1]} : vector<16xi32> to vector<1xi32>
        %squeeze3A_268 = vector.extract %slice3A_267[0] : i32 from vector<1xi32>
        %broadcast_in_dim3A_269 = vector.broadcast %squeeze3A_268 : i32 to vector<16xi32>
        %swap3A_270 = arith.index_cast %add3A_266 : i32 to index
        %swap3A_271 = tpu.vector_load %arg8[%swap3A_270] {strides = array<i32>} : memref<4160xi32, #tpu.memory_space<vmem>>, vector<16xi32>,
        %swap3A_272 = vector.shape_cast %swap3A_271 : vector<16xi32> to vector<16xi32>
        %swap3A_273 = vector.shape_cast %broadcast_in_dim3A_269 : vector<16xi32> to vector<16xi32>
        tpu.vector_store %arg8[%swap3A_270], %swap3A_273 {strides = array<i32>} : memref<4160xi32, #tpu.memory_space<vmem>>, vector<16xi32>,
        %slice3A_274 = vector.extract_strided_slice %add3A_115 {offsets = [15], sizes = [1], strides = [1]} : vector<16xi32> to vector<1xi32>
        %squeeze3A_275 = vector.extract %slice3A_274[0] : i32 from vector<1xi32>
        %add3A_276 = arith.addi %add3A_266, %squeeze3A_275 : i32
        scf.yield %add3A_276 : i32
      }
      %scan3A_30 = arith.constant 256 : i32
      %broadcast_in_dim3A_31 = arith.constant 0 : i32
      %broadcast_in_dim3A_32 = vector.broadcast %broadcast_in_dim3A_31 : i32 to vector<16xi32>
      %add3A_33 = arith.constant 0 : i32
      %add3A_34 = arith.addi %scan3A_29, %add3A_33 : i32
      %swap3A = arith.index_cast %add3A_34 : i32 to index
      %swap3A_35 = tpu.vector_load %arg8[%swap3A] {strides = array<i32>} : memref<4160xi32, #tpu.memory_space<vmem>>, vector<16xi32>,
      %swap3A_36 = vector.shape_cast %swap3A_35 : vector<16xi32> to vector<16xi32>
      %swap3A_37 = vector.shape_cast %broadcast_in_dim3A_32 : vector<16xi32> to vector<16xi32>
      tpu.vector_store %arg8[%swap3A], %swap3A_37 {strides = array<i32>} : memref<4160xi32, #tpu.memory_space<vmem>>, vector<16xi32>,
      %broadcast_in_dim3A_38 = arith.constant 0 : i32
      %broadcast_in_dim3A_39 = vector.broadcast %broadcast_in_dim3A_38 : i32 to vector<16xi32>
      %add3A_40 = arith.constant 16 : i32
      %add3A_41 = arith.addi %scan3A_29, %add3A_40 : i32
      %swap3A_42 = arith.index_cast %add3A_41 : i32 to index
      %swap3A_43 = tpu.vector_load %arg8[%swap3A_42] {strides = array<i32>} : memref<4160xi32, #tpu.memory_space<vmem>>, vector<16xi32>,
      %swap3A_44 = vector.shape_cast %swap3A_43 : vector<16xi32> to vector<16xi32>
      %swap3A_45 = vector.shape_cast %broadcast_in_dim3A_39 : vector<16xi32> to vector<16xi32>
      tpu.vector_store %arg8[%swap3A_42], %swap3A_45 {strides = array<i32>} : memref<4160xi32, #tpu.memory_space<vmem>>, vector<16xi32>,
      %broadcast_in_dim3A_46 = arith.constant 0 : i32
      %broadcast_in_dim3A_47 = vector.broadcast %broadcast_in_dim3A_46 : i32 to vector<16xi32>
      %add3A_48 = arith.constant 32 : i32
      %add3A_49 = arith.addi %scan3A_29, %add3A_48 : i32
      %swap3A_50 = arith.index_cast %add3A_49 : i32 to index
      %swap3A_51 = tpu.vector_load %arg8[%swap3A_50] {strides = array<i32>} : memref<4160xi32, #tpu.memory_space<vmem>>, vector<16xi32>,
      %swap3A_52 = vector.shape_cast %swap3A_51 : vector<16xi32> to vector<16xi32>
      %swap3A_53 = vector.shape_cast %broadcast_in_dim3A_47 : vector<16xi32> to vector<16xi32>
      tpu.vector_store %arg8[%swap3A_50], %swap3A_53 {strides = array<i32>} : memref<4160xi32, #tpu.memory_space<vmem>>, vector<16xi32>,
      %broadcast_in_dim3A_54 = arith.constant 0 : i32
      %broadcast_in_dim3A_55 = vector.broadcast %broadcast_in_dim3A_54 : i32 to vector<16xi32>
      %add3A_56 = arith.constant 48 : i32
      %add3A_57 = arith.addi %scan3A_29, %add3A_56 : i32
      %swap3A_58 = arith.index_cast %add3A_57 : i32 to index
      %swap3A_59 = tpu.vector_load %arg8[%swap3A_58] {strides = array<i32>} : memref<4160xi32, #tpu.memory_space<vmem>>, vector<16xi32>,
      %swap3A_60 = vector.shape_cast %swap3A_59 : vector<16xi32> to vector<16xi32>
      %swap3A_61 = vector.shape_cast %broadcast_in_dim3A_55 : vector<16xi32> to vector<16xi32>
      tpu.vector_store %arg8[%swap3A_58], %swap3A_61 {strides = array<i32>} : memref<4160xi32, #tpu.memory_space<vmem>>, vector<16xi32>,
      %add3A_62 = arith.constant 64 : i32
      %add3A_63 = arith.addi %scan3A_29, %add3A_62 : i32
      %sub3A = arith.constant 1 : i32
      %sub3A_64 = arith.subi %add3A_63, %sub3A : i32
      %jit3A = arith.constant 64 : i32
      %div3A = arith.divsi %sub3A_64, %jit3A : i32
      %sign3A = arith.constant 0 : i32
      %sign3A_65 = arith.cmpi sgt, %sub3A_64, %sign3A : i32
      %sign3A_66 = arith.extui %sign3A_65 : i1 to i32
      %sign3A_67 = arith.constant 0 : i32
      %sign3A_68 = arith.cmpi slt, %sub3A_64, %sign3A_67 : i32
      %sign3A_69 = arith.extui %sign3A_68 : i1 to i32
      %sign3A_70 = arith.subi %sign3A_66, %sign3A_69 : i32
      %sign3A_71 = arith.constant 0 : i32
      %sign3A_72 = arith.cmpi sgt, %jit3A, %sign3A_71 : i32
      %sign3A_73 = arith.extui %sign3A_72 : i1 to i32
      %sign3A_74 = arith.constant 0 : i32
      %sign3A_75 = arith.cmpi slt, %jit3A, %sign3A_74 : i32
      %sign3A_76 = arith.extui %sign3A_75 : i1 to i32
      %sign3A_77 = arith.subi %sign3A_73, %sign3A_76 : i32
      %ne3A = arith.cmpi ne, %sign3A_70, %sign3A_77 : i32
      %rem3A = arith.remsi %sub3A_64, %jit3A : i32
      %ne3A_78 = arith.constant 0 : i32
      %ne3A_79 = arith.cmpi ne, %rem3A, %ne3A_78 : i32
      %and3A = arith.andi %ne3A, %ne3A_79 : i1
      %sub3A_80 = arith.constant 1 : i32
      %sub3A_81 = arith.subi %div3A, %sub3A_80 : i32
      %select_n3A = arith.select %and3A, %sub3A_81, %div3A : i32
      %while3A = arith.constant 0 : i32
      %while3A_82 = arith.constant 0 : i32
      %while3A_83 = arith.subi %select_n3A, %while3A_82 : i32
      %while3A_84 = arith.addi %while3A_82, %while3A_83 : i32
      %while3A_85 = arith.constant 1 : i32
      %while3A_86 = arith.divsi %while3A_83, %while3A_85 : i32
      %while3A_87 = arith.muli %while3A_86, %while3A_85 : i32
      %while3A_88 = arith.addi %while3A_82, %while3A_87 : i32
      %while3A_89 = arith.constant 1 : i32
      scf.for %while3A_91 = %while3A_82 to %while3A_88 step %while3A_89  : i32 {
        %mul3A_92 = arith.constant 64 : i32
        %mul3A_93 = arith.muli %while3A_91, %mul3A_92 : i32
        %add3A_94 = arith.constant 0 : i32
        %add3A_95 = arith.addi %mul3A_93, %add3A_94 : i32
        %get3A = arith.index_cast %add3A_95 : i32 to index
        %get3A_96 = tpu.vector_load %arg8[%get3A] {strides = array<i32>} : memref<4160xi32, #tpu.memory_space<vmem>>, vector<16xi32>,
        %get3A_97 = vector.shape_cast %get3A_96 : vector<16xi32> to vector<16xi32>
        %shift_right_arithmetic3A = arith.constant 8 : i32
        %shift_right_arithmetic3A_98 = vector.broadcast %shift_right_arithmetic3A : i32 to vector<16xi32>
        %shift_right_arithmetic3A_99 = arith.shrsi %get3A_97, %shift_right_arithmetic3A_98 : vector<16xi32>
        %swap3A_100 = arith.constant 0 : index
        %swap3A_101 = tpu.vector_load %arg9[%swap3A_100] {strides = array<i32>} : memref<64xi32, #tpu.memory_space<vmem>>, vector<16xi32>,
        %swap3A_102 = vector.shape_cast %swap3A_101 : vector<16xi32> to vector<16xi32>
        %swap3A_103 = vector.shape_cast %shift_right_arithmetic3A_99 : vector<16xi32> to vector<16xi32>
        tpu.vector_store %arg9[%swap3A_100], %swap3A_103 {strides = array<i32>} : memref<64xi32, #tpu.memory_space<vmem>>, vector<16xi32>,
        %mul3A_104 = arith.constant 64 : i32
        %mul3A_105 = arith.muli %while3A_91, %mul3A_104 : i32
        %add3A_106 = arith.constant 16 : i32
        %add3A_107 = arith.addi %mul3A_105, %add3A_106 : i32
        %get3A_108 = arith.index_cast %add3A_107 : i32 to index
        %get3A_109 = tpu.vector_load %arg8[%get3A_108] {strides = array<i32>} : memref<4160xi32, #tpu.memory_space<vmem>>, vector<16xi32>,
        %get3A_110 = vector.shape_cast %get3A_109 : vector<16xi32> to vector<16xi32>
        %shift_right_arithmetic3A_111 = arith.constant 8 : i32
        %shift_right_arithmetic3A_112 = vector.broadcast %shift_right_arithmetic3A_111 : i32 to vector<16xi32>
        %shift_right_arithmetic3A_113 = arith.shrsi %get3A_110, %shift_right_arithmetic3A_112 : vector<16xi32>
        %swap3A_114 = arith.constant 16 : index
        %swap3A_115 = tpu.vector_load %arg9[%swap3A_114] {strides = array<i32>} : memref<64xi32, #tpu.memory_space<vmem>>, vector<16xi32>,
        %swap3A_116 = vector.shape_cast %swap3A_115 : vector<16xi32> to vector<16xi32>
        %swap3A_117 = vector.shape_cast %shift_right_arithmetic3A_113 : vector<16xi32> to vector<16xi32>
        tpu.vector_store %arg9[%swap3A_114], %swap3A_117 {strides = array<i32>} : memref<64xi32, #tpu.memory_space<vmem>>, vector<16xi32>,
        %mul3A_118 = arith.constant 64 : i32
        %mul3A_119 = arith.muli %while3A_91, %mul3A_118 : i32
        %add3A_120 = arith.constant 32 : i32
        %add3A_121 = arith.addi %mul3A_119, %add3A_120 : i32
        %get3A_122 = arith.index_cast %add3A_121 : i32 to index
        %get3A_123 = tpu.vector_load %arg8[%get3A_122] {strides = array<i32>} : memref<4160xi32, #tpu.memory_space<vmem>>, vector<16xi32>,
        %get3A_124 = vector.shape_cast %get3A_123 : vector<16xi32> to vector<16xi32>
        %shift_right_arithmetic3A_125 = arith.constant 8 : i32
        %shift_right_arithmetic3A_126 = vector.broadcast %shift_right_arithmetic3A_125 : i32 to vector<16xi32>
        %shift_right_arithmetic3A_127 = arith.shrsi %get3A_124, %shift_right_arithmetic3A_126 : vector<16xi32>
        %swap3A_128 = arith.constant 32 : index
        %swap3A_129 = tpu.vector_load %arg9[%swap3A_128] {strides = array<i32>} : memref<64xi32, #tpu.memory_space<vmem>>, vector<16xi32>,
        %swap3A_130 = vector.shape_cast %swap3A_129 : vector<16xi32> to vector<16xi32>
        %swap3A_131 = vector.shape_cast %shift_right_arithmetic3A_127 : vector<16xi32> to vector<16xi32>
        tpu.vector_store %arg9[%swap3A_128], %swap3A_131 {strides = array<i32>} : memref<64xi32, #tpu.memory_space<vmem>>, vector<16xi32>,
        %mul3A_132 = arith.constant 64 : i32
        %mul3A_133 = arith.muli %while3A_91, %mul3A_132 : i32
        %add3A_134 = arith.constant 48 : i32
        %add3A_135 = arith.addi %mul3A_133, %add3A_134 : i32
        %get3A_136 = arith.index_cast %add3A_135 : i32 to index
        %get3A_137 = tpu.vector_load %arg8[%get3A_136] {strides = array<i32>} : memref<4160xi32, #tpu.memory_space<vmem>>, vector<16xi32>,
        %get3A_138 = vector.shape_cast %get3A_137 : vector<16xi32> to vector<16xi32>
        %shift_right_arithmetic3A_139 = arith.constant 8 : i32
        %shift_right_arithmetic3A_140 = vector.broadcast %shift_right_arithmetic3A_139 : i32 to vector<16xi32>
        %shift_right_arithmetic3A_141 = arith.shrsi %get3A_138, %shift_right_arithmetic3A_140 : vector<16xi32>
        %swap3A_142 = arith.constant 48 : index
        %swap3A_143 = tpu.vector_load %arg9[%swap3A_142] {strides = array<i32>} : memref<64xi32, #tpu.memory_space<vmem>>, vector<16xi32>,
        %swap3A_144 = vector.shape_cast %swap3A_143 : vector<16xi32> to vector<16xi32>
        %swap3A_145 = vector.shape_cast %shift_right_arithmetic3A_141 : vector<16xi32> to vector<16xi32>
        tpu.vector_store %arg9[%swap3A_142], %swap3A_145 {strides = array<i32>} : memref<64xi32, #tpu.memory_space<vmem>>, vector<16xi32>,
        "tpu.region"() ({
          %run_scoped3A_152 = tpu.sem_alloc : memref<!tpu.dma_semaphore, #tpu.memory_space<semaphore_mem>>
          %dma_start3A = arith.constant 0 : i32
          %dma_start3A_153 = arith.constant 0 : i32
          %dma_start3A_154 = tpu.memref_slice %arg2[%dma_start3A, %dma_start3A_153] : memref<8192x256xf32, #tpu.memory_space<hbm>> -> memref<8192x256xf32, #tpu.memory_space<hbm>>
          tpu.enqueue_indirect_dma source(%dma_start3A_154 : memref<8192x256xf32, #tpu.memory_space<hbm>>) target(%arg10 : memref<64x256xf32, #tpu.memory_space<vmem>>) offsets(%arg9 : memref<64xi32, #tpu.memory_space<vmem>>) semaphore(%run_scoped3A_152 : memref<!tpu.dma_semaphore, #tpu.memory_space<semaphore_mem>>)
          %dma_wait3A = arith.constant 0 : i32
          %dma_wait3A_155 = arith.constant 0 : i32
          %dma_wait3A_156 = tpu.memref_slice %arg2[%dma_wait3A, %dma_wait3A_155] : memref<8192x256xf32, #tpu.memory_space<hbm>> -> memref<8192x256xf32, #tpu.memory_space<hbm>>
          tpu.wait_indirect_dma semaphore(%run_scoped3A_152 : memref<!tpu.dma_semaphore, #tpu.memory_space<semaphore_mem>>) src(%dma_wait3A_156 : memref<8192x256xf32, #tpu.memory_space<hbm>>) dst(%arg10 : memref<64x256xf32, #tpu.memory_space<vmem>>)
          tpu.yield
        }) : () -> ()
        %mul3A_146 = arith.constant 64 : i32
        %mul3A_147 = arith.muli %while3A_91, %mul3A_146 : i32
        %sub3A_148 = arith.subi %scan3A_29, %mul3A_147 : i32
        %min3A = arith.constant 64 : i32
        %min3A_149 = arith.minsi %sub3A_148, %min3A : i32
        %parallel_loop3A_150 = arith.constant 0 : i32
        %parallel_loop3A_151 = arith.constant 1 : i32
        scf.for %parallel_loop3A_152 = %parallel_loop3A_150 to %min3A_149 step %parallel_loop3A_151  : i32 {
          %parallel_loop3A_153 = arith.constant 64 : i32
          %parallel_loop3A_154 = arith.muli %while3A_91, %parallel_loop3A_153 : i32
          %parallel_loop3A_155 = arith.addi %parallel_loop3A_154, %parallel_loop3A_152 : i32
          %parallel_loop3A_156 = arith.index_cast %parallel_loop3A_155 : i32 to index
          %parallel_loop3A_157 = tpu.vector_load %arg8[%parallel_loop3A_156] {strides = array<i32>} : memref<4160xi32, #tpu.memory_space<vmem>>, vector<16xi32>,
          %parallel_loop3A_158 = vector.shape_cast %parallel_loop3A_157 : vector<16xi32> to vector<16xi32>
          %parallel_loop3A_159 = vector.extract_strided_slice %parallel_loop3A_158 {offsets = [0], sizes = [1], strides = [1]} : vector<16xi32> to vector<1xi32>
          %parallel_loop3A_160 = vector.extract %parallel_loop3A_159[0] : i32 from vector<1xi32>
          %parallel_loop3A_161 = arith.constant 255 : i32
          %parallel_loop3A_162 = arith.andi %parallel_loop3A_160, %parallel_loop3A_161 : i32
          %parallel_loop3A_163 = arith.index_cast %parallel_loop3A_152 : i32 to index
          %parallel_loop3A_164 = arith.constant 0 : index
          %parallel_loop3A_165 = tpu.vector_load %arg10[%parallel_loop3A_163, %parallel_loop3A_164] {strides = array<i32>} : memref<64x256xf32, #tpu.memory_space<vmem>>, vector<1x16xf32>,
          %parallel_loop3A_166 = vector.shape_cast %parallel_loop3A_165 : vector<1x16xf32> to vector<16xf32>
          %parallel_loop3A_167 = arith.index_cast %parallel_loop3A_162 : i32 to index
          %parallel_loop3A_168 = arith.constant 0 : index
          %parallel_loop3A_169 = tpu.vector_load %arg11[%parallel_loop3A_167, %parallel_loop3A_168] {strides = array<i32>} : memref<256x256xf32, #tpu.memory_space<vmem>>, vector<1x16xf32>,
          %parallel_loop3A_170 = vector.shape_cast %parallel_loop3A_169 : vector<1x16xf32> to vector<16xf32>
          %parallel_loop3A_171 = vector.shape_cast %parallel_loop3A_166 : vector<16xf32> to vector<1x16xf32>
          tpu.vector_store %arg11[%parallel_loop3A_167, %parallel_loop3A_168], %parallel_loop3A_171 {add = true, strides = array<i32>} : memref<256x256xf32, #tpu.memory_space<vmem>>, vector<1x16xf32>,
          %parallel_loop3A_172 = arith.index_cast %parallel_loop3A_152 : i32 to index
          %parallel_loop3A_173 = arith.constant 16 : index
          %parallel_loop3A_174 = tpu.vector_load %arg10[%parallel_loop3A_172, %parallel_loop3A_173] {strides = array<i32>} : memref<64x256xf32, #tpu.memory_space<vmem>>, vector<1x16xf32>,
          %parallel_loop3A_175 = vector.shape_cast %parallel_loop3A_174 : vector<1x16xf32> to vector<16xf32>
          %parallel_loop3A_176 = arith.index_cast %parallel_loop3A_162 : i32 to index
          %parallel_loop3A_177 = arith.constant 16 : index
          %parallel_loop3A_178 = tpu.vector_load %arg11[%parallel_loop3A_176, %parallel_loop3A_177] {strides = array<i32>} : memref<256x256xf32, #tpu.memory_space<vmem>>, vector<1x16xf32>,
          %parallel_loop3A_179 = vector.shape_cast %parallel_loop3A_178 : vector<1x16xf32> to vector<16xf32>
          %parallel_loop3A_180 = vector.shape_cast %parallel_loop3A_175 : vector<16xf32> to vector<1x16xf32>
          tpu.vector_store %arg11[%parallel_loop3A_176, %parallel_loop3A_177], %parallel_loop3A_180 {add = true, strides = array<i32>} : memref<256x256xf32, #tpu.memory_space<vmem>>, vector<1x16xf32>,
          %parallel_loop3A_181 = arith.index_cast %parallel_loop3A_152 : i32 to index
          %parallel_loop3A_182 = arith.constant 32 : index
          %parallel_loop3A_183 = tpu.vector_load %arg10[%parallel_loop3A_181, %parallel_loop3A_182] {strides = array<i32>} : memref<64x256xf32, #tpu.memory_space<vmem>>, vector<1x16xf32>,
          %parallel_loop3A_184 = vector.shape_cast %parallel_loop3A_183 : vector<1x16xf32> to vector<16xf32>
          %parallel_loop3A_185 = arith.index_cast %parallel_loop3A_162 : i32 to index
          %parallel_loop3A_186 = arith.constant 32 : index
          %parallel_loop3A_187 = tpu.vector_load %arg11[%parallel_loop3A_185, %parallel_loop3A_186] {strides = array<i32>} : memref<256x256xf32, #tpu.memory_space<vmem>>, vector<1x16xf32>,
          %parallel_loop3A_188 = vector.shape_cast %parallel_loop3A_187 : vector<1x16xf32> to vector<16xf32>
          %parallel_loop3A_189 = vector.shape_cast %parallel_loop3A_184 : vector<16xf32> to vector<1x16xf32>
          tpu.vector_store %arg11[%parallel_loop3A_185, %parallel_loop3A_186], %parallel_loop3A_189 {add = true, strides = array<i32>} : memref<256x256xf32, #tpu.memory_space<vmem>>, vector<1x16xf32>,
          %parallel_loop3A_190 = arith.index_cast %parallel_loop3A_152 : i32 to index
          %parallel_loop3A_191 = arith.constant 48 : index
          %parallel_loop3A_192 = tpu.vector_load %arg10[%parallel_loop3A_190, %parallel_loop3A_191] {strides = array<i32>} : memref<64x256xf32, #tpu.memory_space<vmem>>, vector<1x16xf32>,
          %parallel_loop3A_193 = vector.shape_cast %parallel_loop3A_192 : vector<1x16xf32> to vector<16xf32>
          %parallel_loop3A_194 = arith.index_cast %parallel_loop3A_162 : i32 to index
          %parallel_loop3A_195 = arith.constant 48 : index
          %parallel_loop3A_196 = tpu.vector_load %arg11[%parallel_loop3A_194, %parallel_loop3A_195] {strides = array<i32>} : memref<256x256xf32, #tpu.memory_space<vmem>>, vector<1x16xf32>,
          %parallel_loop3A_197 = vector.shape_cast %parallel_loop3A_196 : vector<1x16xf32> to vector<16xf32>
          %parallel_loop3A_198 = vector.shape_cast %parallel_loop3A_193 : vector<16xf32> to vector<1x16xf32>
          tpu.vector_store %arg11[%parallel_loop3A_194, %parallel_loop3A_195], %parallel_loop3A_198 {add = true, strides = array<i32>} : memref<256x256xf32, #tpu.memory_space<vmem>>, vector<1x16xf32>,
          %parallel_loop3A_199 = arith.index_cast %parallel_loop3A_152 : i32 to index
          %parallel_loop3A_200 = arith.constant 64 : index
          %parallel_loop3A_201 = tpu.vector_load %arg10[%parallel_loop3A_199, %parallel_loop3A_200] {strides = array<i32>} : memref<64x256xf32, #tpu.memory_space<vmem>>, vector<1x16xf32>,
          %parallel_loop3A_202 = vector.shape_cast %parallel_loop3A_201 : vector<1x16xf32> to vector<16xf32>
          %parallel_loop3A_203 = arith.index_cast %parallel_loop3A_162 : i32 to index
          %parallel_loop3A_204 = arith.constant 64 : index
          %parallel_loop3A_205 = tpu.vector_load %arg11[%parallel_loop3A_203, %parallel_loop3A_204] {strides = array<i32>} : memref<256x256xf32, #tpu.memory_space<vmem>>, vector<1x16xf32>,
          %parallel_loop3A_206 = vector.shape_cast %parallel_loop3A_205 : vector<1x16xf32> to vector<16xf32>
          %parallel_loop3A_207 = vector.shape_cast %parallel_loop3A_202 : vector<16xf32> to vector<1x16xf32>
          tpu.vector_store %arg11[%parallel_loop3A_203, %parallel_loop3A_204], %parallel_loop3A_207 {add = true, strides = array<i32>} : memref<256x256xf32, #tpu.memory_space<vmem>>, vector<1x16xf32>,
          %parallel_loop3A_208 = arith.index_cast %parallel_loop3A_152 : i32 to index
          %parallel_loop3A_209 = arith.constant 80 : index
          %parallel_loop3A_210 = tpu.vector_load %arg10[%parallel_loop3A_208, %parallel_loop3A_209] {strides = array<i32>} : memref<64x256xf32, #tpu.memory_space<vmem>>, vector<1x16xf32>,
          %parallel_loop3A_211 = vector.shape_cast %parallel_loop3A_210 : vector<1x16xf32> to vector<16xf32>
          %parallel_loop3A_212 = arith.index_cast %parallel_loop3A_162 : i32 to index
          %parallel_loop3A_213 = arith.constant 80 : index
          %parallel_loop3A_214 = tpu.vector_load %arg11[%parallel_loop3A_212, %parallel_loop3A_213] {strides = array<i32>} : memref<256x256xf32, #tpu.memory_space<vmem>>, vector<1x16xf32>,
          %parallel_loop3A_215 = vector.shape_cast %parallel_loop3A_214 : vector<1x16xf32> to vector<16xf32>
          %parallel_loop3A_216 = vector.shape_cast %parallel_loop3A_211 : vector<16xf32> to vector<1x16xf32>
          tpu.vector_store %arg11[%parallel_loop3A_212, %parallel_loop3A_213], %parallel_loop3A_216 {add = true, strides = array<i32>} : memref<256x256xf32, #tpu.memory_space<vmem>>, vector<1x16xf32>,
          %parallel_loop3A_217 = arith.index_cast %parallel_loop3A_152 : i32 to index
          %parallel_loop3A_218 = arith.constant 96 : index
          %parallel_loop3A_219 = tpu.vector_load %arg10[%parallel_loop3A_217, %parallel_loop3A_218] {strides = array<i32>} : memref<64x256xf32, #tpu.memory_space<vmem>>, vector<1x16xf32>,
          %parallel_loop3A_220 = vector.shape_cast %parallel_loop3A_219 : vector<1x16xf32> to vector<16xf32>
          %parallel_loop3A_221 = arith.index_cast %parallel_loop3A_162 : i32 to index
          %parallel_loop3A_222 = arith.constant 96 : index
          %parallel_loop3A_223 = tpu.vector_load %arg11[%parallel_loop3A_221, %parallel_loop3A_222] {strides = array<i32>} : memref<256x256xf32, #tpu.memory_space<vmem>>, vector<1x16xf32>,
          %parallel_loop3A_224 = vector.shape_cast %parallel_loop3A_223 : vector<1x16xf32> to vector<16xf32>
          %parallel_loop3A_225 = vector.shape_cast %parallel_loop3A_220 : vector<16xf32> to vector<1x16xf32>
          tpu.vector_store %arg11[%parallel_loop3A_221, %parallel_loop3A_222], %parallel_loop3A_225 {add = true, strides = array<i32>} : memref<256x256xf32, #tpu.memory_space<vmem>>, vector<1x16xf32>,
          %parallel_loop3A_226 = arith.index_cast %parallel_loop3A_152 : i32 to index
          %parallel_loop3A_227 = arith.constant 112 : index
          %parallel_loop3A_228 = tpu.vector_load %arg10[%parallel_loop3A_226, %parallel_loop3A_227] {strides = array<i32>} : memref<64x256xf32, #tpu.memory_space<vmem>>, vector<1x16xf32>,
          %parallel_loop3A_229 = vector.shape_cast %parallel_loop3A_228 : vector<1x16xf32> to vector<16xf32>
          %parallel_loop3A_230 = arith.index_cast %parallel_loop3A_162 : i32 to index
          %parallel_loop3A_231 = arith.constant 112 : index
          %parallel_loop3A_232 = tpu.vector_load %arg11[%parallel_loop3A_230, %parallel_loop3A_231] {strides = array<i32>} : memref<256x256xf32, #tpu.memory_space<vmem>>, vector<1x16xf32>,
          %parallel_loop3A_233 = vector.shape_cast %parallel_loop3A_232 : vector<1x16xf32> to vector<16xf32>
          %parallel_loop3A_234 = vector.shape_cast %parallel_loop3A_229 : vector<16xf32> to vector<1x16xf32>
          tpu.vector_store %arg11[%parallel_loop3A_230, %parallel_loop3A_231], %parallel_loop3A_234 {add = true, strides = array<i32>} : memref<256x256xf32, #tpu.memory_space<vmem>>, vector<1x16xf32>,
          %parallel_loop3A_235 = arith.index_cast %parallel_loop3A_152 : i32 to index
          %parallel_loop3A_236 = arith.constant 128 : index
          %parallel_loop3A_237 = tpu.vector_load %arg10[%parallel_loop3A_235, %parallel_loop3A_236] {strides = array<i32>} : memref<64x256xf32, #tpu.memory_space<vmem>>, vector<1x16xf32>,
          %parallel_loop3A_238 = vector.shape_cast %parallel_loop3A_237 : vector<1x16xf32> to vector<16xf32>
          %parallel_loop3A_239 = arith.index_cast %parallel_loop3A_162 : i32 to index
          %parallel_loop3A_240 = arith.constant 128 : index
          %parallel_loop3A_241 = tpu.vector_load %arg11[%parallel_loop3A_239, %parallel_loop3A_240] {strides = array<i32>} : memref<256x256xf32, #tpu.memory_space<vmem>>, vector<1x16xf32>,
          %parallel_loop3A_242 = vector.shape_cast %parallel_loop3A_241 : vector<1x16xf32> to vector<16xf32>
          %parallel_loop3A_243 = vector.shape_cast %parallel_loop3A_238 : vector<16xf32> to vector<1x16xf32>
          tpu.vector_store %arg11[%parallel_loop3A_239, %parallel_loop3A_240], %parallel_loop3A_243 {add = true, strides = array<i32>} : memref<256x256xf32, #tpu.memory_space<vmem>>, vector<1x16xf32>,
          %parallel_loop3A_244 = arith.index_cast %parallel_loop3A_152 : i32 to index
          %parallel_loop3A_245 = arith.constant 144 : index
          %parallel_loop3A_246 = tpu.vector_load %arg10[%parallel_loop3A_244, %parallel_loop3A_245] {strides = array<i32>} : memref<64x256xf32, #tpu.memory_space<vmem>>, vector<1x16xf32>,
          %parallel_loop3A_247 = vector.shape_cast %parallel_loop3A_246 : vector<1x16xf32> to vector<16xf32>
          %parallel_loop3A_248 = arith.index_cast %parallel_loop3A_162 : i32 to index
          %parallel_loop3A_249 = arith.constant 144 : index
          %parallel_loop3A_250 = tpu.vector_load %arg11[%parallel_loop3A_248, %parallel_loop3A_249] {strides = array<i32>} : memref<256x256xf32, #tpu.memory_space<vmem>>, vector<1x16xf32>,
          %parallel_loop3A_251 = vector.shape_cast %parallel_loop3A_250 : vector<1x16xf32> to vector<16xf32>
          %parallel_loop3A_252 = vector.shape_cast %parallel_loop3A_247 : vector<16xf32> to vector<1x16xf32>
          tpu.vector_store %arg11[%parallel_loop3A_248, %parallel_loop3A_249], %parallel_loop3A_252 {add = true, strides = array<i32>} : memref<256x256xf32, #tpu.memory_space<vmem>>, vector<1x16xf32>,
          %parallel_loop3A_253 = arith.index_cast %parallel_loop3A_152 : i32 to index
          %parallel_loop3A_254 = arith.constant 160 : index
          %parallel_loop3A_255 = tpu.vector_load %arg10[%parallel_loop3A_253, %parallel_loop3A_254] {strides = array<i32>} : memref<64x256xf32, #tpu.memory_space<vmem>>, vector<1x16xf32>,
          %parallel_loop3A_256 = vector.shape_cast %parallel_loop3A_255 : vector<1x16xf32> to vector<16xf32>
          %parallel_loop3A_257 = arith.index_cast %parallel_loop3A_162 : i32 to index
          %parallel_loop3A_258 = arith.constant 160 : index
          %parallel_loop3A_259 = tpu.vector_load %arg11[%parallel_loop3A_257, %parallel_loop3A_258] {strides = array<i32>} : memref<256x256xf32, #tpu.memory_space<vmem>>, vector<1x16xf32>,
          %parallel_loop3A_260 = vector.shape_cast %parallel_loop3A_259 : vector<1x16xf32> to vector<16xf32>
          %parallel_loop3A_261 = vector.shape_cast %parallel_loop3A_256 : vector<16xf32> to vector<1x16xf32>
          tpu.vector_store %arg11[%parallel_loop3A_257, %parallel_loop3A_258], %parallel_loop3A_261 {add = true, strides = array<i32>} : memref<256x256xf32, #tpu.memory_space<vmem>>, vector<1x16xf32>,
          %parallel_loop3A_262 = arith.index_cast %parallel_loop3A_152 : i32 to index
          %parallel_loop3A_263 = arith.constant 176 : index
          %parallel_loop3A_264 = tpu.vector_load %arg10[%parallel_loop3A_262, %parallel_loop3A_263] {strides = array<i32>} : memref<64x256xf32, #tpu.memory_space<vmem>>, vector<1x16xf32>,
          %parallel_loop3A_265 = vector.shape_cast %parallel_loop3A_264 : vector<1x16xf32> to vector<16xf32>
          %parallel_loop3A_266 = arith.index_cast %parallel_loop3A_162 : i32 to index
          %parallel_loop3A_267 = arith.constant 176 : index
          %parallel_loop3A_268 = tpu.vector_load %arg11[%parallel_loop3A_266, %parallel_loop3A_267] {strides = array<i32>} : memref<256x256xf32, #tpu.memory_space<vmem>>, vector<1x16xf32>,
          %parallel_loop3A_269 = vector.shape_cast %parallel_loop3A_268 : vector<1x16xf32> to vector<16xf32>
          %parallel_loop3A_270 = vector.shape_cast %parallel_loop3A_265 : vector<16xf32> to vector<1x16xf32>
          tpu.vector_store %arg11[%parallel_loop3A_266, %parallel_loop3A_267], %parallel_loop3A_270 {add = true, strides = array<i32>} : memref<256x256xf32, #tpu.memory_space<vmem>>, vector<1x16xf32>,
          %parallel_loop3A_271 = arith.index_cast %parallel_loop3A_152 : i32 to index
          %parallel_loop3A_272 = arith.constant 192 : index
          %parallel_loop3A_273 = tpu.vector_load %arg10[%parallel_loop3A_271, %parallel_loop3A_272] {strides = array<i32>} : memref<64x256xf32, #tpu.memory_space<vmem>>, vector<1x16xf32>,
          %parallel_loop3A_274 = vector.shape_cast %parallel_loop3A_273 : vector<1x16xf32> to vector<16xf32>
          %parallel_loop3A_275 = arith.index_cast %parallel_loop3A_162 : i32 to index
          %parallel_loop3A_276 = arith.constant 192 : index
          %parallel_loop3A_277 = tpu.vector_load %arg11[%parallel_loop3A_275, %parallel_loop3A_276] {strides = array<i32>} : memref<256x256xf32, #tpu.memory_space<vmem>>, vector<1x16xf32>,
          %parallel_loop3A_278 = vector.shape_cast %parallel_loop3A_277 : vector<1x16xf32> to vector<16xf32>
          %parallel_loop3A_279 = vector.shape_cast %parallel_loop3A_274 : vector<16xf32> to vector<1x16xf32>
          tpu.vector_store %arg11[%parallel_loop3A_275, %parallel_loop3A_276], %parallel_loop3A_279 {add = true, strides = array<i32>} : memref<256x256xf32, #tpu.memory_space<vmem>>, vector<1x16xf32>,
          %parallel_loop3A_280 = arith.index_cast %parallel_loop3A_152 : i32 to index
          %parallel_loop3A_281 = arith.constant 208 : index
          %parallel_loop3A_282 = tpu.vector_load %arg10[%parallel_loop3A_280, %parallel_loop3A_281] {strides = array<i32>} : memref<64x256xf32, #tpu.memory_space<vmem>>, vector<1x16xf32>,
          %parallel_loop3A_283 = vector.shape_cast %parallel_loop3A_282 : vector<1x16xf32> to vector<16xf32>
          %parallel_loop3A_284 = arith.index_cast %parallel_loop3A_162 : i32 to index
          %parallel_loop3A_285 = arith.constant 208 : index
          %parallel_loop3A_286 = tpu.vector_load %arg11[%parallel_loop3A_284, %parallel_loop3A_285] {strides = array<i32>} : memref<256x256xf32, #tpu.memory_space<vmem>>, vector<1x16xf32>,
          %parallel_loop3A_287 = vector.shape_cast %parallel_loop3A_286 : vector<1x16xf32> to vector<16xf32>
          %parallel_loop3A_288 = vector.shape_cast %parallel_loop3A_283 : vector<16xf32> to vector<1x16xf32>
          tpu.vector_store %arg11[%parallel_loop3A_284, %parallel_loop3A_285], %parallel_loop3A_288 {add = true, strides = array<i32>} : memref<256x256xf32, #tpu.memory_space<vmem>>, vector<1x16xf32>,
          %parallel_loop3A_289 = arith.index_cast %parallel_loop3A_152 : i32 to index
          %parallel_loop3A_290 = arith.constant 224 : index
          %parallel_loop3A_291 = tpu.vector_load %arg10[%parallel_loop3A_289, %parallel_loop3A_290] {strides = array<i32>} : memref<64x256xf32, #tpu.memory_space<vmem>>, vector<1x16xf32>,
          %parallel_loop3A_292 = vector.shape_cast %parallel_loop3A_291 : vector<1x16xf32> to vector<16xf32>
          %parallel_loop3A_293 = arith.index_cast %parallel_loop3A_162 : i32 to index
          %parallel_loop3A_294 = arith.constant 224 : index
          %parallel_loop3A_295 = tpu.vector_load %arg11[%parallel_loop3A_293, %parallel_loop3A_294] {strides = array<i32>} : memref<256x256xf32, #tpu.memory_space<vmem>>, vector<1x16xf32>,
          %parallel_loop3A_296 = vector.shape_cast %parallel_loop3A_295 : vector<1x16xf32> to vector<16xf32>
          %parallel_loop3A_297 = vector.shape_cast %parallel_loop3A_292 : vector<16xf32> to vector<1x16xf32>
          tpu.vector_store %arg11[%parallel_loop3A_293, %parallel_loop3A_294], %parallel_loop3A_297 {add = true, strides = array<i32>} : memref<256x256xf32, #tpu.memory_space<vmem>>, vector<1x16xf32>,
          %parallel_loop3A_298 = arith.index_cast %parallel_loop3A_152 : i32 to index
          %parallel_loop3A_299 = arith.constant 240 : index
          %parallel_loop3A_300 = tpu.vector_load %arg10[%parallel_loop3A_298, %parallel_loop3A_299] {strides = array<i32>} : memref<64x256xf32, #tpu.memory_space<vmem>>, vector<1x16xf32>,
          %parallel_loop3A_301 = vector.shape_cast %parallel_loop3A_300 : vector<1x16xf32> to vector<16xf32>
          %parallel_loop3A_302 = arith.index_cast %parallel_loop3A_162 : i32 to index
          %parallel_loop3A_303 = arith.constant 240 : index
          %parallel_loop3A_304 = tpu.vector_load %arg11[%parallel_loop3A_302, %parallel_loop3A_303] {strides = array<i32>} : memref<256x256xf32, #tpu.memory_space<vmem>>, vector<1x16xf32>,
          %parallel_loop3A_305 = vector.shape_cast %parallel_loop3A_304 : vector<1x16xf32> to vector<16xf32>
          %parallel_loop3A_306 = vector.shape_cast %parallel_loop3A_301 : vector<16xf32> to vector<1x16xf32>
          tpu.vector_store %arg11[%parallel_loop3A_302, %parallel_loop3A_303], %parallel_loop3A_306 {add = true, strides = array<i32>} : memref<256x256xf32, #tpu.memory_space<vmem>>, vector<1x16xf32>,
          %parallel_loop3A_307 = arith.index_cast %parallel_loop3A_162 : i32 to index
          %parallel_loop3A_308 = arith.constant 0 : index
          %parallel_loop3A_309 = tpu.vector_load %arg12[%parallel_loop3A_307, %parallel_loop3A_308] {strides = array<i32>} : memref<256x16xf32, #tpu.memory_space<vmem>>, vector<1x16xf32>,
          %parallel_loop3A_310 = vector.shape_cast %parallel_loop3A_309 : vector<1x16xf32> to vector<16xf32>
          %parallel_loop3A_311 = vector.shape_cast %broadcast_in_dim3A_5 : vector<16xf32> to vector<1x16xf32>
          tpu.vector_store %arg12[%parallel_loop3A_307, %parallel_loop3A_308], %parallel_loop3A_311 {add = true, strides = array<i32>} : memref<256x16xf32, #tpu.memory_space<vmem>>, vector<1x16xf32>,
        } {sc.loop_unroll_factor = 1 : i64, sc.parallel_access}
      }
      %while3A_90 = arith.constant 1 : i32
      scf.for %while3A_91 = %while3A_88 to %while3A_84 step %while3A_90  : i32 {
        %mul3A_92 = arith.constant 64 : i32
        %mul3A_93 = arith.muli %while3A_91, %mul3A_92 : i32
        %add3A_94 = arith.constant 0 : i32
        %add3A_95 = arith.addi %mul3A_93, %add3A_94 : i32
        %get3A = arith.index_cast %add3A_95 : i32 to index
        %get3A_96 = tpu.vector_load %arg8[%get3A] {strides = array<i32>} : memref<4160xi32, #tpu.memory_space<vmem>>, vector<16xi32>,
        %get3A_97 = vector.shape_cast %get3A_96 : vector<16xi32> to vector<16xi32>
        %shift_right_arithmetic3A = arith.constant 8 : i32
        %shift_right_arithmetic3A_98 = vector.broadcast %shift_right_arithmetic3A : i32 to vector<16xi32>
        %shift_right_arithmetic3A_99 = arith.shrsi %get3A_97, %shift_right_arithmetic3A_98 : vector<16xi32>
        %swap3A_100 = arith.constant 0 : index
        %swap3A_101 = tpu.vector_load %arg9[%swap3A_100] {strides = array<i32>} : memref<64xi32, #tpu.memory_space<vmem>>, vector<16xi32>,
        %swap3A_102 = vector.shape_cast %swap3A_101 : vector<16xi32> to vector<16xi32>
        %swap3A_103 = vector.shape_cast %shift_right_arithmetic3A_99 : vector<16xi32> to vector<16xi32>
        tpu.vector_store %arg9[%swap3A_100], %swap3A_103 {strides = array<i32>} : memref<64xi32, #tpu.memory_space<vmem>>, vector<16xi32>,
        %mul3A_104 = arith.constant 64 : i32
        %mul3A_105 = arith.muli %while3A_91, %mul3A_104 : i32
        %add3A_106 = arith.constant 16 : i32
        %add3A_107 = arith.addi %mul3A_105, %add3A_106 : i32
        %get3A_108 = arith.index_cast %add3A_107 : i32 to index
        %get3A_109 = tpu.vector_load %arg8[%get3A_108] {strides = array<i32>} : memref<4160xi32, #tpu.memory_space<vmem>>, vector<16xi32>,
        %get3A_110 = vector.shape_cast %get3A_109 : vector<16xi32> to vector<16xi32>
        %shift_right_arithmetic3A_111 = arith.constant 8 : i32
        %shift_right_arithmetic3A_112 = vector.broadcast %shift_right_arithmetic3A_111 : i32 to vector<16xi32>
        %shift_right_arithmetic3A_113 = arith.shrsi %get3A_110, %shift_right_arithmetic3A_112 : vector<16xi32>
        %swap3A_114 = arith.constant 16 : index
        %swap3A_115 = tpu.vector_load %arg9[%swap3A_114] {strides = array<i32>} : memref<64xi32, #tpu.memory_space<vmem>>, vector<16xi32>,
        %swap3A_116 = vector.shape_cast %swap3A_115 : vector<16xi32> to vector<16xi32>
        %swap3A_117 = vector.shape_cast %shift_right_arithmetic3A_113 : vector<16xi32> to vector<16xi32>
        tpu.vector_store %arg9[%swap3A_114], %swap3A_117 {strides = array<i32>} : memref<64xi32, #tpu.memory_space<vmem>>, vector<16xi32>,
        %mul3A_118 = arith.constant 64 : i32
        %mul3A_119 = arith.muli %while3A_91, %mul3A_118 : i32
        %add3A_120 = arith.constant 32 : i32
        %add3A_121 = arith.addi %mul3A_119, %add3A_120 : i32
        %get3A_122 = arith.index_cast %add3A_121 : i32 to index
        %get3A_123 = tpu.vector_load %arg8[%get3A_122] {strides = array<i32>} : memref<4160xi32, #tpu.memory_space<vmem>>, vector<16xi32>,
        %get3A_124 = vector.shape_cast %get3A_123 : vector<16xi32> to vector<16xi32>
        %shift_right_arithmetic3A_125 = arith.constant 8 : i32
        %shift_right_arithmetic3A_126 = vector.broadcast %shift_right_arithmetic3A_125 : i32 to vector<16xi32>
        %shift_right_arithmetic3A_127 = arith.shrsi %get3A_124, %shift_right_arithmetic3A_126 : vector<16xi32>
        %swap3A_128 = arith.constant 32 : index
        %swap3A_129 = tpu.vector_load %arg9[%swap3A_128] {strides = array<i32>} : memref<64xi32, #tpu.memory_space<vmem>>, vector<16xi32>,
        %swap3A_130 = vector.shape_cast %swap3A_129 : vector<16xi32> to vector<16xi32>
        %swap3A_131 = vector.shape_cast %shift_right_arithmetic3A_127 : vector<16xi32> to vector<16xi32>
        tpu.vector_store %arg9[%swap3A_128], %swap3A_131 {strides = array<i32>} : memref<64xi32, #tpu.memory_space<vmem>>, vector<16xi32>,
        %mul3A_132 = arith.constant 64 : i32
        %mul3A_133 = arith.muli %while3A_91, %mul3A_132 : i32
        %add3A_134 = arith.constant 48 : i32
        %add3A_135 = arith.addi %mul3A_133, %add3A_134 : i32
        %get3A_136 = arith.index_cast %add3A_135 : i32 to index
        %get3A_137 = tpu.vector_load %arg8[%get3A_136] {strides = array<i32>} : memref<4160xi32, #tpu.memory_space<vmem>>, vector<16xi32>,
        %get3A_138 = vector.shape_cast %get3A_137 : vector<16xi32> to vector<16xi32>
        %shift_right_arithmetic3A_139 = arith.constant 8 : i32
        %shift_right_arithmetic3A_140 = vector.broadcast %shift_right_arithmetic3A_139 : i32 to vector<16xi32>
        %shift_right_arithmetic3A_141 = arith.shrsi %get3A_138, %shift_right_arithmetic3A_140 : vector<16xi32>
        %swap3A_142 = arith.constant 48 : index
        %swap3A_143 = tpu.vector_load %arg9[%swap3A_142] {strides = array<i32>} : memref<64xi32, #tpu.memory_space<vmem>>, vector<16xi32>,
        %swap3A_144 = vector.shape_cast %swap3A_143 : vector<16xi32> to vector<16xi32>
        %swap3A_145 = vector.shape_cast %shift_right_arithmetic3A_141 : vector<16xi32> to vector<16xi32>
        tpu.vector_store %arg9[%swap3A_142], %swap3A_145 {strides = array<i32>} : memref<64xi32, #tpu.memory_space<vmem>>, vector<16xi32>,
        "tpu.region"() ({
          %run_scoped3A_152 = tpu.sem_alloc : memref<!tpu.dma_semaphore, #tpu.memory_space<semaphore_mem>>
          %dma_start3A = arith.constant 0 : i32
          %dma_start3A_153 = arith.constant 0 : i32
          %dma_start3A_154 = tpu.memref_slice %arg2[%dma_start3A, %dma_start3A_153] : memref<8192x256xf32, #tpu.memory_space<hbm>> -> memref<8192x256xf32, #tpu.memory_space<hbm>>
          tpu.enqueue_indirect_dma source(%dma_start3A_154 : memref<8192x256xf32, #tpu.memory_space<hbm>>) target(%arg10 : memref<64x256xf32, #tpu.memory_space<vmem>>) offsets(%arg9 : memref<64xi32, #tpu.memory_space<vmem>>) semaphore(%run_scoped3A_152 : memref<!tpu.dma_semaphore, #tpu.memory_space<semaphore_mem>>)
          %dma_wait3A = arith.constant 0 : i32
          %dma_wait3A_155 = arith.constant 0 : i32
          %dma_wait3A_156 = tpu.memref_slice %arg2[%dma_wait3A, %dma_wait3A_155] : memref<8192x256xf32, #tpu.memory_space<hbm>> -> memref<8192x256xf32, #tpu.memory_space<hbm>>
          tpu.wait_indirect_dma semaphore(%run_scoped3A_152 : memref<!tpu.dma_semaphore, #tpu.memory_space<semaphore_mem>>) src(%dma_wait3A_156 : memref<8192x256xf32, #tpu.memory_space<hbm>>) dst(%arg10 : memref<64x256xf32, #tpu.memory_space<vmem>>)
          tpu.yield
        }) : () -> ()
        %mul3A_146 = arith.constant 64 : i32
        %mul3A_147 = arith.muli %while3A_91, %mul3A_146 : i32
        %sub3A_148 = arith.subi %scan3A_29, %mul3A_147 : i32
        %min3A = arith.constant 64 : i32
        %min3A_149 = arith.minsi %sub3A_148, %min3A : i32
        %parallel_loop3A_150 = arith.constant 0 : i32
        %parallel_loop3A_151 = arith.constant 1 : i32
        scf.for %parallel_loop3A_152 = %parallel_loop3A_150 to %min3A_149 step %parallel_loop3A_151  : i32 {
          %parallel_loop3A_153 = arith.constant 64 : i32
          %parallel_loop3A_154 = arith.muli %while3A_91, %parallel_loop3A_153 : i32
          %parallel_loop3A_155 = arith.addi %parallel_loop3A_154, %parallel_loop3A_152 : i32
          %parallel_loop3A_156 = arith.index_cast %parallel_loop3A_155 : i32 to index
          %parallel_loop3A_157 = tpu.vector_load %arg8[%parallel_loop3A_156] {strides = array<i32>} : memref<4160xi32, #tpu.memory_space<vmem>>, vector<16xi32>,
          %parallel_loop3A_158 = vector.shape_cast %parallel_loop3A_157 : vector<16xi32> to vector<16xi32>
          %parallel_loop3A_159 = vector.extract_strided_slice %parallel_loop3A_158 {offsets = [0], sizes = [1], strides = [1]} : vector<16xi32> to vector<1xi32>
          %parallel_loop3A_160 = vector.extract %parallel_loop3A_159[0] : i32 from vector<1xi32>
          %parallel_loop3A_161 = arith.constant 255 : i32
          %parallel_loop3A_162 = arith.andi %parallel_loop3A_160, %parallel_loop3A_161 : i32
          %parallel_loop3A_163 = arith.index_cast %parallel_loop3A_152 : i32 to index
          %parallel_loop3A_164 = arith.constant 0 : index
          %parallel_loop3A_165 = tpu.vector_load %arg10[%parallel_loop3A_163, %parallel_loop3A_164] {strides = array<i32>} : memref<64x256xf32, #tpu.memory_space<vmem>>, vector<1x16xf32>,
          %parallel_loop3A_166 = vector.shape_cast %parallel_loop3A_165 : vector<1x16xf32> to vector<16xf32>
          %parallel_loop3A_167 = arith.index_cast %parallel_loop3A_162 : i32 to index
          %parallel_loop3A_168 = arith.constant 0 : index
          %parallel_loop3A_169 = tpu.vector_load %arg11[%parallel_loop3A_167, %parallel_loop3A_168] {strides = array<i32>} : memref<256x256xf32, #tpu.memory_space<vmem>>, vector<1x16xf32>,
          %parallel_loop3A_170 = vector.shape_cast %parallel_loop3A_169 : vector<1x16xf32> to vector<16xf32>
          %parallel_loop3A_171 = vector.shape_cast %parallel_loop3A_166 : vector<16xf32> to vector<1x16xf32>
          tpu.vector_store %arg11[%parallel_loop3A_167, %parallel_loop3A_168], %parallel_loop3A_171 {add = true, strides = array<i32>} : memref<256x256xf32, #tpu.memory_space<vmem>>, vector<1x16xf32>,
          %parallel_loop3A_172 = arith.index_cast %parallel_loop3A_152 : i32 to index
          %parallel_loop3A_173 = arith.constant 16 : index
          %parallel_loop3A_174 = tpu.vector_load %arg10[%parallel_loop3A_172, %parallel_loop3A_173] {strides = array<i32>} : memref<64x256xf32, #tpu.memory_space<vmem>>, vector<1x16xf32>,
          %parallel_loop3A_175 = vector.shape_cast %parallel_loop3A_174 : vector<1x16xf32> to vector<16xf32>
          %parallel_loop3A_176 = arith.index_cast %parallel_loop3A_162 : i32 to index
          %parallel_loop3A_177 = arith.constant 16 : index
          %parallel_loop3A_178 = tpu.vector_load %arg11[%parallel_loop3A_176, %parallel_loop3A_177] {strides = array<i32>} : memref<256x256xf32, #tpu.memory_space<vmem>>, vector<1x16xf32>,
          %parallel_loop3A_179 = vector.shape_cast %parallel_loop3A_178 : vector<1x16xf32> to vector<16xf32>
          %parallel_loop3A_180 = vector.shape_cast %parallel_loop3A_175 : vector<16xf32> to vector<1x16xf32>
          tpu.vector_store %arg11[%parallel_loop3A_176, %parallel_loop3A_177], %parallel_loop3A_180 {add = true, strides = array<i32>} : memref<256x256xf32, #tpu.memory_space<vmem>>, vector<1x16xf32>,
          %parallel_loop3A_181 = arith.index_cast %parallel_loop3A_152 : i32 to index
          %parallel_loop3A_182 = arith.constant 32 : index
          %parallel_loop3A_183 = tpu.vector_load %arg10[%parallel_loop3A_181, %parallel_loop3A_182] {strides = array<i32>} : memref<64x256xf32, #tpu.memory_space<vmem>>, vector<1x16xf32>,
          %parallel_loop3A_184 = vector.shape_cast %parallel_loop3A_183 : vector<1x16xf32> to vector<16xf32>
          %parallel_loop3A_185 = arith.index_cast %parallel_loop3A_162 : i32 to index
          %parallel_loop3A_186 = arith.constant 32 : index
          %parallel_loop3A_187 = tpu.vector_load %arg11[%parallel_loop3A_185, %parallel_loop3A_186] {strides = array<i32>} : memref<256x256xf32, #tpu.memory_space<vmem>>, vector<1x16xf32>,
          %parallel_loop3A_188 = vector.shape_cast %parallel_loop3A_187 : vector<1x16xf32> to vector<16xf32>
          %parallel_loop3A_189 = vector.shape_cast %parallel_loop3A_184 : vector<16xf32> to vector<1x16xf32>
          tpu.vector_store %arg11[%parallel_loop3A_185, %parallel_loop3A_186], %parallel_loop3A_189 {add = true, strides = array<i32>} : memref<256x256xf32, #tpu.memory_space<vmem>>, vector<1x16xf32>,
          %parallel_loop3A_190 = arith.index_cast %parallel_loop3A_152 : i32 to index
          %parallel_loop3A_191 = arith.constant 48 : index
          %parallel_loop3A_192 = tpu.vector_load %arg10[%parallel_loop3A_190, %parallel_loop3A_191] {strides = array<i32>} : memref<64x256xf32, #tpu.memory_space<vmem>>, vector<1x16xf32>,
          %parallel_loop3A_193 = vector.shape_cast %parallel_loop3A_192 : vector<1x16xf32> to vector<16xf32>
          %parallel_loop3A_194 = arith.index_cast %parallel_loop3A_162 : i32 to index
          %parallel_loop3A_195 = arith.constant 48 : index
          %parallel_loop3A_196 = tpu.vector_load %arg11[%parallel_loop3A_194, %parallel_loop3A_195] {strides = array<i32>} : memref<256x256xf32, #tpu.memory_space<vmem>>, vector<1x16xf32>,
          %parallel_loop3A_197 = vector.shape_cast %parallel_loop3A_196 : vector<1x16xf32> to vector<16xf32>
          %parallel_loop3A_198 = vector.shape_cast %parallel_loop3A_193 : vector<16xf32> to vector<1x16xf32>
          tpu.vector_store %arg11[%parallel_loop3A_194, %parallel_loop3A_195], %parallel_loop3A_198 {add = true, strides = array<i32>} : memref<256x256xf32, #tpu.memory_space<vmem>>, vector<1x16xf32>,
          %parallel_loop3A_199 = arith.index_cast %parallel_loop3A_152 : i32 to index
          %parallel_loop3A_200 = arith.constant 64 : index
          %parallel_loop3A_201 = tpu.vector_load %arg10[%parallel_loop3A_199, %parallel_loop3A_200] {strides = array<i32>} : memref<64x256xf32, #tpu.memory_space<vmem>>, vector<1x16xf32>,
          %parallel_loop3A_202 = vector.shape_cast %parallel_loop3A_201 : vector<1x16xf32> to vector<16xf32>
          %parallel_loop3A_203 = arith.index_cast %parallel_loop3A_162 : i32 to index
          %parallel_loop3A_204 = arith.constant 64 : index
          %parallel_loop3A_205 = tpu.vector_load %arg11[%parallel_loop3A_203, %parallel_loop3A_204] {strides = array<i32>} : memref<256x256xf32, #tpu.memory_space<vmem>>, vector<1x16xf32>,
          %parallel_loop3A_206 = vector.shape_cast %parallel_loop3A_205 : vector<1x16xf32> to vector<16xf32>
          %parallel_loop3A_207 = vector.shape_cast %parallel_loop3A_202 : vector<16xf32> to vector<1x16xf32>
          tpu.vector_store %arg11[%parallel_loop3A_203, %parallel_loop3A_204], %parallel_loop3A_207 {add = true, strides = array<i32>} : memref<256x256xf32, #tpu.memory_space<vmem>>, vector<1x16xf32>,
          %parallel_loop3A_208 = arith.index_cast %parallel_loop3A_152 : i32 to index
          %parallel_loop3A_209 = arith.constant 80 : index
          %parallel_loop3A_210 = tpu.vector_load %arg10[%parallel_loop3A_208, %parallel_loop3A_209] {strides = array<i32>} : memref<64x256xf32, #tpu.memory_space<vmem>>, vector<1x16xf32>,
          %parallel_loop3A_211 = vector.shape_cast %parallel_loop3A_210 : vector<1x16xf32> to vector<16xf32>
          %parallel_loop3A_212 = arith.index_cast %parallel_loop3A_162 : i32 to index
          %parallel_loop3A_213 = arith.constant 80 : index
          %parallel_loop3A_214 = tpu.vector_load %arg11[%parallel_loop3A_212, %parallel_loop3A_213] {strides = array<i32>} : memref<256x256xf32, #tpu.memory_space<vmem>>, vector<1x16xf32>,
          %parallel_loop3A_215 = vector.shape_cast %parallel_loop3A_214 : vector<1x16xf32> to vector<16xf32>
          %parallel_loop3A_216 = vector.shape_cast %parallel_loop3A_211 : vector<16xf32> to vector<1x16xf32>
          tpu.vector_store %arg11[%parallel_loop3A_212, %parallel_loop3A_213], %parallel_loop3A_216 {add = true, strides = array<i32>} : memref<256x256xf32, #tpu.memory_space<vmem>>, vector<1x16xf32>,
          %parallel_loop3A_217 = arith.index_cast %parallel_loop3A_152 : i32 to index
          %parallel_loop3A_218 = arith.constant 96 : index
          %parallel_loop3A_219 = tpu.vector_load %arg10[%parallel_loop3A_217, %parallel_loop3A_218] {strides = array<i32>} : memref<64x256xf32, #tpu.memory_space<vmem>>, vector<1x16xf32>,
          %parallel_loop3A_220 = vector.shape_cast %parallel_loop3A_219 : vector<1x16xf32> to vector<16xf32>
          %parallel_loop3A_221 = arith.index_cast %parallel_loop3A_162 : i32 to index
          %parallel_loop3A_222 = arith.constant 96 : index
          %parallel_loop3A_223 = tpu.vector_load %arg11[%parallel_loop3A_221, %parallel_loop3A_222] {strides = array<i32>} : memref<256x256xf32, #tpu.memory_space<vmem>>, vector<1x16xf32>,
          %parallel_loop3A_224 = vector.shape_cast %parallel_loop3A_223 : vector<1x16xf32> to vector<16xf32>
          %parallel_loop3A_225 = vector.shape_cast %parallel_loop3A_220 : vector<16xf32> to vector<1x16xf32>
          tpu.vector_store %arg11[%parallel_loop3A_221, %parallel_loop3A_222], %parallel_loop3A_225 {add = true, strides = array<i32>} : memref<256x256xf32, #tpu.memory_space<vmem>>, vector<1x16xf32>,
          %parallel_loop3A_226 = arith.index_cast %parallel_loop3A_152 : i32 to index
          %parallel_loop3A_227 = arith.constant 112 : index
          %parallel_loop3A_228 = tpu.vector_load %arg10[%parallel_loop3A_226, %parallel_loop3A_227] {strides = array<i32>} : memref<64x256xf32, #tpu.memory_space<vmem>>, vector<1x16xf32>,
          %parallel_loop3A_229 = vector.shape_cast %parallel_loop3A_228 : vector<1x16xf32> to vector<16xf32>
          %parallel_loop3A_230 = arith.index_cast %parallel_loop3A_162 : i32 to index
          %parallel_loop3A_231 = arith.constant 112 : index
          %parallel_loop3A_232 = tpu.vector_load %arg11[%parallel_loop3A_230, %parallel_loop3A_231] {strides = array<i32>} : memref<256x256xf32, #tpu.memory_space<vmem>>, vector<1x16xf32>,
          %parallel_loop3A_233 = vector.shape_cast %parallel_loop3A_232 : vector<1x16xf32> to vector<16xf32>
          %parallel_loop3A_234 = vector.shape_cast %parallel_loop3A_229 : vector<16xf32> to vector<1x16xf32>
          tpu.vector_store %arg11[%parallel_loop3A_230, %parallel_loop3A_231], %parallel_loop3A_234 {add = true, strides = array<i32>} : memref<256x256xf32, #tpu.memory_space<vmem>>, vector<1x16xf32>,
          %parallel_loop3A_235 = arith.index_cast %parallel_loop3A_152 : i32 to index
          %parallel_loop3A_236 = arith.constant 128 : index
          %parallel_loop3A_237 = tpu.vector_load %arg10[%parallel_loop3A_235, %parallel_loop3A_236] {strides = array<i32>} : memref<64x256xf32, #tpu.memory_space<vmem>>, vector<1x16xf32>,
          %parallel_loop3A_238 = vector.shape_cast %parallel_loop3A_237 : vector<1x16xf32> to vector<16xf32>
          %parallel_loop3A_239 = arith.index_cast %parallel_loop3A_162 : i32 to index
          %parallel_loop3A_240 = arith.constant 128 : index
          %parallel_loop3A_241 = tpu.vector_load %arg11[%parallel_loop3A_239, %parallel_loop3A_240] {strides = array<i32>} : memref<256x256xf32, #tpu.memory_space<vmem>>, vector<1x16xf32>,
          %parallel_loop3A_242 = vector.shape_cast %parallel_loop3A_241 : vector<1x16xf32> to vector<16xf32>
          %parallel_loop3A_243 = vector.shape_cast %parallel_loop3A_238 : vector<16xf32> to vector<1x16xf32>
          tpu.vector_store %arg11[%parallel_loop3A_239, %parallel_loop3A_240], %parallel_loop3A_243 {add = true, strides = array<i32>} : memref<256x256xf32, #tpu.memory_space<vmem>>, vector<1x16xf32>,
          %parallel_loop3A_244 = arith.index_cast %parallel_loop3A_152 : i32 to index
          %parallel_loop3A_245 = arith.constant 144 : index
          %parallel_loop3A_246 = tpu.vector_load %arg10[%parallel_loop3A_244, %parallel_loop3A_245] {strides = array<i32>} : memref<64x256xf32, #tpu.memory_space<vmem>>, vector<1x16xf32>,
          %parallel_loop3A_247 = vector.shape_cast %parallel_loop3A_246 : vector<1x16xf32> to vector<16xf32>
          %parallel_loop3A_248 = arith.index_cast %parallel_loop3A_162 : i32 to index
          %parallel_loop3A_249 = arith.constant 144 : index
          %parallel_loop3A_250 = tpu.vector_load %arg11[%parallel_loop3A_248, %parallel_loop3A_249] {strides = array<i32>} : memref<256x256xf32, #tpu.memory_space<vmem>>, vector<1x16xf32>,
          %parallel_loop3A_251 = vector.shape_cast %parallel_loop3A_250 : vector<1x16xf32> to vector<16xf32>
          %parallel_loop3A_252 = vector.shape_cast %parallel_loop3A_247 : vector<16xf32> to vector<1x16xf32>
          tpu.vector_store %arg11[%parallel_loop3A_248, %parallel_loop3A_249], %parallel_loop3A_252 {add = true, strides = array<i32>} : memref<256x256xf32, #tpu.memory_space<vmem>>, vector<1x16xf32>,
          %parallel_loop3A_253 = arith.index_cast %parallel_loop3A_152 : i32 to index
          %parallel_loop3A_254 = arith.constant 160 : index
          %parallel_loop3A_255 = tpu.vector_load %arg10[%parallel_loop3A_253, %parallel_loop3A_254] {strides = array<i32>} : memref<64x256xf32, #tpu.memory_space<vmem>>, vector<1x16xf32>,
          %parallel_loop3A_256 = vector.shape_cast %parallel_loop3A_255 : vector<1x16xf32> to vector<16xf32>
          %parallel_loop3A_257 = arith.index_cast %parallel_loop3A_162 : i32 to index
          %parallel_loop3A_258 = arith.constant 160 : index
          %parallel_loop3A_259 = tpu.vector_load %arg11[%parallel_loop3A_257, %parallel_loop3A_258] {strides = array<i32>} : memref<256x256xf32, #tpu.memory_space<vmem>>, vector<1x16xf32>,
          %parallel_loop3A_260 = vector.shape_cast %parallel_loop3A_259 : vector<1x16xf32> to vector<16xf32>
          %parallel_loop3A_261 = vector.shape_cast %parallel_loop3A_256 : vector<16xf32> to vector<1x16xf32>
          tpu.vector_store %arg11[%parallel_loop3A_257, %parallel_loop3A_258], %parallel_loop3A_261 {add = true, strides = array<i32>} : memref<256x256xf32, #tpu.memory_space<vmem>>, vector<1x16xf32>,
          %parallel_loop3A_262 = arith.index_cast %parallel_loop3A_152 : i32 to index
          %parallel_loop3A_263 = arith.constant 176 : index
          %parallel_loop3A_264 = tpu.vector_load %arg10[%parallel_loop3A_262, %parallel_loop3A_263] {strides = array<i32>} : memref<64x256xf32, #tpu.memory_space<vmem>>, vector<1x16xf32>,
          %parallel_loop3A_265 = vector.shape_cast %parallel_loop3A_264 : vector<1x16xf32> to vector<16xf32>
          %parallel_loop3A_266 = arith.index_cast %parallel_loop3A_162 : i32 to index
          %parallel_loop3A_267 = arith.constant 176 : index
          %parallel_loop3A_268 = tpu.vector_load %arg11[%parallel_loop3A_266, %parallel_loop3A_267] {strides = array<i32>} : memref<256x256xf32, #tpu.memory_space<vmem>>, vector<1x16xf32>,
          %parallel_loop3A_269 = vector.shape_cast %parallel_loop3A_268 : vector<1x16xf32> to vector<16xf32>
          %parallel_loop3A_270 = vector.shape_cast %parallel_loop3A_265 : vector<16xf32> to vector<1x16xf32>
          tpu.vector_store %arg11[%parallel_loop3A_266, %parallel_loop3A_267], %parallel_loop3A_270 {add = true, strides = array<i32>} : memref<256x256xf32, #tpu.memory_space<vmem>>, vector<1x16xf32>,
          %parallel_loop3A_271 = arith.index_cast %parallel_loop3A_152 : i32 to index
          %parallel_loop3A_272 = arith.constant 192 : index
          %parallel_loop3A_273 = tpu.vector_load %arg10[%parallel_loop3A_271, %parallel_loop3A_272] {strides = array<i32>} : memref<64x256xf32, #tpu.memory_space<vmem>>, vector<1x16xf32>,
          %parallel_loop3A_274 = vector.shape_cast %parallel_loop3A_273 : vector<1x16xf32> to vector<16xf32>
          %parallel_loop3A_275 = arith.index_cast %parallel_loop3A_162 : i32 to index
          %parallel_loop3A_276 = arith.constant 192 : index
          %parallel_loop3A_277 = tpu.vector_load %arg11[%parallel_loop3A_275, %parallel_loop3A_276] {strides = array<i32>} : memref<256x256xf32, #tpu.memory_space<vmem>>, vector<1x16xf32>,
          %parallel_loop3A_278 = vector.shape_cast %parallel_loop3A_277 : vector<1x16xf32> to vector<16xf32>
          %parallel_loop3A_279 = vector.shape_cast %parallel_loop3A_274 : vector<16xf32> to vector<1x16xf32>
          tpu.vector_store %arg11[%parallel_loop3A_275, %parallel_loop3A_276], %parallel_loop3A_279 {add = true, strides = array<i32>} : memref<256x256xf32, #tpu.memory_space<vmem>>, vector<1x16xf32>,
          %parallel_loop3A_280 = arith.index_cast %parallel_loop3A_152 : i32 to index
          %parallel_loop3A_281 = arith.constant 208 : index
          %parallel_loop3A_282 = tpu.vector_load %arg10[%parallel_loop3A_280, %parallel_loop3A_281] {strides = array<i32>} : memref<64x256xf32, #tpu.memory_space<vmem>>, vector<1x16xf32>,
          %parallel_loop3A_283 = vector.shape_cast %parallel_loop3A_282 : vector<1x16xf32> to vector<16xf32>
          %parallel_loop3A_284 = arith.index_cast %parallel_loop3A_162 : i32 to index
          %parallel_loop3A_285 = arith.constant 208 : index
          %parallel_loop3A_286 = tpu.vector_load %arg11[%parallel_loop3A_284, %parallel_loop3A_285] {strides = array<i32>} : memref<256x256xf32, #tpu.memory_space<vmem>>, vector<1x16xf32>,
          %parallel_loop3A_287 = vector.shape_cast %parallel_loop3A_286 : vector<1x16xf32> to vector<16xf32>
          %parallel_loop3A_288 = vector.shape_cast %parallel_loop3A_283 : vector<16xf32> to vector<1x16xf32>
          tpu.vector_store %arg11[%parallel_loop3A_284, %parallel_loop3A_285], %parallel_loop3A_288 {add = true, strides = array<i32>} : memref<256x256xf32, #tpu.memory_space<vmem>>, vector<1x16xf32>,
          %parallel_loop3A_289 = arith.index_cast %parallel_loop3A_152 : i32 to index
          %parallel_loop3A_290 = arith.constant 224 : index
          %parallel_loop3A_291 = tpu.vector_load %arg10[%parallel_loop3A_289, %parallel_loop3A_290] {strides = array<i32>} : memref<64x256xf32, #tpu.memory_space<vmem>>, vector<1x16xf32>,
          %parallel_loop3A_292 = vector.shape_cast %parallel_loop3A_291 : vector<1x16xf32> to vector<16xf32>
          %parallel_loop3A_293 = arith.index_cast %parallel_loop3A_162 : i32 to index
          %parallel_loop3A_294 = arith.constant 224 : index
          %parallel_loop3A_295 = tpu.vector_load %arg11[%parallel_loop3A_293, %parallel_loop3A_294] {strides = array<i32>} : memref<256x256xf32, #tpu.memory_space<vmem>>, vector<1x16xf32>,
          %parallel_loop3A_296 = vector.shape_cast %parallel_loop3A_295 : vector<1x16xf32> to vector<16xf32>
          %parallel_loop3A_297 = vector.shape_cast %parallel_loop3A_292 : vector<16xf32> to vector<1x16xf32>
          tpu.vector_store %arg11[%parallel_loop3A_293, %parallel_loop3A_294], %parallel_loop3A_297 {add = true, strides = array<i32>} : memref<256x256xf32, #tpu.memory_space<vmem>>, vector<1x16xf32>,
          %parallel_loop3A_298 = arith.index_cast %parallel_loop3A_152 : i32 to index
          %parallel_loop3A_299 = arith.constant 240 : index
          %parallel_loop3A_300 = tpu.vector_load %arg10[%parallel_loop3A_298, %parallel_loop3A_299] {strides = array<i32>} : memref<64x256xf32, #tpu.memory_space<vmem>>, vector<1x16xf32>,
          %parallel_loop3A_301 = vector.shape_cast %parallel_loop3A_300 : vector<1x16xf32> to vector<16xf32>
          %parallel_loop3A_302 = arith.index_cast %parallel_loop3A_162 : i32 to index
          %parallel_loop3A_303 = arith.constant 240 : index
          %parallel_loop3A_304 = tpu.vector_load %arg11[%parallel_loop3A_302, %parallel_loop3A_303] {strides = array<i32>} : memref<256x256xf32, #tpu.memory_space<vmem>>, vector<1x16xf32>,
          %parallel_loop3A_305 = vector.shape_cast %parallel_loop3A_304 : vector<1x16xf32> to vector<16xf32>
          %parallel_loop3A_306 = vector.shape_cast %parallel_loop3A_301 : vector<16xf32> to vector<1x16xf32>
          tpu.vector_store %arg11[%parallel_loop3A_302, %parallel_loop3A_303], %parallel_loop3A_306 {add = true, strides = array<i32>} : memref<256x256xf32, #tpu.memory_space<vmem>>, vector<1x16xf32>,
          %parallel_loop3A_307 = arith.index_cast %parallel_loop3A_162 : i32 to index
          %parallel_loop3A_308 = arith.constant 0 : index
          %parallel_loop3A_309 = tpu.vector_load %arg12[%parallel_loop3A_307, %parallel_loop3A_308] {strides = array<i32>} : memref<256x16xf32, #tpu.memory_space<vmem>>, vector<1x16xf32>,
          %parallel_loop3A_310 = vector.shape_cast %parallel_loop3A_309 : vector<1x16xf32> to vector<16xf32>
          %parallel_loop3A_311 = vector.shape_cast %broadcast_in_dim3A_5 : vector<16xf32> to vector<1x16xf32>
          tpu.vector_store %arg12[%parallel_loop3A_307, %parallel_loop3A_308], %parallel_loop3A_311 {add = true, strides = array<i32>} : memref<256x16xf32, #tpu.memory_space<vmem>>, vector<1x16xf32>,
        } {sc.loop_unroll_factor = 1 : i64, sc.parallel_access}
      }
    }
    %scan3A_12 = arith.constant 32 : i32
    %run_scoped3A = arith.constant 0 : i32
    "tpu.region"() ({
      %run_scoped3A_23 = tpu.sem_alloc : memref<!tpu.dma_semaphore, #tpu.memory_space<semaphore_mem>>
      %dma_start3A = arith.constant 0 : i32
      %dma_start3A_24 = tpu.memref_slice %arg5[%run_scoped3A, %mul3A_2, %dma_start3A] : memref<2x8192x256xf32, #tpu.memory_space<hbm>> -> memref<1x256x256xf32, #tpu.memory_space<hbm>>
      %dma_start3A_25 = tpu.memref_squeeze %dma_start3A_24 : memref<1x256x256xf32, #tpu.memory_space<hbm>> -> memref<256x256xf32, #tpu.memory_space<hbm>>
      %dma_start3A_26 = arith.constant 0 : i32
      %dma_start3A_27 = tpu.memref_slice %arg5[%run_scoped3A, %mul3A_2, %dma_start3A_26] : memref<2x8192x256xf32, #tpu.memory_space<hbm>> -> memref<1x256x256xf32, #tpu.memory_space<hbm>>
      %dma_start3A_28 = tpu.memref_squeeze %dma_start3A_27 : memref<1x256x256xf32, #tpu.memory_space<hbm>> -> memref<256x256xf32, #tpu.memory_space<hbm>>
      tpu.enqueue_dma source(%arg11 : memref<256x256xf32, #tpu.memory_space<vmem>>) target(%dma_start3A_28 : memref<256x256xf32, #tpu.memory_space<hbm>>) target_semaphore(%run_scoped3A_23 : memref<!tpu.dma_semaphore, #tpu.memory_space<semaphore_mem>>)
      %dma_wait3A = arith.constant 0 : i32
      %dma_wait3A_29 = tpu.memref_slice %arg5[%run_scoped3A, %mul3A_2, %dma_wait3A] : memref<2x8192x256xf32, #tpu.memory_space<hbm>> -> memref<1x256x256xf32, #tpu.memory_space<hbm>>
      %dma_wait3A_30 = tpu.memref_squeeze %dma_wait3A_29 : memref<1x256x256xf32, #tpu.memory_space<hbm>> -> memref<256x256xf32, #tpu.memory_space<hbm>>
      %dma_wait3A_31 = arith.constant 0 : i32
      %dma_wait3A_32 = tpu.memref_slice %arg5[%run_scoped3A, %mul3A_2, %dma_wait3A_31] : memref<2x8192x256xf32, #tpu.memory_space<hbm>> -> memref<1x256x256xf32, #tpu.memory_space<hbm>>
      %dma_wait3A_33 = tpu.memref_squeeze %dma_wait3A_32 : memref<1x256x256xf32, #tpu.memory_space<hbm>> -> memref<256x256xf32, #tpu.memory_space<hbm>>
      tpu.wait_dma2 semaphore(%run_scoped3A_23 : memref<!tpu.dma_semaphore, #tpu.memory_space<semaphore_mem>>) src(%arg11 : memref<256x256xf32, #tpu.memory_space<vmem>>) dst(%dma_wait3A_33 : memref<256x256xf32, #tpu.memory_space<hbm>>)
      tpu.yield
    }) : () -> ()
    "tpu.region"() ({
      %run_scoped3A_23 = tpu.sem_alloc : memref<!tpu.dma_semaphore, #tpu.memory_space<semaphore_mem>>
      %dma_start3A = arith.constant 0 : i32
      %dma_start3A_24 = tpu.memref_slice %arg6[%mul3A_2, %dma_start3A] : memref<8192x16xf32, #tpu.memory_space<hbm>> -> memref<256x16xf32, #tpu.memory_space<hbm>>
      %dma_start3A_25 = arith.constant 0 : i32
      %dma_start3A_26 = tpu.memref_slice %arg6[%mul3A_2, %dma_start3A_25] : memref<8192x16xf32, #tpu.memory_space<hbm>> -> memref<256x16xf32, #tpu.memory_space<hbm>>
      tpu.enqueue_dma source(%arg12 : memref<256x16xf32, #tpu.memory_space<vmem>>) target(%dma_start3A_26 : memref<256x16xf32, #tpu.memory_space<hbm>>) target_semaphore(%run_scoped3A_23 : memref<!tpu.dma_semaphore, #tpu.memory_space<semaphore_mem>>)
      %dma_wait3A = arith.constant 0 : i32
      %dma_wait3A_27 = tpu.memref_slice %arg6[%mul3A_2, %dma_wait3A] : memref<8192x16xf32, #tpu.memory_space<hbm>> -> memref<256x16xf32, #tpu.memory_space<hbm>>
      %dma_wait3A_28 = arith.constant 0 : i32
      %dma_wait3A_29 = tpu.memref_slice %arg6[%mul3A_2, %dma_wait3A_28] : memref<8192x16xf32, #tpu.memory_space<hbm>> -> memref<256x16xf32, #tpu.memory_space<hbm>>
      tpu.wait_dma2 semaphore(%run_scoped3A_23 : memref<!tpu.dma_semaphore, #tpu.memory_space<semaphore_mem>>) src(%arg12 : memref<256x16xf32, #tpu.memory_space<vmem>>) dst(%dma_wait3A_29 : memref<256x16xf32, #tpu.memory_space<hbm>>)
      tpu.yield
    }) : () -> ()
    %parallel_loop3A_13 = arith.constant 0 : i32
    %parallel_loop3A_14 = arith.constant 256 : i32
    %parallel_loop3A_15 = arith.constant 1 : i32
    scf.for %parallel_loop3A_23 = %parallel_loop3A_13 to %parallel_loop3A_14 step %parallel_loop3A_15  : i32 {
      %parallel_loop3A_24 = arith.index_cast %parallel_loop3A_23 : i32 to index
      %parallel_loop3A_25 = arith.constant 0 : index
      %parallel_loop3A_26 = tpu.vector_load %arg11[%parallel_loop3A_24, %parallel_loop3A_25] {strides = array<i32>} : memref<256x256xf32, #tpu.memory_space<vmem>>, vector<1x16xf32>,
      %parallel_loop3A_27 = vector.shape_cast %parallel_loop3A_26 : vector<1x16xf32> to vector<16xf32>
      %parallel_loop3A_28 = vector.shape_cast %broadcast_in_dim3A_3 : vector<16xf32> to vector<1x16xf32>
      tpu.vector_store %arg11[%parallel_loop3A_24, %parallel_loop3A_25], %parallel_loop3A_28 {strides = array<i32>} : memref<256x256xf32, #tpu.memory_space<vmem>>, vector<1x16xf32>,
      %parallel_loop3A_29 = arith.index_cast %parallel_loop3A_23 : i32 to index
      %parallel_loop3A_30 = arith.constant 16 : index
      %parallel_loop3A_31 = tpu.vector_load %arg11[%parallel_loop3A_29, %parallel_loop3A_30] {strides = array<i32>} : memref<256x256xf32, #tpu.memory_space<vmem>>, vector<1x16xf32>,
      %parallel_loop3A_32 = vector.shape_cast %parallel_loop3A_31 : vector<1x16xf32> to vector<16xf32>
      %parallel_loop3A_33 = vector.shape_cast %broadcast_in_dim3A_3 : vector<16xf32> to vector<1x16xf32>
      tpu.vector_store %arg11[%parallel_loop3A_29, %parallel_loop3A_30], %parallel_loop3A_33 {strides = array<i32>} : memref<256x256xf32, #tpu.memory_space<vmem>>, vector<1x16xf32>,
      %parallel_loop3A_34 = arith.index_cast %parallel_loop3A_23 : i32 to index
      %parallel_loop3A_35 = arith.constant 32 : index
      %parallel_loop3A_36 = tpu.vector_load %arg11[%parallel_loop3A_34, %parallel_loop3A_35] {strides = array<i32>} : memref<256x256xf32, #tpu.memory_space<vmem>>, vector<1x16xf32>,
      %parallel_loop3A_37 = vector.shape_cast %parallel_loop3A_36 : vector<1x16xf32> to vector<16xf32>
      %parallel_loop3A_38 = vector.shape_cast %broadcast_in_dim3A_3 : vector<16xf32> to vector<1x16xf32>
      tpu.vector_store %arg11[%parallel_loop3A_34, %parallel_loop3A_35], %parallel_loop3A_38 {strides = array<i32>} : memref<256x256xf32, #tpu.memory_space<vmem>>, vector<1x16xf32>,
      %parallel_loop3A_39 = arith.index_cast %parallel_loop3A_23 : i32 to index
      %parallel_loop3A_40 = arith.constant 48 : index
      %parallel_loop3A_41 = tpu.vector_load %arg11[%parallel_loop3A_39, %parallel_loop3A_40] {strides = array<i32>} : memref<256x256xf32, #tpu.memory_space<vmem>>, vector<1x16xf32>,
      %parallel_loop3A_42 = vector.shape_cast %parallel_loop3A_41 : vector<1x16xf32> to vector<16xf32>
      %parallel_loop3A_43 = vector.shape_cast %broadcast_in_dim3A_3 : vector<16xf32> to vector<1x16xf32>
      tpu.vector_store %arg11[%parallel_loop3A_39, %parallel_loop3A_40], %parallel_loop3A_43 {strides = array<i32>} : memref<256x256xf32, #tpu.memory_space<vmem>>, vector<1x16xf32>,
      %parallel_loop3A_44 = arith.index_cast %parallel_loop3A_23 : i32 to index
      %parallel_loop3A_45 = arith.constant 64 : index
      %parallel_loop3A_46 = tpu.vector_load %arg11[%parallel_loop3A_44, %parallel_loop3A_45] {strides = array<i32>} : memref<256x256xf32, #tpu.memory_space<vmem>>, vector<1x16xf32>,
      %parallel_loop3A_47 = vector.shape_cast %parallel_loop3A_46 : vector<1x16xf32> to vector<16xf32>
      %parallel_loop3A_48 = vector.shape_cast %broadcast_in_dim3A_3 : vector<16xf32> to vector<1x16xf32>
      tpu.vector_store %arg11[%parallel_loop3A_44, %parallel_loop3A_45], %parallel_loop3A_48 {strides = array<i32>} : memref<256x256xf32, #tpu.memory_space<vmem>>, vector<1x16xf32>,
      %parallel_loop3A_49 = arith.index_cast %parallel_loop3A_23 : i32 to index
      %parallel_loop3A_50 = arith.constant 80 : index
      %parallel_loop3A_51 = tpu.vector_load %arg11[%parallel_loop3A_49, %parallel_loop3A_50] {strides = array<i32>} : memref<256x256xf32, #tpu.memory_space<vmem>>, vector<1x16xf32>,
      %parallel_loop3A_52 = vector.shape_cast %parallel_loop3A_51 : vector<1x16xf32> to vector<16xf32>
      %parallel_loop3A_53 = vector.shape_cast %broadcast_in_dim3A_3 : vector<16xf32> to vector<1x16xf32>
      tpu.vector_store %arg11[%parallel_loop3A_49, %parallel_loop3A_50], %parallel_loop3A_53 {strides = array<i32>} : memref<256x256xf32, #tpu.memory_space<vmem>>, vector<1x16xf32>,
      %parallel_loop3A_54 = arith.index_cast %parallel_loop3A_23 : i32 to index
      %parallel_loop3A_55 = arith.constant 96 : index
      %parallel_loop3A_56 = tpu.vector_load %arg11[%parallel_loop3A_54, %parallel_loop3A_55] {strides = array<i32>} : memref<256x256xf32, #tpu.memory_space<vmem>>, vector<1x16xf32>,
      %parallel_loop3A_57 = vector.shape_cast %parallel_loop3A_56 : vector<1x16xf32> to vector<16xf32>
      %parallel_loop3A_58 = vector.shape_cast %broadcast_in_dim3A_3 : vector<16xf32> to vector<1x16xf32>
      tpu.vector_store %arg11[%parallel_loop3A_54, %parallel_loop3A_55], %parallel_loop3A_58 {strides = array<i32>} : memref<256x256xf32, #tpu.memory_space<vmem>>, vector<1x16xf32>,
      %parallel_loop3A_59 = arith.index_cast %parallel_loop3A_23 : i32 to index
      %parallel_loop3A_60 = arith.constant 112 : index
      %parallel_loop3A_61 = tpu.vector_load %arg11[%parallel_loop3A_59, %parallel_loop3A_60] {strides = array<i32>} : memref<256x256xf32, #tpu.memory_space<vmem>>, vector<1x16xf32>,
      %parallel_loop3A_62 = vector.shape_cast %parallel_loop3A_61 : vector<1x16xf32> to vector<16xf32>
      %parallel_loop3A_63 = vector.shape_cast %broadcast_in_dim3A_3 : vector<16xf32> to vector<1x16xf32>
      tpu.vector_store %arg11[%parallel_loop3A_59, %parallel_loop3A_60], %parallel_loop3A_63 {strides = array<i32>} : memref<256x256xf32, #tpu.memory_space<vmem>>, vector<1x16xf32>,
      %parallel_loop3A_64 = arith.index_cast %parallel_loop3A_23 : i32 to index
      %parallel_loop3A_65 = arith.constant 128 : index
      %parallel_loop3A_66 = tpu.vector_load %arg11[%parallel_loop3A_64, %parallel_loop3A_65] {strides = array<i32>} : memref<256x256xf32, #tpu.memory_space<vmem>>, vector<1x16xf32>,
      %parallel_loop3A_67 = vector.shape_cast %parallel_loop3A_66 : vector<1x16xf32> to vector<16xf32>
      %parallel_loop3A_68 = vector.shape_cast %broadcast_in_dim3A_3 : vector<16xf32> to vector<1x16xf32>
      tpu.vector_store %arg11[%parallel_loop3A_64, %parallel_loop3A_65], %parallel_loop3A_68 {strides = array<i32>} : memref<256x256xf32, #tpu.memory_space<vmem>>, vector<1x16xf32>,
      %parallel_loop3A_69 = arith.index_cast %parallel_loop3A_23 : i32 to index
      %parallel_loop3A_70 = arith.constant 144 : index
      %parallel_loop3A_71 = tpu.vector_load %arg11[%parallel_loop3A_69, %parallel_loop3A_70] {strides = array<i32>} : memref<256x256xf32, #tpu.memory_space<vmem>>, vector<1x16xf32>,
      %parallel_loop3A_72 = vector.shape_cast %parallel_loop3A_71 : vector<1x16xf32> to vector<16xf32>
      %parallel_loop3A_73 = vector.shape_cast %broadcast_in_dim3A_3 : vector<16xf32> to vector<1x16xf32>
      tpu.vector_store %arg11[%parallel_loop3A_69, %parallel_loop3A_70], %parallel_loop3A_73 {strides = array<i32>} : memref<256x256xf32, #tpu.memory_space<vmem>>, vector<1x16xf32>,
      %parallel_loop3A_74 = arith.index_cast %parallel_loop3A_23 : i32 to index
      %parallel_loop3A_75 = arith.constant 160 : index
      %parallel_loop3A_76 = tpu.vector_load %arg11[%parallel_loop3A_74, %parallel_loop3A_75] {strides = array<i32>} : memref<256x256xf32, #tpu.memory_space<vmem>>, vector<1x16xf32>,
      %parallel_loop3A_77 = vector.shape_cast %parallel_loop3A_76 : vector<1x16xf32> to vector<16xf32>
      %parallel_loop3A_78 = vector.shape_cast %broadcast_in_dim3A_3 : vector<16xf32> to vector<1x16xf32>
      tpu.vector_store %arg11[%parallel_loop3A_74, %parallel_loop3A_75], %parallel_loop3A_78 {strides = array<i32>} : memref<256x256xf32, #tpu.memory_space<vmem>>, vector<1x16xf32>,
      %parallel_loop3A_79 = arith.index_cast %parallel_loop3A_23 : i32 to index
      %parallel_loop3A_80 = arith.constant 176 : index
      %parallel_loop3A_81 = tpu.vector_load %arg11[%parallel_loop3A_79, %parallel_loop3A_80] {strides = array<i32>} : memref<256x256xf32, #tpu.memory_space<vmem>>, vector<1x16xf32>,
      %parallel_loop3A_82 = vector.shape_cast %parallel_loop3A_81 : vector<1x16xf32> to vector<16xf32>
      %parallel_loop3A_83 = vector.shape_cast %broadcast_in_dim3A_3 : vector<16xf32> to vector<1x16xf32>
      tpu.vector_store %arg11[%parallel_loop3A_79, %parallel_loop3A_80], %parallel_loop3A_83 {strides = array<i32>} : memref<256x256xf32, #tpu.memory_space<vmem>>, vector<1x16xf32>,
      %parallel_loop3A_84 = arith.index_cast %parallel_loop3A_23 : i32 to index
      %parallel_loop3A_85 = arith.constant 192 : index
      %parallel_loop3A_86 = tpu.vector_load %arg11[%parallel_loop3A_84, %parallel_loop3A_85] {strides = array<i32>} : memref<256x256xf32, #tpu.memory_space<vmem>>, vector<1x16xf32>,
      %parallel_loop3A_87 = vector.shape_cast %parallel_loop3A_86 : vector<1x16xf32> to vector<16xf32>
      %parallel_loop3A_88 = vector.shape_cast %broadcast_in_dim3A_3 : vector<16xf32> to vector<1x16xf32>
      tpu.vector_store %arg11[%parallel_loop3A_84, %parallel_loop3A_85], %parallel_loop3A_88 {strides = array<i32>} : memref<256x256xf32, #tpu.memory_space<vmem>>, vector<1x16xf32>,
      %parallel_loop3A_89 = arith.index_cast %parallel_loop3A_23 : i32 to index
      %parallel_loop3A_90 = arith.constant 208 : index
      %parallel_loop3A_91 = tpu.vector_load %arg11[%parallel_loop3A_89, %parallel_loop3A_90] {strides = array<i32>} : memref<256x256xf32, #tpu.memory_space<vmem>>, vector<1x16xf32>,
      %parallel_loop3A_92 = vector.shape_cast %parallel_loop3A_91 : vector<1x16xf32> to vector<16xf32>
      %parallel_loop3A_93 = vector.shape_cast %broadcast_in_dim3A_3 : vector<16xf32> to vector<1x16xf32>
      tpu.vector_store %arg11[%parallel_loop3A_89, %parallel_loop3A_90], %parallel_loop3A_93 {strides = array<i32>} : memref<256x256xf32, #tpu.memory_space<vmem>>, vector<1x16xf32>,
      %parallel_loop3A_94 = arith.index_cast %parallel_loop3A_23 : i32 to index
      %parallel_loop3A_95 = arith.constant 224 : index
      %parallel_loop3A_96 = tpu.vector_load %arg11[%parallel_loop3A_94, %parallel_loop3A_95] {strides = array<i32>} : memref<256x256xf32, #tpu.memory_space<vmem>>, vector<1x16xf32>,
      %parallel_loop3A_97 = vector.shape_cast %parallel_loop3A_96 : vector<1x16xf32> to vector<16xf32>
      %parallel_loop3A_98 = vector.shape_cast %broadcast_in_dim3A_3 : vector<16xf32> to vector<1x16xf32>
      tpu.vector_store %arg11[%parallel_loop3A_94, %parallel_loop3A_95], %parallel_loop3A_98 {strides = array<i32>} : memref<256x256xf32, #tpu.memory_space<vmem>>, vector<1x16xf32>,
      %parallel_loop3A_99 = arith.index_cast %parallel_loop3A_23 : i32 to index
      %parallel_loop3A_100 = arith.constant 240 : index
      %parallel_loop3A_101 = tpu.vector_load %arg11[%parallel_loop3A_99, %parallel_loop3A_100] {strides = array<i32>} : memref<256x256xf32, #tpu.memory_space<vmem>>, vector<1x16xf32>,
      %parallel_loop3A_102 = vector.shape_cast %parallel_loop3A_101 : vector<1x16xf32> to vector<16xf32>
      %parallel_loop3A_103 = vector.shape_cast %broadcast_in_dim3A_3 : vector<16xf32> to vector<1x16xf32>
      tpu.vector_store %arg11[%parallel_loop3A_99, %parallel_loop3A_100], %parallel_loop3A_103 {strides = array<i32>} : memref<256x256xf32, #tpu.memory_space<vmem>>, vector<1x16xf32>,
    } {sc.loop_unroll_factor = 1 : i64, sc.parallel_access}
    %scan3A_16 = arith.constant 0 : i32
    %scan3A_17 = arith.constant 0 : i32
    %scan3A_18 = arith.constant 32 : i32
    %scan3A_19 = arith.addi %scan3A_17, %scan3A_18 : i32
    %scan3A_20 = arith.constant 1 : i32
    scf.for %scan3A_23 = %scan3A_17 to %scan3A_19 step %scan3A_20  : i32 {
      "tpu.region"() ({
        %run_scoped3A_91 = tpu.sem_alloc : memref<!tpu.dma_semaphore, #tpu.memory_space<semaphore_mem>>
        %dma_start3A = arith.constant 0 : i32
        %dma_start3A_92 = arith.constant 0 : i32
        %dma_start3A_93 = tpu.memref_slice %arg4[%scan3A_23, %dma_start3A, %dma_start3A_92] : memref<32x2x4096xi32, #tpu.memory_space<hbm>> -> memref<1x2x4096xi32, #tpu.memory_space<hbm>>
        %dma_start3A_94 = tpu.memref_squeeze %dma_start3A_93 : memref<1x2x4096xi32, #tpu.memory_space<hbm>> -> memref<2x4096xi32, #tpu.memory_space<hbm>>
        %dma_start3A_95 = arith.constant 0 : i32
        %dma_start3A_96 = arith.constant 0 : i32
        %dma_start3A_97 = tpu.memref_slice %arg4[%scan3A_23, %dma_start3A_95, %dma_start3A_96] : memref<32x2x4096xi32, #tpu.memory_space<hbm>> -> memref<1x2x4096xi32, #tpu.memory_space<hbm>>
        %dma_start3A_98 = tpu.memref_squeeze %dma_start3A_97 : memref<1x2x4096xi32, #tpu.memory_space<hbm>> -> memref<2x4096xi32, #tpu.memory_space<hbm>>
        tpu.enqueue_dma source(%dma_start3A_98 : memref<2x4096xi32, #tpu.memory_space<hbm>>) target(%arg7 : memref<2x4096xi32, #tpu.memory_space<vmem>>) target_semaphore(%run_scoped3A_91 : memref<!tpu.dma_semaphore, #tpu.memory_space<semaphore_mem>>)
        %dma_wait3A = arith.constant 0 : i32
        %dma_wait3A_99 = arith.constant 0 : i32
        %dma_wait3A_100 = tpu.memref_slice %arg4[%scan3A_23, %dma_wait3A, %dma_wait3A_99] : memref<32x2x4096xi32, #tpu.memory_space<hbm>> -> memref<1x2x4096xi32, #tpu.memory_space<hbm>>
        %dma_wait3A_101 = tpu.memref_squeeze %dma_wait3A_100 : memref<1x2x4096xi32, #tpu.memory_space<hbm>> -> memref<2x4096xi32, #tpu.memory_space<hbm>>
        %dma_wait3A_102 = arith.constant 0 : i32
        %dma_wait3A_103 = arith.constant 0 : i32
        %dma_wait3A_104 = tpu.memref_slice %arg4[%scan3A_23, %dma_wait3A_102, %dma_wait3A_103] : memref<32x2x4096xi32, #tpu.memory_space<hbm>> -> memref<1x2x4096xi32, #tpu.memory_space<hbm>>
        %dma_wait3A_105 = tpu.memref_squeeze %dma_wait3A_104 : memref<1x2x4096xi32, #tpu.memory_space<hbm>> -> memref<2x4096xi32, #tpu.memory_space<hbm>>
        tpu.wait_dma2 semaphore(%run_scoped3A_91 : memref<!tpu.dma_semaphore, #tpu.memory_space<semaphore_mem>>) src(%dma_wait3A_105 : memref<2x4096xi32, #tpu.memory_space<hbm>>) dst(%arg7 : memref<2x4096xi32, #tpu.memory_space<vmem>>)
        tpu.yield
      }) : () -> ()
      %scan3A_24 = arith.constant 0 : i32
      %scan3A_25 = arith.constant 0 : i32
      %scan3A_26 = arith.constant 256 : i32
      %scan3A_27 = arith.addi %scan3A_25, %scan3A_26 : i32
      %scan3A_28 = arith.constant 1 : i32
      %scan3A_29 = scf.for %scan3A_91 = %scan3A_25 to %scan3A_27 step %scan3A_28 iter_args(%scan3A_92 = %scan3A_24) -> (i32)  : i32 {
        %mul3A_93 = arith.constant 16 : i32
        %mul3A_94 = arith.muli %scan3A_91, %mul3A_93 : i32
        %get3A = arith.constant 0 : i32
        %get3A_95 = arith.index_cast %get3A : i32 to index
        %get3A_96 = arith.index_cast %mul3A_94 : i32 to index
        %get3A_97 = tpu.vector_load %arg7[%get3A_95, %get3A_96] {strides = array<i32>} : memref<2x4096xi32, #tpu.memory_space<vmem>>, vector<1x16xi32>,
        %get3A_98 = vector.shape_cast %get3A_97 : vector<1x16xi32> to vector<16xi32>
        %mul3A_99 = arith.constant 16 : i32
        %mul3A_100 = arith.muli %scan3A_91, %mul3A_99 : i32
        %get3A_101 = arith.constant 1 : i32
        %get3A_102 = arith.index_cast %get3A_101 : i32 to index
        %get3A_103 = arith.index_cast %mul3A_100 : i32 to index
        %get3A_104 = tpu.vector_load %arg7[%get3A_102, %get3A_103] {strides = array<i32>} : memref<2x4096xi32, #tpu.memory_space<vmem>>, vector<1x16xi32>,
        %get3A_105 = vector.shape_cast %get3A_104 : vector<1x16xi32> to vector<16xi32>
        %sub3A_106 = vector.broadcast %mul3A_2 : i32 to vector<16xi32>
        %sub3A_107 = arith.subi %get3A_105, %sub3A_106 : vector<16xi32>
        %sub3A_108 = arith.constant 255 : i32
        %sub3A_109 = vector.broadcast %sub3A_108 : i32 to vector<16xi32>
        %sub3A_110 = arith.subi %sub3A_109, %sub3A_107 : vector<16xi32>
        %or3A = arith.ori %sub3A_107, %sub3A_110 : vector<16xi32>
        %shift_right_arithmetic3A = arith.constant 31 : i32
        %shift_right_arithmetic3A_111 = vector.broadcast %shift_right_arithmetic3A : i32 to vector<16xi32>
        %shift_right_arithmetic3A_112 = arith.shrsi %or3A, %shift_right_arithmetic3A_111 : vector<16xi32>
        %add3A_113 = arith.constant 1 : i32
        %add3A_114 = vector.broadcast %add3A_113 : i32 to vector<16xi32>
        %add3A_115 = arith.addi %shift_right_arithmetic3A_112, %add3A_114 : vector<16xi32>
        %shift_left3A = arith.constant 8 : i32
        %shift_left3A_116 = vector.broadcast %shift_left3A : i32 to vector<16xi32>
        %shift_left3A_117 = arith.shli %get3A_98, %shift_left3A_116 : vector<16xi32>
        %add3A_118 = arith.addi %shift_left3A_117, %sub3A_107 : vector<16xi32>
        %slice3A = vector.extract_strided_slice %add3A_118 {offsets = [0], sizes = [1], strides = [1]} : vector<16xi32> to vector<1xi32>
        %squeeze3A = vector.extract %slice3A[0] : i32 from vector<1xi32>
        %broadcast_in_dim3A_119 = vector.broadcast %squeeze3A : i32 to vector<16xi32>
        %swap3A_120 = arith.index_cast %scan3A_92 : i32 to index
        %swap3A_121 = tpu.vector_load %arg8[%swap3A_120] {strides = array<i32>} : memref<4160xi32, #tpu.memory_space<vmem>>, vector<16xi32>,
        %swap3A_122 = vector.shape_cast %swap3A_121 : vector<16xi32> to vector<16xi32>
        %swap3A_123 = vector.shape_cast %broadcast_in_dim3A_119 : vector<16xi32> to vector<16xi32>
        tpu.vector_store %arg8[%swap3A_120], %swap3A_123 {strides = array<i32>} : memref<4160xi32, #tpu.memory_space<vmem>>, vector<16xi32>,
        %slice3A_124 = vector.extract_strided_slice %add3A_115 {offsets = [0], sizes = [1], strides = [1]} : vector<16xi32> to vector<1xi32>
        %squeeze3A_125 = vector.extract %slice3A_124[0] : i32 from vector<1xi32>
        %add3A_126 = arith.addi %scan3A_92, %squeeze3A_125 : i32
        %slice3A_127 = vector.extract_strided_slice %add3A_118 {offsets = [1], sizes = [1], strides = [1]} : vector<16xi32> to vector<1xi32>
        %squeeze3A_128 = vector.extract %slice3A_127[0] : i32 from vector<1xi32>
        %broadcast_in_dim3A_129 = vector.broadcast %squeeze3A_128 : i32 to vector<16xi32>
        %swap3A_130 = arith.index_cast %add3A_126 : i32 to index
        %swap3A_131 = tpu.vector_load %arg8[%swap3A_130] {strides = array<i32>} : memref<4160xi32, #tpu.memory_space<vmem>>, vector<16xi32>,
        %swap3A_132 = vector.shape_cast %swap3A_131 : vector<16xi32> to vector<16xi32>
        %swap3A_133 = vector.shape_cast %broadcast_in_dim3A_129 : vector<16xi32> to vector<16xi32>
        tpu.vector_store %arg8[%swap3A_130], %swap3A_133 {strides = array<i32>} : memref<4160xi32, #tpu.memory_space<vmem>>, vector<16xi32>,
        %slice3A_134 = vector.extract_strided_slice %add3A_115 {offsets = [1], sizes = [1], strides = [1]} : vector<16xi32> to vector<1xi32>
        %squeeze3A_135 = vector.extract %slice3A_134[0] : i32 from vector<1xi32>
        %add3A_136 = arith.addi %add3A_126, %squeeze3A_135 : i32
        %slice3A_137 = vector.extract_strided_slice %add3A_118 {offsets = [2], sizes = [1], strides = [1]} : vector<16xi32> to vector<1xi32>
        %squeeze3A_138 = vector.extract %slice3A_137[0] : i32 from vector<1xi32>
        %broadcast_in_dim3A_139 = vector.broadcast %squeeze3A_138 : i32 to vector<16xi32>
        %swap3A_140 = arith.index_cast %add3A_136 : i32 to index
        %swap3A_141 = tpu.vector_load %arg8[%swap3A_140] {strides = array<i32>} : memref<4160xi32, #tpu.memory_space<vmem>>, vector<16xi32>,
        %swap3A_142 = vector.shape_cast %swap3A_141 : vector<16xi32> to vector<16xi32>
        %swap3A_143 = vector.shape_cast %broadcast_in_dim3A_139 : vector<16xi32> to vector<16xi32>
        tpu.vector_store %arg8[%swap3A_140], %swap3A_143 {strides = array<i32>} : memref<4160xi32, #tpu.memory_space<vmem>>, vector<16xi32>,
        %slice3A_144 = vector.extract_strided_slice %add3A_115 {offsets = [2], sizes = [1], strides = [1]} : vector<16xi32> to vector<1xi32>
        %squeeze3A_145 = vector.extract %slice3A_144[0] : i32 from vector<1xi32>
        %add3A_146 = arith.addi %add3A_136, %squeeze3A_145 : i32
        %slice3A_147 = vector.extract_strided_slice %add3A_118 {offsets = [3], sizes = [1], strides = [1]} : vector<16xi32> to vector<1xi32>
        %squeeze3A_148 = vector.extract %slice3A_147[0] : i32 from vector<1xi32>
        %broadcast_in_dim3A_149 = vector.broadcast %squeeze3A_148 : i32 to vector<16xi32>
        %swap3A_150 = arith.index_cast %add3A_146 : i32 to index
        %swap3A_151 = tpu.vector_load %arg8[%swap3A_150] {strides = array<i32>} : memref<4160xi32, #tpu.memory_space<vmem>>, vector<16xi32>,
        %swap3A_152 = vector.shape_cast %swap3A_151 : vector<16xi32> to vector<16xi32>
        %swap3A_153 = vector.shape_cast %broadcast_in_dim3A_149 : vector<16xi32> to vector<16xi32>
        tpu.vector_store %arg8[%swap3A_150], %swap3A_153 {strides = array<i32>} : memref<4160xi32, #tpu.memory_space<vmem>>, vector<16xi32>,
        %slice3A_154 = vector.extract_strided_slice %add3A_115 {offsets = [3], sizes = [1], strides = [1]} : vector<16xi32> to vector<1xi32>
        %squeeze3A_155 = vector.extract %slice3A_154[0] : i32 from vector<1xi32>
        %add3A_156 = arith.addi %add3A_146, %squeeze3A_155 : i32
        %slice3A_157 = vector.extract_strided_slice %add3A_118 {offsets = [4], sizes = [1], strides = [1]} : vector<16xi32> to vector<1xi32>
        %squeeze3A_158 = vector.extract %slice3A_157[0] : i32 from vector<1xi32>
        %broadcast_in_dim3A_159 = vector.broadcast %squeeze3A_158 : i32 to vector<16xi32>
        %swap3A_160 = arith.index_cast %add3A_156 : i32 to index
        %swap3A_161 = tpu.vector_load %arg8[%swap3A_160] {strides = array<i32>} : memref<4160xi32, #tpu.memory_space<vmem>>, vector<16xi32>,
        %swap3A_162 = vector.shape_cast %swap3A_161 : vector<16xi32> to vector<16xi32>
        %swap3A_163 = vector.shape_cast %broadcast_in_dim3A_159 : vector<16xi32> to vector<16xi32>
        tpu.vector_store %arg8[%swap3A_160], %swap3A_163 {strides = array<i32>} : memref<4160xi32, #tpu.memory_space<vmem>>, vector<16xi32>,
        %slice3A_164 = vector.extract_strided_slice %add3A_115 {offsets = [4], sizes = [1], strides = [1]} : vector<16xi32> to vector<1xi32>
        %squeeze3A_165 = vector.extract %slice3A_164[0] : i32 from vector<1xi32>
        %add3A_166 = arith.addi %add3A_156, %squeeze3A_165 : i32
        %slice3A_167 = vector.extract_strided_slice %add3A_118 {offsets = [5], sizes = [1], strides = [1]} : vector<16xi32> to vector<1xi32>
        %squeeze3A_168 = vector.extract %slice3A_167[0] : i32 from vector<1xi32>
        %broadcast_in_dim3A_169 = vector.broadcast %squeeze3A_168 : i32 to vector<16xi32>
        %swap3A_170 = arith.index_cast %add3A_166 : i32 to index
        %swap3A_171 = tpu.vector_load %arg8[%swap3A_170] {strides = array<i32>} : memref<4160xi32, #tpu.memory_space<vmem>>, vector<16xi32>,
        %swap3A_172 = vector.shape_cast %swap3A_171 : vector<16xi32> to vector<16xi32>
        %swap3A_173 = vector.shape_cast %broadcast_in_dim3A_169 : vector<16xi32> to vector<16xi32>
        tpu.vector_store %arg8[%swap3A_170], %swap3A_173 {strides = array<i32>} : memref<4160xi32, #tpu.memory_space<vmem>>, vector<16xi32>,
        %slice3A_174 = vector.extract_strided_slice %add3A_115 {offsets = [5], sizes = [1], strides = [1]} : vector<16xi32> to vector<1xi32>
        %squeeze3A_175 = vector.extract %slice3A_174[0] : i32 from vector<1xi32>
        %add3A_176 = arith.addi %add3A_166, %squeeze3A_175 : i32
        %slice3A_177 = vector.extract_strided_slice %add3A_118 {offsets = [6], sizes = [1], strides = [1]} : vector<16xi32> to vector<1xi32>
        %squeeze3A_178 = vector.extract %slice3A_177[0] : i32 from vector<1xi32>
        %broadcast_in_dim3A_179 = vector.broadcast %squeeze3A_178 : i32 to vector<16xi32>
        %swap3A_180 = arith.index_cast %add3A_176 : i32 to index
        %swap3A_181 = tpu.vector_load %arg8[%swap3A_180] {strides = array<i32>} : memref<4160xi32, #tpu.memory_space<vmem>>, vector<16xi32>,
        %swap3A_182 = vector.shape_cast %swap3A_181 : vector<16xi32> to vector<16xi32>
        %swap3A_183 = vector.shape_cast %broadcast_in_dim3A_179 : vector<16xi32> to vector<16xi32>
        tpu.vector_store %arg8[%swap3A_180], %swap3A_183 {strides = array<i32>} : memref<4160xi32, #tpu.memory_space<vmem>>, vector<16xi32>,
        %slice3A_184 = vector.extract_strided_slice %add3A_115 {offsets = [6], sizes = [1], strides = [1]} : vector<16xi32> to vector<1xi32>
        %squeeze3A_185 = vector.extract %slice3A_184[0] : i32 from vector<1xi32>
        %add3A_186 = arith.addi %add3A_176, %squeeze3A_185 : i32
        %slice3A_187 = vector.extract_strided_slice %add3A_118 {offsets = [7], sizes = [1], strides = [1]} : vector<16xi32> to vector<1xi32>
        %squeeze3A_188 = vector.extract %slice3A_187[0] : i32 from vector<1xi32>
        %broadcast_in_dim3A_189 = vector.broadcast %squeeze3A_188 : i32 to vector<16xi32>
        %swap3A_190 = arith.index_cast %add3A_186 : i32 to index
        %swap3A_191 = tpu.vector_load %arg8[%swap3A_190] {strides = array<i32>} : memref<4160xi32, #tpu.memory_space<vmem>>, vector<16xi32>,
        %swap3A_192 = vector.shape_cast %swap3A_191 : vector<16xi32> to vector<16xi32>
        %swap3A_193 = vector.shape_cast %broadcast_in_dim3A_189 : vector<16xi32> to vector<16xi32>
        tpu.vector_store %arg8[%swap3A_190], %swap3A_193 {strides = array<i32>} : memref<4160xi32, #tpu.memory_space<vmem>>, vector<16xi32>,
        %slice3A_194 = vector.extract_strided_slice %add3A_115 {offsets = [7], sizes = [1], strides = [1]} : vector<16xi32> to vector<1xi32>
        %squeeze3A_195 = vector.extract %slice3A_194[0] : i32 from vector<1xi32>
        %add3A_196 = arith.addi %add3A_186, %squeeze3A_195 : i32
        %slice3A_197 = vector.extract_strided_slice %add3A_118 {offsets = [8], sizes = [1], strides = [1]} : vector<16xi32> to vector<1xi32>
        %squeeze3A_198 = vector.extract %slice3A_197[0] : i32 from vector<1xi32>
        %broadcast_in_dim3A_199 = vector.broadcast %squeeze3A_198 : i32 to vector<16xi32>
        %swap3A_200 = arith.index_cast %add3A_196 : i32 to index
        %swap3A_201 = tpu.vector_load %arg8[%swap3A_200] {strides = array<i32>} : memref<4160xi32, #tpu.memory_space<vmem>>, vector<16xi32>,
        %swap3A_202 = vector.shape_cast %swap3A_201 : vector<16xi32> to vector<16xi32>
        %swap3A_203 = vector.shape_cast %broadcast_in_dim3A_199 : vector<16xi32> to vector<16xi32>
        tpu.vector_store %arg8[%swap3A_200], %swap3A_203 {strides = array<i32>} : memref<4160xi32, #tpu.memory_space<vmem>>, vector<16xi32>,
        %slice3A_204 = vector.extract_strided_slice %add3A_115 {offsets = [8], sizes = [1], strides = [1]} : vector<16xi32> to vector<1xi32>
        %squeeze3A_205 = vector.extract %slice3A_204[0] : i32 from vector<1xi32>
        %add3A_206 = arith.addi %add3A_196, %squeeze3A_205 : i32
        %slice3A_207 = vector.extract_strided_slice %add3A_118 {offsets = [9], sizes = [1], strides = [1]} : vector<16xi32> to vector<1xi32>
        %squeeze3A_208 = vector.extract %slice3A_207[0] : i32 from vector<1xi32>
        %broadcast_in_dim3A_209 = vector.broadcast %squeeze3A_208 : i32 to vector<16xi32>
        %swap3A_210 = arith.index_cast %add3A_206 : i32 to index
        %swap3A_211 = tpu.vector_load %arg8[%swap3A_210] {strides = array<i32>} : memref<4160xi32, #tpu.memory_space<vmem>>, vector<16xi32>,
        %swap3A_212 = vector.shape_cast %swap3A_211 : vector<16xi32> to vector<16xi32>
        %swap3A_213 = vector.shape_cast %broadcast_in_dim3A_209 : vector<16xi32> to vector<16xi32>
        tpu.vector_store %arg8[%swap3A_210], %swap3A_213 {strides = array<i32>} : memref<4160xi32, #tpu.memory_space<vmem>>, vector<16xi32>,
        %slice3A_214 = vector.extract_strided_slice %add3A_115 {offsets = [9], sizes = [1], strides = [1]} : vector<16xi32> to vector<1xi32>
        %squeeze3A_215 = vector.extract %slice3A_214[0] : i32 from vector<1xi32>
        %add3A_216 = arith.addi %add3A_206, %squeeze3A_215 : i32
        %slice3A_217 = vector.extract_strided_slice %add3A_118 {offsets = [10], sizes = [1], strides = [1]} : vector<16xi32> to vector<1xi32>
        %squeeze3A_218 = vector.extract %slice3A_217[0] : i32 from vector<1xi32>
        %broadcast_in_dim3A_219 = vector.broadcast %squeeze3A_218 : i32 to vector<16xi32>
        %swap3A_220 = arith.index_cast %add3A_216 : i32 to index
        %swap3A_221 = tpu.vector_load %arg8[%swap3A_220] {strides = array<i32>} : memref<4160xi32, #tpu.memory_space<vmem>>, vector<16xi32>,
        %swap3A_222 = vector.shape_cast %swap3A_221 : vector<16xi32> to vector<16xi32>
        %swap3A_223 = vector.shape_cast %broadcast_in_dim3A_219 : vector<16xi32> to vector<16xi32>
        tpu.vector_store %arg8[%swap3A_220], %swap3A_223 {strides = array<i32>} : memref<4160xi32, #tpu.memory_space<vmem>>, vector<16xi32>,
        %slice3A_224 = vector.extract_strided_slice %add3A_115 {offsets = [10], sizes = [1], strides = [1]} : vector<16xi32> to vector<1xi32>
        %squeeze3A_225 = vector.extract %slice3A_224[0] : i32 from vector<1xi32>
        %add3A_226 = arith.addi %add3A_216, %squeeze3A_225 : i32
        %slice3A_227 = vector.extract_strided_slice %add3A_118 {offsets = [11], sizes = [1], strides = [1]} : vector<16xi32> to vector<1xi32>
        %squeeze3A_228 = vector.extract %slice3A_227[0] : i32 from vector<1xi32>
        %broadcast_in_dim3A_229 = vector.broadcast %squeeze3A_228 : i32 to vector<16xi32>
        %swap3A_230 = arith.index_cast %add3A_226 : i32 to index
        %swap3A_231 = tpu.vector_load %arg8[%swap3A_230] {strides = array<i32>} : memref<4160xi32, #tpu.memory_space<vmem>>, vector<16xi32>,
        %swap3A_232 = vector.shape_cast %swap3A_231 : vector<16xi32> to vector<16xi32>
        %swap3A_233 = vector.shape_cast %broadcast_in_dim3A_229 : vector<16xi32> to vector<16xi32>
        tpu.vector_store %arg8[%swap3A_230], %swap3A_233 {strides = array<i32>} : memref<4160xi32, #tpu.memory_space<vmem>>, vector<16xi32>,
        %slice3A_234 = vector.extract_strided_slice %add3A_115 {offsets = [11], sizes = [1], strides = [1]} : vector<16xi32> to vector<1xi32>
        %squeeze3A_235 = vector.extract %slice3A_234[0] : i32 from vector<1xi32>
        %add3A_236 = arith.addi %add3A_226, %squeeze3A_235 : i32
        %slice3A_237 = vector.extract_strided_slice %add3A_118 {offsets = [12], sizes = [1], strides = [1]} : vector<16xi32> to vector<1xi32>
        %squeeze3A_238 = vector.extract %slice3A_237[0] : i32 from vector<1xi32>
        %broadcast_in_dim3A_239 = vector.broadcast %squeeze3A_238 : i32 to vector<16xi32>
        %swap3A_240 = arith.index_cast %add3A_236 : i32 to index
        %swap3A_241 = tpu.vector_load %arg8[%swap3A_240] {strides = array<i32>} : memref<4160xi32, #tpu.memory_space<vmem>>, vector<16xi32>,
        %swap3A_242 = vector.shape_cast %swap3A_241 : vector<16xi32> to vector<16xi32>
        %swap3A_243 = vector.shape_cast %broadcast_in_dim3A_239 : vector<16xi32> to vector<16xi32>
        tpu.vector_store %arg8[%swap3A_240], %swap3A_243 {strides = array<i32>} : memref<4160xi32, #tpu.memory_space<vmem>>, vector<16xi32>,
        %slice3A_244 = vector.extract_strided_slice %add3A_115 {offsets = [12], sizes = [1], strides = [1]} : vector<16xi32> to vector<1xi32>
        %squeeze3A_245 = vector.extract %slice3A_244[0] : i32 from vector<1xi32>
        %add3A_246 = arith.addi %add3A_236, %squeeze3A_245 : i32
        %slice3A_247 = vector.extract_strided_slice %add3A_118 {offsets = [13], sizes = [1], strides = [1]} : vector<16xi32> to vector<1xi32>
        %squeeze3A_248 = vector.extract %slice3A_247[0] : i32 from vector<1xi32>
        %broadcast_in_dim3A_249 = vector.broadcast %squeeze3A_248 : i32 to vector<16xi32>
        %swap3A_250 = arith.index_cast %add3A_246 : i32 to index
        %swap3A_251 = tpu.vector_load %arg8[%swap3A_250] {strides = array<i32>} : memref<4160xi32, #tpu.memory_space<vmem>>, vector<16xi32>,
        %swap3A_252 = vector.shape_cast %swap3A_251 : vector<16xi32> to vector<16xi32>
        %swap3A_253 = vector.shape_cast %broadcast_in_dim3A_249 : vector<16xi32> to vector<16xi32>
        tpu.vector_store %arg8[%swap3A_250], %swap3A_253 {strides = array<i32>} : memref<4160xi32, #tpu.memory_space<vmem>>, vector<16xi32>,
        %slice3A_254 = vector.extract_strided_slice %add3A_115 {offsets = [13], sizes = [1], strides = [1]} : vector<16xi32> to vector<1xi32>
        %squeeze3A_255 = vector.extract %slice3A_254[0] : i32 from vector<1xi32>
        %add3A_256 = arith.addi %add3A_246, %squeeze3A_255 : i32
        %slice3A_257 = vector.extract_strided_slice %add3A_118 {offsets = [14], sizes = [1], strides = [1]} : vector<16xi32> to vector<1xi32>
        %squeeze3A_258 = vector.extract %slice3A_257[0] : i32 from vector<1xi32>
        %broadcast_in_dim3A_259 = vector.broadcast %squeeze3A_258 : i32 to vector<16xi32>
        %swap3A_260 = arith.index_cast %add3A_256 : i32 to index
        %swap3A_261 = tpu.vector_load %arg8[%swap3A_260] {strides = array<i32>} : memref<4160xi32, #tpu.memory_space<vmem>>, vector<16xi32>,
        %swap3A_262 = vector.shape_cast %swap3A_261 : vector<16xi32> to vector<16xi32>
        %swap3A_263 = vector.shape_cast %broadcast_in_dim3A_259 : vector<16xi32> to vector<16xi32>
        tpu.vector_store %arg8[%swap3A_260], %swap3A_263 {strides = array<i32>} : memref<4160xi32, #tpu.memory_space<vmem>>, vector<16xi32>,
        %slice3A_264 = vector.extract_strided_slice %add3A_115 {offsets = [14], sizes = [1], strides = [1]} : vector<16xi32> to vector<1xi32>
        %squeeze3A_265 = vector.extract %slice3A_264[0] : i32 from vector<1xi32>
        %add3A_266 = arith.addi %add3A_256, %squeeze3A_265 : i32
        %slice3A_267 = vector.extract_strided_slice %add3A_118 {offsets = [15], sizes = [1], strides = [1]} : vector<16xi32> to vector<1xi32>
        %squeeze3A_268 = vector.extract %slice3A_267[0] : i32 from vector<1xi32>
        %broadcast_in_dim3A_269 = vector.broadcast %squeeze3A_268 : i32 to vector<16xi32>
        %swap3A_270 = arith.index_cast %add3A_266 : i32 to index
        %swap3A_271 = tpu.vector_load %arg8[%swap3A_270] {strides = array<i32>} : memref<4160xi32, #tpu.memory_space<vmem>>, vector<16xi32>,
        %swap3A_272 = vector.shape_cast %swap3A_271 : vector<16xi32> to vector<16xi32>
        %swap3A_273 = vector.shape_cast %broadcast_in_dim3A_269 : vector<16xi32> to vector<16xi32>
        tpu.vector_store %arg8[%swap3A_270], %swap3A_273 {strides = array<i32>} : memref<4160xi32, #tpu.memory_space<vmem>>, vector<16xi32>,
        %slice3A_274 = vector.extract_strided_slice %add3A_115 {offsets = [15], sizes = [1], strides = [1]} : vector<16xi32> to vector<1xi32>
        %squeeze3A_275 = vector.extract %slice3A_274[0] : i32 from vector<1xi32>
        %add3A_276 = arith.addi %add3A_266, %squeeze3A_275 : i32
        scf.yield %add3A_276 : i32
      }
      %scan3A_30 = arith.constant 256 : i32
      %broadcast_in_dim3A_31 = arith.constant 0 : i32
      %broadcast_in_dim3A_32 = vector.broadcast %broadcast_in_dim3A_31 : i32 to vector<16xi32>
      %add3A_33 = arith.constant 0 : i32
      %add3A_34 = arith.addi %scan3A_29, %add3A_33 : i32
      %swap3A = arith.index_cast %add3A_34 : i32 to index
      %swap3A_35 = tpu.vector_load %arg8[%swap3A] {strides = array<i32>} : memref<4160xi32, #tpu.memory_space<vmem>>, vector<16xi32>,
      %swap3A_36 = vector.shape_cast %swap3A_35 : vector<16xi32> to vector<16xi32>
      %swap3A_37 = vector.shape_cast %broadcast_in_dim3A_32 : vector<16xi32> to vector<16xi32>
      tpu.vector_store %arg8[%swap3A], %swap3A_37 {strides = array<i32>} : memref<4160xi32, #tpu.memory_space<vmem>>, vector<16xi32>,
      %broadcast_in_dim3A_38 = arith.constant 0 : i32
      %broadcast_in_dim3A_39 = vector.broadcast %broadcast_in_dim3A_38 : i32 to vector<16xi32>
      %add3A_40 = arith.constant 16 : i32
      %add3A_41 = arith.addi %scan3A_29, %add3A_40 : i32
      %swap3A_42 = arith.index_cast %add3A_41 : i32 to index
      %swap3A_43 = tpu.vector_load %arg8[%swap3A_42] {strides = array<i32>} : memref<4160xi32, #tpu.memory_space<vmem>>, vector<16xi32>,
      %swap3A_44 = vector.shape_cast %swap3A_43 : vector<16xi32> to vector<16xi32>
      %swap3A_45 = vector.shape_cast %broadcast_in_dim3A_39 : vector<16xi32> to vector<16xi32>
      tpu.vector_store %arg8[%swap3A_42], %swap3A_45 {strides = array<i32>} : memref<4160xi32, #tpu.memory_space<vmem>>, vector<16xi32>,
      %broadcast_in_dim3A_46 = arith.constant 0 : i32
      %broadcast_in_dim3A_47 = vector.broadcast %broadcast_in_dim3A_46 : i32 to vector<16xi32>
      %add3A_48 = arith.constant 32 : i32
      %add3A_49 = arith.addi %scan3A_29, %add3A_48 : i32
      %swap3A_50 = arith.index_cast %add3A_49 : i32 to index
      %swap3A_51 = tpu.vector_load %arg8[%swap3A_50] {strides = array<i32>} : memref<4160xi32, #tpu.memory_space<vmem>>, vector<16xi32>,
      %swap3A_52 = vector.shape_cast %swap3A_51 : vector<16xi32> to vector<16xi32>
      %swap3A_53 = vector.shape_cast %broadcast_in_dim3A_47 : vector<16xi32> to vector<16xi32>
      tpu.vector_store %arg8[%swap3A_50], %swap3A_53 {strides = array<i32>} : memref<4160xi32, #tpu.memory_space<vmem>>, vector<16xi32>,
      %broadcast_in_dim3A_54 = arith.constant 0 : i32
      %broadcast_in_dim3A_55 = vector.broadcast %broadcast_in_dim3A_54 : i32 to vector<16xi32>
      %add3A_56 = arith.constant 48 : i32
      %add3A_57 = arith.addi %scan3A_29, %add3A_56 : i32
      %swap3A_58 = arith.index_cast %add3A_57 : i32 to index
      %swap3A_59 = tpu.vector_load %arg8[%swap3A_58] {strides = array<i32>} : memref<4160xi32, #tpu.memory_space<vmem>>, vector<16xi32>,
      %swap3A_60 = vector.shape_cast %swap3A_59 : vector<16xi32> to vector<16xi32>
      %swap3A_61 = vector.shape_cast %broadcast_in_dim3A_55 : vector<16xi32> to vector<16xi32>
      tpu.vector_store %arg8[%swap3A_58], %swap3A_61 {strides = array<i32>} : memref<4160xi32, #tpu.memory_space<vmem>>, vector<16xi32>,
      %add3A_62 = arith.constant 64 : i32
      %add3A_63 = arith.addi %scan3A_29, %add3A_62 : i32
      %sub3A = arith.constant 1 : i32
      %sub3A_64 = arith.subi %add3A_63, %sub3A : i32
      %jit3A = arith.constant 64 : i32
      %div3A = arith.divsi %sub3A_64, %jit3A : i32
      %sign3A = arith.constant 0 : i32
      %sign3A_65 = arith.cmpi sgt, %sub3A_64, %sign3A : i32
      %sign3A_66 = arith.extui %sign3A_65 : i1 to i32
      %sign3A_67 = arith.constant 0 : i32
      %sign3A_68 = arith.cmpi slt, %sub3A_64, %sign3A_67 : i32
      %sign3A_69 = arith.extui %sign3A_68 : i1 to i32
      %sign3A_70 = arith.subi %sign3A_66, %sign3A_69 : i32
      %sign3A_71 = arith.constant 0 : i32
      %sign3A_72 = arith.cmpi sgt, %jit3A, %sign3A_71 : i32
      %sign3A_73 = arith.extui %sign3A_72 : i1 to i32
      %sign3A_74 = arith.constant 0 : i32
      %sign3A_75 = arith.cmpi slt, %jit3A, %sign3A_74 : i32
      %sign3A_76 = arith.extui %sign3A_75 : i1 to i32
      %sign3A_77 = arith.subi %sign3A_73, %sign3A_76 : i32
      %ne3A = arith.cmpi ne, %sign3A_70, %sign3A_77 : i32
      %rem3A = arith.remsi %sub3A_64, %jit3A : i32
      %ne3A_78 = arith.constant 0 : i32
      %ne3A_79 = arith.cmpi ne, %rem3A, %ne3A_78 : i32
      %and3A = arith.andi %ne3A, %ne3A_79 : i1
      %sub3A_80 = arith.constant 1 : i32
      %sub3A_81 = arith.subi %div3A, %sub3A_80 : i32
      %select_n3A = arith.select %and3A, %sub3A_81, %div3A : i32
      %while3A = arith.constant 0 : i32
      %while3A_82 = arith.constant 0 : i32
      %while3A_83 = arith.subi %select_n3A, %while3A_82 : i32
      %while3A_84 = arith.addi %while3A_82, %while3A_83 : i32
      %while3A_85 = arith.constant 1 : i32
      %while3A_86 = arith.divsi %while3A_83, %while3A_85 : i32
      %while3A_87 = arith.muli %while3A_86, %while3A_85 : i32
      %while3A_88 = arith.addi %while3A_82, %while3A_87 : i32
      %while3A_89 = arith.constant 1 : i32
      scf.for %while3A_91 = %while3A_82 to %while3A_88 step %while3A_89  : i32 {
        %mul3A_92 = arith.constant 64 : i32
        %mul3A_93 = arith.muli %while3A_91, %mul3A_92 : i32
        %add3A_94 = arith.constant 0 : i32
        %add3A_95 = arith.addi %mul3A_93, %add3A_94 : i32
        %get3A = arith.index_cast %add3A_95 : i32 to index
        %get3A_96 = tpu.vector_load %arg8[%get3A] {strides = array<i32>} : memref<4160xi32, #tpu.memory_space<vmem>>, vector<16xi32>,
        %get3A_97 = vector.shape_cast %get3A_96 : vector<16xi32> to vector<16xi32>
        %shift_right_arithmetic3A = arith.constant 8 : i32
        %shift_right_arithmetic3A_98 = vector.broadcast %shift_right_arithmetic3A : i32 to vector<16xi32>
        %shift_right_arithmetic3A_99 = arith.shrsi %get3A_97, %shift_right_arithmetic3A_98 : vector<16xi32>
        %swap3A_100 = arith.constant 0 : index
        %swap3A_101 = tpu.vector_load %arg9[%swap3A_100] {strides = array<i32>} : memref<64xi32, #tpu.memory_space<vmem>>, vector<16xi32>,
        %swap3A_102 = vector.shape_cast %swap3A_101 : vector<16xi32> to vector<16xi32>
        %swap3A_103 = vector.shape_cast %shift_right_arithmetic3A_99 : vector<16xi32> to vector<16xi32>
        tpu.vector_store %arg9[%swap3A_100], %swap3A_103 {strides = array<i32>} : memref<64xi32, #tpu.memory_space<vmem>>, vector<16xi32>,
        %mul3A_104 = arith.constant 64 : i32
        %mul3A_105 = arith.muli %while3A_91, %mul3A_104 : i32
        %add3A_106 = arith.constant 16 : i32
        %add3A_107 = arith.addi %mul3A_105, %add3A_106 : i32
        %get3A_108 = arith.index_cast %add3A_107 : i32 to index
        %get3A_109 = tpu.vector_load %arg8[%get3A_108] {strides = array<i32>} : memref<4160xi32, #tpu.memory_space<vmem>>, vector<16xi32>,
        %get3A_110 = vector.shape_cast %get3A_109 : vector<16xi32> to vector<16xi32>
        %shift_right_arithmetic3A_111 = arith.constant 8 : i32
        %shift_right_arithmetic3A_112 = vector.broadcast %shift_right_arithmetic3A_111 : i32 to vector<16xi32>
        %shift_right_arithmetic3A_113 = arith.shrsi %get3A_110, %shift_right_arithmetic3A_112 : vector<16xi32>
        %swap3A_114 = arith.constant 16 : index
        %swap3A_115 = tpu.vector_load %arg9[%swap3A_114] {strides = array<i32>} : memref<64xi32, #tpu.memory_space<vmem>>, vector<16xi32>,
        %swap3A_116 = vector.shape_cast %swap3A_115 : vector<16xi32> to vector<16xi32>
        %swap3A_117 = vector.shape_cast %shift_right_arithmetic3A_113 : vector<16xi32> to vector<16xi32>
        tpu.vector_store %arg9[%swap3A_114], %swap3A_117 {strides = array<i32>} : memref<64xi32, #tpu.memory_space<vmem>>, vector<16xi32>,
        %mul3A_118 = arith.constant 64 : i32
        %mul3A_119 = arith.muli %while3A_91, %mul3A_118 : i32
        %add3A_120 = arith.constant 32 : i32
        %add3A_121 = arith.addi %mul3A_119, %add3A_120 : i32
        %get3A_122 = arith.index_cast %add3A_121 : i32 to index
        %get3A_123 = tpu.vector_load %arg8[%get3A_122] {strides = array<i32>} : memref<4160xi32, #tpu.memory_space<vmem>>, vector<16xi32>,
        %get3A_124 = vector.shape_cast %get3A_123 : vector<16xi32> to vector<16xi32>
        %shift_right_arithmetic3A_125 = arith.constant 8 : i32
        %shift_right_arithmetic3A_126 = vector.broadcast %shift_right_arithmetic3A_125 : i32 to vector<16xi32>
        %shift_right_arithmetic3A_127 = arith.shrsi %get3A_124, %shift_right_arithmetic3A_126 : vector<16xi32>
        %swap3A_128 = arith.constant 32 : index
        %swap3A_129 = tpu.vector_load %arg9[%swap3A_128] {strides = array<i32>} : memref<64xi32, #tpu.memory_space<vmem>>, vector<16xi32>,
        %swap3A_130 = vector.shape_cast %swap3A_129 : vector<16xi32> to vector<16xi32>
        %swap3A_131 = vector.shape_cast %shift_right_arithmetic3A_127 : vector<16xi32> to vector<16xi32>
        tpu.vector_store %arg9[%swap3A_128], %swap3A_131 {strides = array<i32>} : memref<64xi32, #tpu.memory_space<vmem>>, vector<16xi32>,
        %mul3A_132 = arith.constant 64 : i32
        %mul3A_133 = arith.muli %while3A_91, %mul3A_132 : i32
        %add3A_134 = arith.constant 48 : i32
        %add3A_135 = arith.addi %mul3A_133, %add3A_134 : i32
        %get3A_136 = arith.index_cast %add3A_135 : i32 to index
        %get3A_137 = tpu.vector_load %arg8[%get3A_136] {strides = array<i32>} : memref<4160xi32, #tpu.memory_space<vmem>>, vector<16xi32>,
        %get3A_138 = vector.shape_cast %get3A_137 : vector<16xi32> to vector<16xi32>
        %shift_right_arithmetic3A_139 = arith.constant 8 : i32
        %shift_right_arithmetic3A_140 = vector.broadcast %shift_right_arithmetic3A_139 : i32 to vector<16xi32>
        %shift_right_arithmetic3A_141 = arith.shrsi %get3A_138, %shift_right_arithmetic3A_140 : vector<16xi32>
        %swap3A_142 = arith.constant 48 : index
        %swap3A_143 = tpu.vector_load %arg9[%swap3A_142] {strides = array<i32>} : memref<64xi32, #tpu.memory_space<vmem>>, vector<16xi32>,
        %swap3A_144 = vector.shape_cast %swap3A_143 : vector<16xi32> to vector<16xi32>
        %swap3A_145 = vector.shape_cast %shift_right_arithmetic3A_141 : vector<16xi32> to vector<16xi32>
        tpu.vector_store %arg9[%swap3A_142], %swap3A_145 {strides = array<i32>} : memref<64xi32, #tpu.memory_space<vmem>>, vector<16xi32>,
        "tpu.region"() ({
          %run_scoped3A_152 = tpu.sem_alloc : memref<!tpu.dma_semaphore, #tpu.memory_space<semaphore_mem>>
          %dma_start3A = arith.constant 0 : i32
          %dma_start3A_153 = arith.constant 0 : i32
          %dma_start3A_154 = tpu.memref_slice %arg3[%dma_start3A, %dma_start3A_153] : memref<8192x256xf32, #tpu.memory_space<hbm>> -> memref<8192x256xf32, #tpu.memory_space<hbm>>
          tpu.enqueue_indirect_dma source(%dma_start3A_154 : memref<8192x256xf32, #tpu.memory_space<hbm>>) target(%arg10 : memref<64x256xf32, #tpu.memory_space<vmem>>) offsets(%arg9 : memref<64xi32, #tpu.memory_space<vmem>>) semaphore(%run_scoped3A_152 : memref<!tpu.dma_semaphore, #tpu.memory_space<semaphore_mem>>)
          %dma_wait3A = arith.constant 0 : i32
          %dma_wait3A_155 = arith.constant 0 : i32
          %dma_wait3A_156 = tpu.memref_slice %arg3[%dma_wait3A, %dma_wait3A_155] : memref<8192x256xf32, #tpu.memory_space<hbm>> -> memref<8192x256xf32, #tpu.memory_space<hbm>>
          tpu.wait_indirect_dma semaphore(%run_scoped3A_152 : memref<!tpu.dma_semaphore, #tpu.memory_space<semaphore_mem>>) src(%dma_wait3A_156 : memref<8192x256xf32, #tpu.memory_space<hbm>>) dst(%arg10 : memref<64x256xf32, #tpu.memory_space<vmem>>)
          tpu.yield
        }) : () -> ()
        %mul3A_146 = arith.constant 64 : i32
        %mul3A_147 = arith.muli %while3A_91, %mul3A_146 : i32
        %sub3A_148 = arith.subi %scan3A_29, %mul3A_147 : i32
        %min3A = arith.constant 64 : i32
        %min3A_149 = arith.minsi %sub3A_148, %min3A : i32
        %parallel_loop3A_150 = arith.constant 0 : i32
        %parallel_loop3A_151 = arith.constant 1 : i32
        scf.for %parallel_loop3A_152 = %parallel_loop3A_150 to %min3A_149 step %parallel_loop3A_151  : i32 {
          %parallel_loop3A_153 = arith.constant 64 : i32
          %parallel_loop3A_154 = arith.muli %while3A_91, %parallel_loop3A_153 : i32
          %parallel_loop3A_155 = arith.addi %parallel_loop3A_154, %parallel_loop3A_152 : i32
          %parallel_loop3A_156 = arith.index_cast %parallel_loop3A_155 : i32 to index
          %parallel_loop3A_157 = tpu.vector_load %arg8[%parallel_loop3A_156] {strides = array<i32>} : memref<4160xi32, #tpu.memory_space<vmem>>, vector<16xi32>,
          %parallel_loop3A_158 = vector.shape_cast %parallel_loop3A_157 : vector<16xi32> to vector<16xi32>
          %parallel_loop3A_159 = vector.extract_strided_slice %parallel_loop3A_158 {offsets = [0], sizes = [1], strides = [1]} : vector<16xi32> to vector<1xi32>
          %parallel_loop3A_160 = vector.extract %parallel_loop3A_159[0] : i32 from vector<1xi32>
          %parallel_loop3A_161 = arith.constant 255 : i32
          %parallel_loop3A_162 = arith.andi %parallel_loop3A_160, %parallel_loop3A_161 : i32
          %parallel_loop3A_163 = arith.index_cast %parallel_loop3A_152 : i32 to index
          %parallel_loop3A_164 = arith.constant 0 : index
          %parallel_loop3A_165 = tpu.vector_load %arg10[%parallel_loop3A_163, %parallel_loop3A_164] {strides = array<i32>} : memref<64x256xf32, #tpu.memory_space<vmem>>, vector<1x16xf32>,
          %parallel_loop3A_166 = vector.shape_cast %parallel_loop3A_165 : vector<1x16xf32> to vector<16xf32>
          %parallel_loop3A_167 = arith.index_cast %parallel_loop3A_162 : i32 to index
          %parallel_loop3A_168 = arith.constant 0 : index
          %parallel_loop3A_169 = tpu.vector_load %arg11[%parallel_loop3A_167, %parallel_loop3A_168] {strides = array<i32>} : memref<256x256xf32, #tpu.memory_space<vmem>>, vector<1x16xf32>,
          %parallel_loop3A_170 = vector.shape_cast %parallel_loop3A_169 : vector<1x16xf32> to vector<16xf32>
          %parallel_loop3A_171 = vector.shape_cast %parallel_loop3A_166 : vector<16xf32> to vector<1x16xf32>
          tpu.vector_store %arg11[%parallel_loop3A_167, %parallel_loop3A_168], %parallel_loop3A_171 {add = true, strides = array<i32>} : memref<256x256xf32, #tpu.memory_space<vmem>>, vector<1x16xf32>,
          %parallel_loop3A_172 = arith.index_cast %parallel_loop3A_152 : i32 to index
          %parallel_loop3A_173 = arith.constant 16 : index
          %parallel_loop3A_174 = tpu.vector_load %arg10[%parallel_loop3A_172, %parallel_loop3A_173] {strides = array<i32>} : memref<64x256xf32, #tpu.memory_space<vmem>>, vector<1x16xf32>,
          %parallel_loop3A_175 = vector.shape_cast %parallel_loop3A_174 : vector<1x16xf32> to vector<16xf32>
          %parallel_loop3A_176 = arith.index_cast %parallel_loop3A_162 : i32 to index
          %parallel_loop3A_177 = arith.constant 16 : index
          %parallel_loop3A_178 = tpu.vector_load %arg11[%parallel_loop3A_176, %parallel_loop3A_177] {strides = array<i32>} : memref<256x256xf32, #tpu.memory_space<vmem>>, vector<1x16xf32>,
          %parallel_loop3A_179 = vector.shape_cast %parallel_loop3A_178 : vector<1x16xf32> to vector<16xf32>
          %parallel_loop3A_180 = vector.shape_cast %parallel_loop3A_175 : vector<16xf32> to vector<1x16xf32>
          tpu.vector_store %arg11[%parallel_loop3A_176, %parallel_loop3A_177], %parallel_loop3A_180 {add = true, strides = array<i32>} : memref<256x256xf32, #tpu.memory_space<vmem>>, vector<1x16xf32>,
          %parallel_loop3A_181 = arith.index_cast %parallel_loop3A_152 : i32 to index
          %parallel_loop3A_182 = arith.constant 32 : index
          %parallel_loop3A_183 = tpu.vector_load %arg10[%parallel_loop3A_181, %parallel_loop3A_182] {strides = array<i32>} : memref<64x256xf32, #tpu.memory_space<vmem>>, vector<1x16xf32>,
          %parallel_loop3A_184 = vector.shape_cast %parallel_loop3A_183 : vector<1x16xf32> to vector<16xf32>
          %parallel_loop3A_185 = arith.index_cast %parallel_loop3A_162 : i32 to index
          %parallel_loop3A_186 = arith.constant 32 : index
          %parallel_loop3A_187 = tpu.vector_load %arg11[%parallel_loop3A_185, %parallel_loop3A_186] {strides = array<i32>} : memref<256x256xf32, #tpu.memory_space<vmem>>, vector<1x16xf32>,
          %parallel_loop3A_188 = vector.shape_cast %parallel_loop3A_187 : vector<1x16xf32> to vector<16xf32>
          %parallel_loop3A_189 = vector.shape_cast %parallel_loop3A_184 : vector<16xf32> to vector<1x16xf32>
          tpu.vector_store %arg11[%parallel_loop3A_185, %parallel_loop3A_186], %parallel_loop3A_189 {add = true, strides = array<i32>} : memref<256x256xf32, #tpu.memory_space<vmem>>, vector<1x16xf32>,
          %parallel_loop3A_190 = arith.index_cast %parallel_loop3A_152 : i32 to index
          %parallel_loop3A_191 = arith.constant 48 : index
          %parallel_loop3A_192 = tpu.vector_load %arg10[%parallel_loop3A_190, %parallel_loop3A_191] {strides = array<i32>} : memref<64x256xf32, #tpu.memory_space<vmem>>, vector<1x16xf32>,
          %parallel_loop3A_193 = vector.shape_cast %parallel_loop3A_192 : vector<1x16xf32> to vector<16xf32>
          %parallel_loop3A_194 = arith.index_cast %parallel_loop3A_162 : i32 to index
          %parallel_loop3A_195 = arith.constant 48 : index
          %parallel_loop3A_196 = tpu.vector_load %arg11[%parallel_loop3A_194, %parallel_loop3A_195] {strides = array<i32>} : memref<256x256xf32, #tpu.memory_space<vmem>>, vector<1x16xf32>,
          %parallel_loop3A_197 = vector.shape_cast %parallel_loop3A_196 : vector<1x16xf32> to vector<16xf32>
          %parallel_loop3A_198 = vector.shape_cast %parallel_loop3A_193 : vector<16xf32> to vector<1x16xf32>
          tpu.vector_store %arg11[%parallel_loop3A_194, %parallel_loop3A_195], %parallel_loop3A_198 {add = true, strides = array<i32>} : memref<256x256xf32, #tpu.memory_space<vmem>>, vector<1x16xf32>,
          %parallel_loop3A_199 = arith.index_cast %parallel_loop3A_152 : i32 to index
          %parallel_loop3A_200 = arith.constant 64 : index
          %parallel_loop3A_201 = tpu.vector_load %arg10[%parallel_loop3A_199, %parallel_loop3A_200] {strides = array<i32>} : memref<64x256xf32, #tpu.memory_space<vmem>>, vector<1x16xf32>,
          %parallel_loop3A_202 = vector.shape_cast %parallel_loop3A_201 : vector<1x16xf32> to vector<16xf32>
          %parallel_loop3A_203 = arith.index_cast %parallel_loop3A_162 : i32 to index
          %parallel_loop3A_204 = arith.constant 64 : index
          %parallel_loop3A_205 = tpu.vector_load %arg11[%parallel_loop3A_203, %parallel_loop3A_204] {strides = array<i32>} : memref<256x256xf32, #tpu.memory_space<vmem>>, vector<1x16xf32>,
          %parallel_loop3A_206 = vector.shape_cast %parallel_loop3A_205 : vector<1x16xf32> to vector<16xf32>
          %parallel_loop3A_207 = vector.shape_cast %parallel_loop3A_202 : vector<16xf32> to vector<1x16xf32>
          tpu.vector_store %arg11[%parallel_loop3A_203, %parallel_loop3A_204], %parallel_loop3A_207 {add = true, strides = array<i32>} : memref<256x256xf32, #tpu.memory_space<vmem>>, vector<1x16xf32>,
          %parallel_loop3A_208 = arith.index_cast %parallel_loop3A_152 : i32 to index
          %parallel_loop3A_209 = arith.constant 80 : index
          %parallel_loop3A_210 = tpu.vector_load %arg10[%parallel_loop3A_208, %parallel_loop3A_209] {strides = array<i32>} : memref<64x256xf32, #tpu.memory_space<vmem>>, vector<1x16xf32>,
          %parallel_loop3A_211 = vector.shape_cast %parallel_loop3A_210 : vector<1x16xf32> to vector<16xf32>
          %parallel_loop3A_212 = arith.index_cast %parallel_loop3A_162 : i32 to index
          %parallel_loop3A_213 = arith.constant 80 : index
          %parallel_loop3A_214 = tpu.vector_load %arg11[%parallel_loop3A_212, %parallel_loop3A_213] {strides = array<i32>} : memref<256x256xf32, #tpu.memory_space<vmem>>, vector<1x16xf32>,
          %parallel_loop3A_215 = vector.shape_cast %parallel_loop3A_214 : vector<1x16xf32> to vector<16xf32>
          %parallel_loop3A_216 = vector.shape_cast %parallel_loop3A_211 : vector<16xf32> to vector<1x16xf32>
          tpu.vector_store %arg11[%parallel_loop3A_212, %parallel_loop3A_213], %parallel_loop3A_216 {add = true, strides = array<i32>} : memref<256x256xf32, #tpu.memory_space<vmem>>, vector<1x16xf32>,
          %parallel_loop3A_217 = arith.index_cast %parallel_loop3A_152 : i32 to index
          %parallel_loop3A_218 = arith.constant 96 : index
          %parallel_loop3A_219 = tpu.vector_load %arg10[%parallel_loop3A_217, %parallel_loop3A_218] {strides = array<i32>} : memref<64x256xf32, #tpu.memory_space<vmem>>, vector<1x16xf32>,
          %parallel_loop3A_220 = vector.shape_cast %parallel_loop3A_219 : vector<1x16xf32> to vector<16xf32>
          %parallel_loop3A_221 = arith.index_cast %parallel_loop3A_162 : i32 to index
          %parallel_loop3A_222 = arith.constant 96 : index
          %parallel_loop3A_223 = tpu.vector_load %arg11[%parallel_loop3A_221, %parallel_loop3A_222] {strides = array<i32>} : memref<256x256xf32, #tpu.memory_space<vmem>>, vector<1x16xf32>,
          %parallel_loop3A_224 = vector.shape_cast %parallel_loop3A_223 : vector<1x16xf32> to vector<16xf32>
          %parallel_loop3A_225 = vector.shape_cast %parallel_loop3A_220 : vector<16xf32> to vector<1x16xf32>
          tpu.vector_store %arg11[%parallel_loop3A_221, %parallel_loop3A_222], %parallel_loop3A_225 {add = true, strides = array<i32>} : memref<256x256xf32, #tpu.memory_space<vmem>>, vector<1x16xf32>,
          %parallel_loop3A_226 = arith.index_cast %parallel_loop3A_152 : i32 to index
          %parallel_loop3A_227 = arith.constant 112 : index
          %parallel_loop3A_228 = tpu.vector_load %arg10[%parallel_loop3A_226, %parallel_loop3A_227] {strides = array<i32>} : memref<64x256xf32, #tpu.memory_space<vmem>>, vector<1x16xf32>,
          %parallel_loop3A_229 = vector.shape_cast %parallel_loop3A_228 : vector<1x16xf32> to vector<16xf32>
          %parallel_loop3A_230 = arith.index_cast %parallel_loop3A_162 : i32 to index
          %parallel_loop3A_231 = arith.constant 112 : index
          %parallel_loop3A_232 = tpu.vector_load %arg11[%parallel_loop3A_230, %parallel_loop3A_231] {strides = array<i32>} : memref<256x256xf32, #tpu.memory_space<vmem>>, vector<1x16xf32>,
          %parallel_loop3A_233 = vector.shape_cast %parallel_loop3A_232 : vector<1x16xf32> to vector<16xf32>
          %parallel_loop3A_234 = vector.shape_cast %parallel_loop3A_229 : vector<16xf32> to vector<1x16xf32>
          tpu.vector_store %arg11[%parallel_loop3A_230, %parallel_loop3A_231], %parallel_loop3A_234 {add = true, strides = array<i32>} : memref<256x256xf32, #tpu.memory_space<vmem>>, vector<1x16xf32>,
          %parallel_loop3A_235 = arith.index_cast %parallel_loop3A_152 : i32 to index
          %parallel_loop3A_236 = arith.constant 128 : index
          %parallel_loop3A_237 = tpu.vector_load %arg10[%parallel_loop3A_235, %parallel_loop3A_236] {strides = array<i32>} : memref<64x256xf32, #tpu.memory_space<vmem>>, vector<1x16xf32>,
          %parallel_loop3A_238 = vector.shape_cast %parallel_loop3A_237 : vector<1x16xf32> to vector<16xf32>
          %parallel_loop3A_239 = arith.index_cast %parallel_loop3A_162 : i32 to index
          %parallel_loop3A_240 = arith.constant 128 : index
          %parallel_loop3A_241 = tpu.vector_load %arg11[%parallel_loop3A_239, %parallel_loop3A_240] {strides = array<i32>} : memref<256x256xf32, #tpu.memory_space<vmem>>, vector<1x16xf32>,
          %parallel_loop3A_242 = vector.shape_cast %parallel_loop3A_241 : vector<1x16xf32> to vector<16xf32>
          %parallel_loop3A_243 = vector.shape_cast %parallel_loop3A_238 : vector<16xf32> to vector<1x16xf32>
          tpu.vector_store %arg11[%parallel_loop3A_239, %parallel_loop3A_240], %parallel_loop3A_243 {add = true, strides = array<i32>} : memref<256x256xf32, #tpu.memory_space<vmem>>, vector<1x16xf32>,
          %parallel_loop3A_244 = arith.index_cast %parallel_loop3A_152 : i32 to index
          %parallel_loop3A_245 = arith.constant 144 : index
          %parallel_loop3A_246 = tpu.vector_load %arg10[%parallel_loop3A_244, %parallel_loop3A_245] {strides = array<i32>} : memref<64x256xf32, #tpu.memory_space<vmem>>, vector<1x16xf32>,
          %parallel_loop3A_247 = vector.shape_cast %parallel_loop3A_246 : vector<1x16xf32> to vector<16xf32>
          %parallel_loop3A_248 = arith.index_cast %parallel_loop3A_162 : i32 to index
          %parallel_loop3A_249 = arith.constant 144 : index
          %parallel_loop3A_250 = tpu.vector_load %arg11[%parallel_loop3A_248, %parallel_loop3A_249] {strides = array<i32>} : memref<256x256xf32, #tpu.memory_space<vmem>>, vector<1x16xf32>,
          %parallel_loop3A_251 = vector.shape_cast %parallel_loop3A_250 : vector<1x16xf32> to vector<16xf32>
          %parallel_loop3A_252 = vector.shape_cast %parallel_loop3A_247 : vector<16xf32> to vector<1x16xf32>
          tpu.vector_store %arg11[%parallel_loop3A_248, %parallel_loop3A_249], %parallel_loop3A_252 {add = true, strides = array<i32>} : memref<256x256xf32, #tpu.memory_space<vmem>>, vector<1x16xf32>,
          %parallel_loop3A_253 = arith.index_cast %parallel_loop3A_152 : i32 to index
          %parallel_loop3A_254 = arith.constant 160 : index
          %parallel_loop3A_255 = tpu.vector_load %arg10[%parallel_loop3A_253, %parallel_loop3A_254] {strides = array<i32>} : memref<64x256xf32, #tpu.memory_space<vmem>>, vector<1x16xf32>,
          %parallel_loop3A_256 = vector.shape_cast %parallel_loop3A_255 : vector<1x16xf32> to vector<16xf32>
          %parallel_loop3A_257 = arith.index_cast %parallel_loop3A_162 : i32 to index
          %parallel_loop3A_258 = arith.constant 160 : index
          %parallel_loop3A_259 = tpu.vector_load %arg11[%parallel_loop3A_257, %parallel_loop3A_258] {strides = array<i32>} : memref<256x256xf32, #tpu.memory_space<vmem>>, vector<1x16xf32>,
          %parallel_loop3A_260 = vector.shape_cast %parallel_loop3A_259 : vector<1x16xf32> to vector<16xf32>
          %parallel_loop3A_261 = vector.shape_cast %parallel_loop3A_256 : vector<16xf32> to vector<1x16xf32>
          tpu.vector_store %arg11[%parallel_loop3A_257, %parallel_loop3A_258], %parallel_loop3A_261 {add = true, strides = array<i32>} : memref<256x256xf32, #tpu.memory_space<vmem>>, vector<1x16xf32>,
          %parallel_loop3A_262 = arith.index_cast %parallel_loop3A_152 : i32 to index
          %parallel_loop3A_263 = arith.constant 176 : index
          %parallel_loop3A_264 = tpu.vector_load %arg10[%parallel_loop3A_262, %parallel_loop3A_263] {strides = array<i32>} : memref<64x256xf32, #tpu.memory_space<vmem>>, vector<1x16xf32>,
          %parallel_loop3A_265 = vector.shape_cast %parallel_loop3A_264 : vector<1x16xf32> to vector<16xf32>
          %parallel_loop3A_266 = arith.index_cast %parallel_loop3A_162 : i32 to index
          %parallel_loop3A_267 = arith.constant 176 : index
          %parallel_loop3A_268 = tpu.vector_load %arg11[%parallel_loop3A_266, %parallel_loop3A_267] {strides = array<i32>} : memref<256x256xf32, #tpu.memory_space<vmem>>, vector<1x16xf32>,
          %parallel_loop3A_269 = vector.shape_cast %parallel_loop3A_268 : vector<1x16xf32> to vector<16xf32>
          %parallel_loop3A_270 = vector.shape_cast %parallel_loop3A_265 : vector<16xf32> to vector<1x16xf32>
          tpu.vector_store %arg11[%parallel_loop3A_266, %parallel_loop3A_267], %parallel_loop3A_270 {add = true, strides = array<i32>} : memref<256x256xf32, #tpu.memory_space<vmem>>, vector<1x16xf32>,
          %parallel_loop3A_271 = arith.index_cast %parallel_loop3A_152 : i32 to index
          %parallel_loop3A_272 = arith.constant 192 : index
          %parallel_loop3A_273 = tpu.vector_load %arg10[%parallel_loop3A_271, %parallel_loop3A_272] {strides = array<i32>} : memref<64x256xf32, #tpu.memory_space<vmem>>, vector<1x16xf32>,
          %parallel_loop3A_274 = vector.shape_cast %parallel_loop3A_273 : vector<1x16xf32> to vector<16xf32>
          %parallel_loop3A_275 = arith.index_cast %parallel_loop3A_162 : i32 to index
          %parallel_loop3A_276 = arith.constant 192 : index
          %parallel_loop3A_277 = tpu.vector_load %arg11[%parallel_loop3A_275, %parallel_loop3A_276] {strides = array<i32>} : memref<256x256xf32, #tpu.memory_space<vmem>>, vector<1x16xf32>,
          %parallel_loop3A_278 = vector.shape_cast %parallel_loop3A_277 : vector<1x16xf32> to vector<16xf32>
          %parallel_loop3A_279 = vector.shape_cast %parallel_loop3A_274 : vector<16xf32> to vector<1x16xf32>
          tpu.vector_store %arg11[%parallel_loop3A_275, %parallel_loop3A_276], %parallel_loop3A_279 {add = true, strides = array<i32>} : memref<256x256xf32, #tpu.memory_space<vmem>>, vector<1x16xf32>,
          %parallel_loop3A_280 = arith.index_cast %parallel_loop3A_152 : i32 to index
          %parallel_loop3A_281 = arith.constant 208 : index
          %parallel_loop3A_282 = tpu.vector_load %arg10[%parallel_loop3A_280, %parallel_loop3A_281] {strides = array<i32>} : memref<64x256xf32, #tpu.memory_space<vmem>>, vector<1x16xf32>,
          %parallel_loop3A_283 = vector.shape_cast %parallel_loop3A_282 : vector<1x16xf32> to vector<16xf32>
          %parallel_loop3A_284 = arith.index_cast %parallel_loop3A_162 : i32 to index
          %parallel_loop3A_285 = arith.constant 208 : index
          %parallel_loop3A_286 = tpu.vector_load %arg11[%parallel_loop3A_284, %parallel_loop3A_285] {strides = array<i32>} : memref<256x256xf32, #tpu.memory_space<vmem>>, vector<1x16xf32>,
          %parallel_loop3A_287 = vector.shape_cast %parallel_loop3A_286 : vector<1x16xf32> to vector<16xf32>
          %parallel_loop3A_288 = vector.shape_cast %parallel_loop3A_283 : vector<16xf32> to vector<1x16xf32>
          tpu.vector_store %arg11[%parallel_loop3A_284, %parallel_loop3A_285], %parallel_loop3A_288 {add = true, strides = array<i32>} : memref<256x256xf32, #tpu.memory_space<vmem>>, vector<1x16xf32>,
          %parallel_loop3A_289 = arith.index_cast %parallel_loop3A_152 : i32 to index
          %parallel_loop3A_290 = arith.constant 224 : index
          %parallel_loop3A_291 = tpu.vector_load %arg10[%parallel_loop3A_289, %parallel_loop3A_290] {strides = array<i32>} : memref<64x256xf32, #tpu.memory_space<vmem>>, vector<1x16xf32>,
          %parallel_loop3A_292 = vector.shape_cast %parallel_loop3A_291 : vector<1x16xf32> to vector<16xf32>
          %parallel_loop3A_293 = arith.index_cast %parallel_loop3A_162 : i32 to index
          %parallel_loop3A_294 = arith.constant 224 : index
          %parallel_loop3A_295 = tpu.vector_load %arg11[%parallel_loop3A_293, %parallel_loop3A_294] {strides = array<i32>} : memref<256x256xf32, #tpu.memory_space<vmem>>, vector<1x16xf32>,
          %parallel_loop3A_296 = vector.shape_cast %parallel_loop3A_295 : vector<1x16xf32> to vector<16xf32>
          %parallel_loop3A_297 = vector.shape_cast %parallel_loop3A_292 : vector<16xf32> to vector<1x16xf32>
          tpu.vector_store %arg11[%parallel_loop3A_293, %parallel_loop3A_294], %parallel_loop3A_297 {add = true, strides = array<i32>} : memref<256x256xf32, #tpu.memory_space<vmem>>, vector<1x16xf32>,
          %parallel_loop3A_298 = arith.index_cast %parallel_loop3A_152 : i32 to index
          %parallel_loop3A_299 = arith.constant 240 : index
          %parallel_loop3A_300 = tpu.vector_load %arg10[%parallel_loop3A_298, %parallel_loop3A_299] {strides = array<i32>} : memref<64x256xf32, #tpu.memory_space<vmem>>, vector<1x16xf32>,
          %parallel_loop3A_301 = vector.shape_cast %parallel_loop3A_300 : vector<1x16xf32> to vector<16xf32>
          %parallel_loop3A_302 = arith.index_cast %parallel_loop3A_162 : i32 to index
          %parallel_loop3A_303 = arith.constant 240 : index
          %parallel_loop3A_304 = tpu.vector_load %arg11[%parallel_loop3A_302, %parallel_loop3A_303] {strides = array<i32>} : memref<256x256xf32, #tpu.memory_space<vmem>>, vector<1x16xf32>,
          %parallel_loop3A_305 = vector.shape_cast %parallel_loop3A_304 : vector<1x16xf32> to vector<16xf32>
          %parallel_loop3A_306 = vector.shape_cast %parallel_loop3A_301 : vector<16xf32> to vector<1x16xf32>
          tpu.vector_store %arg11[%parallel_loop3A_302, %parallel_loop3A_303], %parallel_loop3A_306 {add = true, strides = array<i32>} : memref<256x256xf32, #tpu.memory_space<vmem>>, vector<1x16xf32>,
        } {sc.loop_unroll_factor = 1 : i64, sc.parallel_access}
      }
      %while3A_90 = arith.constant 1 : i32
      scf.for %while3A_91 = %while3A_88 to %while3A_84 step %while3A_90  : i32 {
        %mul3A_92 = arith.constant 64 : i32
        %mul3A_93 = arith.muli %while3A_91, %mul3A_92 : i32
        %add3A_94 = arith.constant 0 : i32
        %add3A_95 = arith.addi %mul3A_93, %add3A_94 : i32
        %get3A = arith.index_cast %add3A_95 : i32 to index
        %get3A_96 = tpu.vector_load %arg8[%get3A] {strides = array<i32>} : memref<4160xi32, #tpu.memory_space<vmem>>, vector<16xi32>,
        %get3A_97 = vector.shape_cast %get3A_96 : vector<16xi32> to vector<16xi32>
        %shift_right_arithmetic3A = arith.constant 8 : i32
        %shift_right_arithmetic3A_98 = vector.broadcast %shift_right_arithmetic3A : i32 to vector<16xi32>
        %shift_right_arithmetic3A_99 = arith.shrsi %get3A_97, %shift_right_arithmetic3A_98 : vector<16xi32>
        %swap3A_100 = arith.constant 0 : index
        %swap3A_101 = tpu.vector_load %arg9[%swap3A_100] {strides = array<i32>} : memref<64xi32, #tpu.memory_space<vmem>>, vector<16xi32>,
        %swap3A_102 = vector.shape_cast %swap3A_101 : vector<16xi32> to vector<16xi32>
        %swap3A_103 = vector.shape_cast %shift_right_arithmetic3A_99 : vector<16xi32> to vector<16xi32>
        tpu.vector_store %arg9[%swap3A_100], %swap3A_103 {strides = array<i32>} : memref<64xi32, #tpu.memory_space<vmem>>, vector<16xi32>,
        %mul3A_104 = arith.constant 64 : i32
        %mul3A_105 = arith.muli %while3A_91, %mul3A_104 : i32
        %add3A_106 = arith.constant 16 : i32
        %add3A_107 = arith.addi %mul3A_105, %add3A_106 : i32
        %get3A_108 = arith.index_cast %add3A_107 : i32 to index
        %get3A_109 = tpu.vector_load %arg8[%get3A_108] {strides = array<i32>} : memref<4160xi32, #tpu.memory_space<vmem>>, vector<16xi32>,
        %get3A_110 = vector.shape_cast %get3A_109 : vector<16xi32> to vector<16xi32>
        %shift_right_arithmetic3A_111 = arith.constant 8 : i32
        %shift_right_arithmetic3A_112 = vector.broadcast %shift_right_arithmetic3A_111 : i32 to vector<16xi32>
        %shift_right_arithmetic3A_113 = arith.shrsi %get3A_110, %shift_right_arithmetic3A_112 : vector<16xi32>
        %swap3A_114 = arith.constant 16 : index
        %swap3A_115 = tpu.vector_load %arg9[%swap3A_114] {strides = array<i32>} : memref<64xi32, #tpu.memory_space<vmem>>, vector<16xi32>,
        %swap3A_116 = vector.shape_cast %swap3A_115 : vector<16xi32> to vector<16xi32>
        %swap3A_117 = vector.shape_cast %shift_right_arithmetic3A_113 : vector<16xi32> to vector<16xi32>
        tpu.vector_store %arg9[%swap3A_114], %swap3A_117 {strides = array<i32>} : memref<64xi32, #tpu.memory_space<vmem>>, vector<16xi32>,
        %mul3A_118 = arith.constant 64 : i32
        %mul3A_119 = arith.muli %while3A_91, %mul3A_118 : i32
        %add3A_120 = arith.constant 32 : i32
        %add3A_121 = arith.addi %mul3A_119, %add3A_120 : i32
        %get3A_122 = arith.index_cast %add3A_121 : i32 to index
        %get3A_123 = tpu.vector_load %arg8[%get3A_122] {strides = array<i32>} : memref<4160xi32, #tpu.memory_space<vmem>>, vector<16xi32>,
        %get3A_124 = vector.shape_cast %get3A_123 : vector<16xi32> to vector<16xi32>
        %shift_right_arithmetic3A_125 = arith.constant 8 : i32
        %shift_right_arithmetic3A_126 = vector.broadcast %shift_right_arithmetic3A_125 : i32 to vector<16xi32>
        %shift_right_arithmetic3A_127 = arith.shrsi %get3A_124, %shift_right_arithmetic3A_126 : vector<16xi32>
        %swap3A_128 = arith.constant 32 : index
        %swap3A_129 = tpu.vector_load %arg9[%swap3A_128] {strides = array<i32>} : memref<64xi32, #tpu.memory_space<vmem>>, vector<16xi32>,
        %swap3A_130 = vector.shape_cast %swap3A_129 : vector<16xi32> to vector<16xi32>
        %swap3A_131 = vector.shape_cast %shift_right_arithmetic3A_127 : vector<16xi32> to vector<16xi32>
        tpu.vector_store %arg9[%swap3A_128], %swap3A_131 {strides = array<i32>} : memref<64xi32, #tpu.memory_space<vmem>>, vector<16xi32>,
        %mul3A_132 = arith.constant 64 : i32
        %mul3A_133 = arith.muli %while3A_91, %mul3A_132 : i32
        %add3A_134 = arith.constant 48 : i32
        %add3A_135 = arith.addi %mul3A_133, %add3A_134 : i32
        %get3A_136 = arith.index_cast %add3A_135 : i32 to index
        %get3A_137 = tpu.vector_load %arg8[%get3A_136] {strides = array<i32>} : memref<4160xi32, #tpu.memory_space<vmem>>, vector<16xi32>,
        %get3A_138 = vector.shape_cast %get3A_137 : vector<16xi32> to vector<16xi32>
        %shift_right_arithmetic3A_139 = arith.constant 8 : i32
        %shift_right_arithmetic3A_140 = vector.broadcast %shift_right_arithmetic3A_139 : i32 to vector<16xi32>
        %shift_right_arithmetic3A_141 = arith.shrsi %get3A_138, %shift_right_arithmetic3A_140 : vector<16xi32>
        %swap3A_142 = arith.constant 48 : index
        %swap3A_143 = tpu.vector_load %arg9[%swap3A_142] {strides = array<i32>} : memref<64xi32, #tpu.memory_space<vmem>>, vector<16xi32>,
        %swap3A_144 = vector.shape_cast %swap3A_143 : vector<16xi32> to vector<16xi32>
        %swap3A_145 = vector.shape_cast %shift_right_arithmetic3A_141 : vector<16xi32> to vector<16xi32>
        tpu.vector_store %arg9[%swap3A_142], %swap3A_145 {strides = array<i32>} : memref<64xi32, #tpu.memory_space<vmem>>, vector<16xi32>,
        "tpu.region"() ({
          %run_scoped3A_152 = tpu.sem_alloc : memref<!tpu.dma_semaphore, #tpu.memory_space<semaphore_mem>>
          %dma_start3A = arith.constant 0 : i32
          %dma_start3A_153 = arith.constant 0 : i32
          %dma_start3A_154 = tpu.memref_slice %arg3[%dma_start3A, %dma_start3A_153] : memref<8192x256xf32, #tpu.memory_space<hbm>> -> memref<8192x256xf32, #tpu.memory_space<hbm>>
          tpu.enqueue_indirect_dma source(%dma_start3A_154 : memref<8192x256xf32, #tpu.memory_space<hbm>>) target(%arg10 : memref<64x256xf32, #tpu.memory_space<vmem>>) offsets(%arg9 : memref<64xi32, #tpu.memory_space<vmem>>) semaphore(%run_scoped3A_152 : memref<!tpu.dma_semaphore, #tpu.memory_space<semaphore_mem>>)
          %dma_wait3A = arith.constant 0 : i32
          %dma_wait3A_155 = arith.constant 0 : i32
          %dma_wait3A_156 = tpu.memref_slice %arg3[%dma_wait3A, %dma_wait3A_155] : memref<8192x256xf32, #tpu.memory_space<hbm>> -> memref<8192x256xf32, #tpu.memory_space<hbm>>
          tpu.wait_indirect_dma semaphore(%run_scoped3A_152 : memref<!tpu.dma_semaphore, #tpu.memory_space<semaphore_mem>>) src(%dma_wait3A_156 : memref<8192x256xf32, #tpu.memory_space<hbm>>) dst(%arg10 : memref<64x256xf32, #tpu.memory_space<vmem>>)
          tpu.yield
        }) : () -> ()
        %mul3A_146 = arith.constant 64 : i32
        %mul3A_147 = arith.muli %while3A_91, %mul3A_146 : i32
        %sub3A_148 = arith.subi %scan3A_29, %mul3A_147 : i32
        %min3A = arith.constant 64 : i32
        %min3A_149 = arith.minsi %sub3A_148, %min3A : i32
        %parallel_loop3A_150 = arith.constant 0 : i32
        %parallel_loop3A_151 = arith.constant 1 : i32
        scf.for %parallel_loop3A_152 = %parallel_loop3A_150 to %min3A_149 step %parallel_loop3A_151  : i32 {
          %parallel_loop3A_153 = arith.constant 64 : i32
          %parallel_loop3A_154 = arith.muli %while3A_91, %parallel_loop3A_153 : i32
          %parallel_loop3A_155 = arith.addi %parallel_loop3A_154, %parallel_loop3A_152 : i32
          %parallel_loop3A_156 = arith.index_cast %parallel_loop3A_155 : i32 to index
          %parallel_loop3A_157 = tpu.vector_load %arg8[%parallel_loop3A_156] {strides = array<i32>} : memref<4160xi32, #tpu.memory_space<vmem>>, vector<16xi32>,
          %parallel_loop3A_158 = vector.shape_cast %parallel_loop3A_157 : vector<16xi32> to vector<16xi32>
          %parallel_loop3A_159 = vector.extract_strided_slice %parallel_loop3A_158 {offsets = [0], sizes = [1], strides = [1]} : vector<16xi32> to vector<1xi32>
          %parallel_loop3A_160 = vector.extract %parallel_loop3A_159[0] : i32 from vector<1xi32>
          %parallel_loop3A_161 = arith.constant 255 : i32
          %parallel_loop3A_162 = arith.andi %parallel_loop3A_160, %parallel_loop3A_161 : i32
          %parallel_loop3A_163 = arith.index_cast %parallel_loop3A_152 : i32 to index
          %parallel_loop3A_164 = arith.constant 0 : index
          %parallel_loop3A_165 = tpu.vector_load %arg10[%parallel_loop3A_163, %parallel_loop3A_164] {strides = array<i32>} : memref<64x256xf32, #tpu.memory_space<vmem>>, vector<1x16xf32>,
          %parallel_loop3A_166 = vector.shape_cast %parallel_loop3A_165 : vector<1x16xf32> to vector<16xf32>
          %parallel_loop3A_167 = arith.index_cast %parallel_loop3A_162 : i32 to index
          %parallel_loop3A_168 = arith.constant 0 : index
          %parallel_loop3A_169 = tpu.vector_load %arg11[%parallel_loop3A_167, %parallel_loop3A_168] {strides = array<i32>} : memref<256x256xf32, #tpu.memory_space<vmem>>, vector<1x16xf32>,
          %parallel_loop3A_170 = vector.shape_cast %parallel_loop3A_169 : vector<1x16xf32> to vector<16xf32>
          %parallel_loop3A_171 = vector.shape_cast %parallel_loop3A_166 : vector<16xf32> to vector<1x16xf32>
          tpu.vector_store %arg11[%parallel_loop3A_167, %parallel_loop3A_168], %parallel_loop3A_171 {add = true, strides = array<i32>} : memref<256x256xf32, #tpu.memory_space<vmem>>, vector<1x16xf32>,
          %parallel_loop3A_172 = arith.index_cast %parallel_loop3A_152 : i32 to index
          %parallel_loop3A_173 = arith.constant 16 : index
          %parallel_loop3A_174 = tpu.vector_load %arg10[%parallel_loop3A_172, %parallel_loop3A_173] {strides = array<i32>} : memref<64x256xf32, #tpu.memory_space<vmem>>, vector<1x16xf32>,
          %parallel_loop3A_175 = vector.shape_cast %parallel_loop3A_174 : vector<1x16xf32> to vector<16xf32>
          %parallel_loop3A_176 = arith.index_cast %parallel_loop3A_162 : i32 to index
          %parallel_loop3A_177 = arith.constant 16 : index
          %parallel_loop3A_178 = tpu.vector_load %arg11[%parallel_loop3A_176, %parallel_loop3A_177] {strides = array<i32>} : memref<256x256xf32, #tpu.memory_space<vmem>>, vector<1x16xf32>,
          %parallel_loop3A_179 = vector.shape_cast %parallel_loop3A_178 : vector<1x16xf32> to vector<16xf32>
          %parallel_loop3A_180 = vector.shape_cast %parallel_loop3A_175 : vector<16xf32> to vector<1x16xf32>
          tpu.vector_store %arg11[%parallel_loop3A_176, %parallel_loop3A_177], %parallel_loop3A_180 {add = true, strides = array<i32>} : memref<256x256xf32, #tpu.memory_space<vmem>>, vector<1x16xf32>,
          %parallel_loop3A_181 = arith.index_cast %parallel_loop3A_152 : i32 to index
          %parallel_loop3A_182 = arith.constant 32 : index
          %parallel_loop3A_183 = tpu.vector_load %arg10[%parallel_loop3A_181, %parallel_loop3A_182] {strides = array<i32>} : memref<64x256xf32, #tpu.memory_space<vmem>>, vector<1x16xf32>,
          %parallel_loop3A_184 = vector.shape_cast %parallel_loop3A_183 : vector<1x16xf32> to vector<16xf32>
          %parallel_loop3A_185 = arith.index_cast %parallel_loop3A_162 : i32 to index
          %parallel_loop3A_186 = arith.constant 32 : index
          %parallel_loop3A_187 = tpu.vector_load %arg11[%parallel_loop3A_185, %parallel_loop3A_186] {strides = array<i32>} : memref<256x256xf32, #tpu.memory_space<vmem>>, vector<1x16xf32>,
          %parallel_loop3A_188 = vector.shape_cast %parallel_loop3A_187 : vector<1x16xf32> to vector<16xf32>
          %parallel_loop3A_189 = vector.shape_cast %parallel_loop3A_184 : vector<16xf32> to vector<1x16xf32>
          tpu.vector_store %arg11[%parallel_loop3A_185, %parallel_loop3A_186], %parallel_loop3A_189 {add = true, strides = array<i32>} : memref<256x256xf32, #tpu.memory_space<vmem>>, vector<1x16xf32>,
          %parallel_loop3A_190 = arith.index_cast %parallel_loop3A_152 : i32 to index
          %parallel_loop3A_191 = arith.constant 48 : index
          %parallel_loop3A_192 = tpu.vector_load %arg10[%parallel_loop3A_190, %parallel_loop3A_191] {strides = array<i32>} : memref<64x256xf32, #tpu.memory_space<vmem>>, vector<1x16xf32>,
          %parallel_loop3A_193 = vector.shape_cast %parallel_loop3A_192 : vector<1x16xf32> to vector<16xf32>
          %parallel_loop3A_194 = arith.index_cast %parallel_loop3A_162 : i32 to index
          %parallel_loop3A_195 = arith.constant 48 : index
          %parallel_loop3A_196 = tpu.vector_load %arg11[%parallel_loop3A_194, %parallel_loop3A_195] {strides = array<i32>} : memref<256x256xf32, #tpu.memory_space<vmem>>, vector<1x16xf32>,
          %parallel_loop3A_197 = vector.shape_cast %parallel_loop3A_196 : vector<1x16xf32> to vector<16xf32>
          %parallel_loop3A_198 = vector.shape_cast %parallel_loop3A_193 : vector<16xf32> to vector<1x16xf32>
          tpu.vector_store %arg11[%parallel_loop3A_194, %parallel_loop3A_195], %parallel_loop3A_198 {add = true, strides = array<i32>} : memref<256x256xf32, #tpu.memory_space<vmem>>, vector<1x16xf32>,
          %parallel_loop3A_199 = arith.index_cast %parallel_loop3A_152 : i32 to index
          %parallel_loop3A_200 = arith.constant 64 : index
          %parallel_loop3A_201 = tpu.vector_load %arg10[%parallel_loop3A_199, %parallel_loop3A_200] {strides = array<i32>} : memref<64x256xf32, #tpu.memory_space<vmem>>, vector<1x16xf32>,
          %parallel_loop3A_202 = vector.shape_cast %parallel_loop3A_201 : vector<1x16xf32> to vector<16xf32>
          %parallel_loop3A_203 = arith.index_cast %parallel_loop3A_162 : i32 to index
          %parallel_loop3A_204 = arith.constant 64 : index
          %parallel_loop3A_205 = tpu.vector_load %arg11[%parallel_loop3A_203, %parallel_loop3A_204] {strides = array<i32>} : memref<256x256xf32, #tpu.memory_space<vmem>>, vector<1x16xf32>,
          %parallel_loop3A_206 = vector.shape_cast %parallel_loop3A_205 : vector<1x16xf32> to vector<16xf32>
          %parallel_loop3A_207 = vector.shape_cast %parallel_loop3A_202 : vector<16xf32> to vector<1x16xf32>
          tpu.vector_store %arg11[%parallel_loop3A_203, %parallel_loop3A_204], %parallel_loop3A_207 {add = true, strides = array<i32>} : memref<256x256xf32, #tpu.memory_space<vmem>>, vector<1x16xf32>,
          %parallel_loop3A_208 = arith.index_cast %parallel_loop3A_152 : i32 to index
          %parallel_loop3A_209 = arith.constant 80 : index
          %parallel_loop3A_210 = tpu.vector_load %arg10[%parallel_loop3A_208, %parallel_loop3A_209] {strides = array<i32>} : memref<64x256xf32, #tpu.memory_space<vmem>>, vector<1x16xf32>,
          %parallel_loop3A_211 = vector.shape_cast %parallel_loop3A_210 : vector<1x16xf32> to vector<16xf32>
          %parallel_loop3A_212 = arith.index_cast %parallel_loop3A_162 : i32 to index
          %parallel_loop3A_213 = arith.constant 80 : index
          %parallel_loop3A_214 = tpu.vector_load %arg11[%parallel_loop3A_212, %parallel_loop3A_213] {strides = array<i32>} : memref<256x256xf32, #tpu.memory_space<vmem>>, vector<1x16xf32>,
          %parallel_loop3A_215 = vector.shape_cast %parallel_loop3A_214 : vector<1x16xf32> to vector<16xf32>
          %parallel_loop3A_216 = vector.shape_cast %parallel_loop3A_211 : vector<16xf32> to vector<1x16xf32>
          tpu.vector_store %arg11[%parallel_loop3A_212, %parallel_loop3A_213], %parallel_loop3A_216 {add = true, strides = array<i32>} : memref<256x256xf32, #tpu.memory_space<vmem>>, vector<1x16xf32>,
          %parallel_loop3A_217 = arith.index_cast %parallel_loop3A_152 : i32 to index
          %parallel_loop3A_218 = arith.constant 96 : index
          %parallel_loop3A_219 = tpu.vector_load %arg10[%parallel_loop3A_217, %parallel_loop3A_218] {strides = array<i32>} : memref<64x256xf32, #tpu.memory_space<vmem>>, vector<1x16xf32>,
          %parallel_loop3A_220 = vector.shape_cast %parallel_loop3A_219 : vector<1x16xf32> to vector<16xf32>
          %parallel_loop3A_221 = arith.index_cast %parallel_loop3A_162 : i32 to index
          %parallel_loop3A_222 = arith.constant 96 : index
          %parallel_loop3A_223 = tpu.vector_load %arg11[%parallel_loop3A_221, %parallel_loop3A_222] {strides = array<i32>} : memref<256x256xf32, #tpu.memory_space<vmem>>, vector<1x16xf32>,
          %parallel_loop3A_224 = vector.shape_cast %parallel_loop3A_223 : vector<1x16xf32> to vector<16xf32>
          %parallel_loop3A_225 = vector.shape_cast %parallel_loop3A_220 : vector<16xf32> to vector<1x16xf32>
          tpu.vector_store %arg11[%parallel_loop3A_221, %parallel_loop3A_222], %parallel_loop3A_225 {add = true, strides = array<i32>} : memref<256x256xf32, #tpu.memory_space<vmem>>, vector<1x16xf32>,
          %parallel_loop3A_226 = arith.index_cast %parallel_loop3A_152 : i32 to index
          %parallel_loop3A_227 = arith.constant 112 : index
          %parallel_loop3A_228 = tpu.vector_load %arg10[%parallel_loop3A_226, %parallel_loop3A_227] {strides = array<i32>} : memref<64x256xf32, #tpu.memory_space<vmem>>, vector<1x16xf32>,
          %parallel_loop3A_229 = vector.shape_cast %parallel_loop3A_228 : vector<1x16xf32> to vector<16xf32>
          %parallel_loop3A_230 = arith.index_cast %parallel_loop3A_162 : i32 to index
          %parallel_loop3A_231 = arith.constant 112 : index
          %parallel_loop3A_232 = tpu.vector_load %arg11[%parallel_loop3A_230, %parallel_loop3A_231] {strides = array<i32>} : memref<256x256xf32, #tpu.memory_space<vmem>>, vector<1x16xf32>,
          %parallel_loop3A_233 = vector.shape_cast %parallel_loop3A_232 : vector<1x16xf32> to vector<16xf32>
          %parallel_loop3A_234 = vector.shape_cast %parallel_loop3A_229 : vector<16xf32> to vector<1x16xf32>
          tpu.vector_store %arg11[%parallel_loop3A_230, %parallel_loop3A_231], %parallel_loop3A_234 {add = true, strides = array<i32>} : memref<256x256xf32, #tpu.memory_space<vmem>>, vector<1x16xf32>,
          %parallel_loop3A_235 = arith.index_cast %parallel_loop3A_152 : i32 to index
          %parallel_loop3A_236 = arith.constant 128 : index
          %parallel_loop3A_237 = tpu.vector_load %arg10[%parallel_loop3A_235, %parallel_loop3A_236] {strides = array<i32>} : memref<64x256xf32, #tpu.memory_space<vmem>>, vector<1x16xf32>,
          %parallel_loop3A_238 = vector.shape_cast %parallel_loop3A_237 : vector<1x16xf32> to vector<16xf32>
          %parallel_loop3A_239 = arith.index_cast %parallel_loop3A_162 : i32 to index
          %parallel_loop3A_240 = arith.constant 128 : index
          %parallel_loop3A_241 = tpu.vector_load %arg11[%parallel_loop3A_239, %parallel_loop3A_240] {strides = array<i32>} : memref<256x256xf32, #tpu.memory_space<vmem>>, vector<1x16xf32>,
          %parallel_loop3A_242 = vector.shape_cast %parallel_loop3A_241 : vector<1x16xf32> to vector<16xf32>
          %parallel_loop3A_243 = vector.shape_cast %parallel_loop3A_238 : vector<16xf32> to vector<1x16xf32>
          tpu.vector_store %arg11[%parallel_loop3A_239, %parallel_loop3A_240], %parallel_loop3A_243 {add = true, strides = array<i32>} : memref<256x256xf32, #tpu.memory_space<vmem>>, vector<1x16xf32>,
          %parallel_loop3A_244 = arith.index_cast %parallel_loop3A_152 : i32 to index
          %parallel_loop3A_245 = arith.constant 144 : index
          %parallel_loop3A_246 = tpu.vector_load %arg10[%parallel_loop3A_244, %parallel_loop3A_245] {strides = array<i32>} : memref<64x256xf32, #tpu.memory_space<vmem>>, vector<1x16xf32>,
          %parallel_loop3A_247 = vector.shape_cast %parallel_loop3A_246 : vector<1x16xf32> to vector<16xf32>
          %parallel_loop3A_248 = arith.index_cast %parallel_loop3A_162 : i32 to index
          %parallel_loop3A_249 = arith.constant 144 : index
          %parallel_loop3A_250 = tpu.vector_load %arg11[%parallel_loop3A_248, %parallel_loop3A_249] {strides = array<i32>} : memref<256x256xf32, #tpu.memory_space<vmem>>, vector<1x16xf32>,
          %parallel_loop3A_251 = vector.shape_cast %parallel_loop3A_250 : vector<1x16xf32> to vector<16xf32>
          %parallel_loop3A_252 = vector.shape_cast %parallel_loop3A_247 : vector<16xf32> to vector<1x16xf32>
          tpu.vector_store %arg11[%parallel_loop3A_248, %parallel_loop3A_249], %parallel_loop3A_252 {add = true, strides = array<i32>} : memref<256x256xf32, #tpu.memory_space<vmem>>, vector<1x16xf32>,
          %parallel_loop3A_253 = arith.index_cast %parallel_loop3A_152 : i32 to index
          %parallel_loop3A_254 = arith.constant 160 : index
          %parallel_loop3A_255 = tpu.vector_load %arg10[%parallel_loop3A_253, %parallel_loop3A_254] {strides = array<i32>} : memref<64x256xf32, #tpu.memory_space<vmem>>, vector<1x16xf32>,
          %parallel_loop3A_256 = vector.shape_cast %parallel_loop3A_255 : vector<1x16xf32> to vector<16xf32>
          %parallel_loop3A_257 = arith.index_cast %parallel_loop3A_162 : i32 to index
          %parallel_loop3A_258 = arith.constant 160 : index
          %parallel_loop3A_259 = tpu.vector_load %arg11[%parallel_loop3A_257, %parallel_loop3A_258] {strides = array<i32>} : memref<256x256xf32, #tpu.memory_space<vmem>>, vector<1x16xf32>,
          %parallel_loop3A_260 = vector.shape_cast %parallel_loop3A_259 : vector<1x16xf32> to vector<16xf32>
          %parallel_loop3A_261 = vector.shape_cast %parallel_loop3A_256 : vector<16xf32> to vector<1x16xf32>
          tpu.vector_store %arg11[%parallel_loop3A_257, %parallel_loop3A_258], %parallel_loop3A_261 {add = true, strides = array<i32>} : memref<256x256xf32, #tpu.memory_space<vmem>>, vector<1x16xf32>,
          %parallel_loop3A_262 = arith.index_cast %parallel_loop3A_152 : i32 to index
          %parallel_loop3A_263 = arith.constant 176 : index
          %parallel_loop3A_264 = tpu.vector_load %arg10[%parallel_loop3A_262, %parallel_loop3A_263] {strides = array<i32>} : memref<64x256xf32, #tpu.memory_space<vmem>>, vector<1x16xf32>,
          %parallel_loop3A_265 = vector.shape_cast %parallel_loop3A_264 : vector<1x16xf32> to vector<16xf32>
          %parallel_loop3A_266 = arith.index_cast %parallel_loop3A_162 : i32 to index
          %parallel_loop3A_267 = arith.constant 176 : index
          %parallel_loop3A_268 = tpu.vector_load %arg11[%parallel_loop3A_266, %parallel_loop3A_267] {strides = array<i32>} : memref<256x256xf32, #tpu.memory_space<vmem>>, vector<1x16xf32>,
          %parallel_loop3A_269 = vector.shape_cast %parallel_loop3A_268 : vector<1x16xf32> to vector<16xf32>
          %parallel_loop3A_270 = vector.shape_cast %parallel_loop3A_265 : vector<16xf32> to vector<1x16xf32>
          tpu.vector_store %arg11[%parallel_loop3A_266, %parallel_loop3A_267], %parallel_loop3A_270 {add = true, strides = array<i32>} : memref<256x256xf32, #tpu.memory_space<vmem>>, vector<1x16xf32>,
          %parallel_loop3A_271 = arith.index_cast %parallel_loop3A_152 : i32 to index
          %parallel_loop3A_272 = arith.constant 192 : index
          %parallel_loop3A_273 = tpu.vector_load %arg10[%parallel_loop3A_271, %parallel_loop3A_272] {strides = array<i32>} : memref<64x256xf32, #tpu.memory_space<vmem>>, vector<1x16xf32>,
          %parallel_loop3A_274 = vector.shape_cast %parallel_loop3A_273 : vector<1x16xf32> to vector<16xf32>
          %parallel_loop3A_275 = arith.index_cast %parallel_loop3A_162 : i32 to index
          %parallel_loop3A_276 = arith.constant 192 : index
          %parallel_loop3A_277 = tpu.vector_load %arg11[%parallel_loop3A_275, %parallel_loop3A_276] {strides = array<i32>} : memref<256x256xf32, #tpu.memory_space<vmem>>, vector<1x16xf32>,
          %parallel_loop3A_278 = vector.shape_cast %parallel_loop3A_277 : vector<1x16xf32> to vector<16xf32>
          %parallel_loop3A_279 = vector.shape_cast %parallel_loop3A_274 : vector<16xf32> to vector<1x16xf32>
          tpu.vector_store %arg11[%parallel_loop3A_275, %parallel_loop3A_276], %parallel_loop3A_279 {add = true, strides = array<i32>} : memref<256x256xf32, #tpu.memory_space<vmem>>, vector<1x16xf32>,
          %parallel_loop3A_280 = arith.index_cast %parallel_loop3A_152 : i32 to index
          %parallel_loop3A_281 = arith.constant 208 : index
          %parallel_loop3A_282 = tpu.vector_load %arg10[%parallel_loop3A_280, %parallel_loop3A_281] {strides = array<i32>} : memref<64x256xf32, #tpu.memory_space<vmem>>, vector<1x16xf32>,
          %parallel_loop3A_283 = vector.shape_cast %parallel_loop3A_282 : vector<1x16xf32> to vector<16xf32>
          %parallel_loop3A_284 = arith.index_cast %parallel_loop3A_162 : i32 to index
          %parallel_loop3A_285 = arith.constant 208 : index
          %parallel_loop3A_286 = tpu.vector_load %arg11[%parallel_loop3A_284, %parallel_loop3A_285] {strides = array<i32>} : memref<256x256xf32, #tpu.memory_space<vmem>>, vector<1x16xf32>,
          %parallel_loop3A_287 = vector.shape_cast %parallel_loop3A_286 : vector<1x16xf32> to vector<16xf32>
          %parallel_loop3A_288 = vector.shape_cast %parallel_loop3A_283 : vector<16xf32> to vector<1x16xf32>
          tpu.vector_store %arg11[%parallel_loop3A_284, %parallel_loop3A_285], %parallel_loop3A_288 {add = true, strides = array<i32>} : memref<256x256xf32, #tpu.memory_space<vmem>>, vector<1x16xf32>,
          %parallel_loop3A_289 = arith.index_cast %parallel_loop3A_152 : i32 to index
          %parallel_loop3A_290 = arith.constant 224 : index
          %parallel_loop3A_291 = tpu.vector_load %arg10[%parallel_loop3A_289, %parallel_loop3A_290] {strides = array<i32>} : memref<64x256xf32, #tpu.memory_space<vmem>>, vector<1x16xf32>,
          %parallel_loop3A_292 = vector.shape_cast %parallel_loop3A_291 : vector<1x16xf32> to vector<16xf32>
          %parallel_loop3A_293 = arith.index_cast %parallel_loop3A_162 : i32 to index
          %parallel_loop3A_294 = arith.constant 224 : index
          %parallel_loop3A_295 = tpu.vector_load %arg11[%parallel_loop3A_293, %parallel_loop3A_294] {strides = array<i32>} : memref<256x256xf32, #tpu.memory_space<vmem>>, vector<1x16xf32>,
          %parallel_loop3A_296 = vector.shape_cast %parallel_loop3A_295 : vector<1x16xf32> to vector<16xf32>
          %parallel_loop3A_297 = vector.shape_cast %parallel_loop3A_292 : vector<16xf32> to vector<1x16xf32>
          tpu.vector_store %arg11[%parallel_loop3A_293, %parallel_loop3A_294], %parallel_loop3A_297 {add = true, strides = array<i32>} : memref<256x256xf32, #tpu.memory_space<vmem>>, vector<1x16xf32>,
          %parallel_loop3A_298 = arith.index_cast %parallel_loop3A_152 : i32 to index
          %parallel_loop3A_299 = arith.constant 240 : index
          %parallel_loop3A_300 = tpu.vector_load %arg10[%parallel_loop3A_298, %parallel_loop3A_299] {strides = array<i32>} : memref<64x256xf32, #tpu.memory_space<vmem>>, vector<1x16xf32>,
          %parallel_loop3A_301 = vector.shape_cast %parallel_loop3A_300 : vector<1x16xf32> to vector<16xf32>
          %parallel_loop3A_302 = arith.index_cast %parallel_loop3A_162 : i32 to index
          %parallel_loop3A_303 = arith.constant 240 : index
          %parallel_loop3A_304 = tpu.vector_load %arg11[%parallel_loop3A_302, %parallel_loop3A_303] {strides = array<i32>} : memref<256x256xf32, #tpu.memory_space<vmem>>, vector<1x16xf32>,
          %parallel_loop3A_305 = vector.shape_cast %parallel_loop3A_304 : vector<1x16xf32> to vector<16xf32>
          %parallel_loop3A_306 = vector.shape_cast %parallel_loop3A_301 : vector<16xf32> to vector<1x16xf32>
          tpu.vector_store %arg11[%parallel_loop3A_302, %parallel_loop3A_303], %parallel_loop3A_306 {add = true, strides = array<i32>} : memref<256x256xf32, #tpu.memory_space<vmem>>, vector<1x16xf32>,
        } {sc.loop_unroll_factor = 1 : i64, sc.parallel_access}
      }
    }
    %scan3A_21 = arith.constant 32 : i32
    %run_scoped3A_22 = arith.constant 1 : i32
    "tpu.region"() ({
      %run_scoped3A_23 = tpu.sem_alloc : memref<!tpu.dma_semaphore, #tpu.memory_space<semaphore_mem>>
      %dma_start3A = arith.constant 0 : i32
      %dma_start3A_24 = tpu.memref_slice %arg5[%run_scoped3A_22, %mul3A_2, %dma_start3A] : memref<2x8192x256xf32, #tpu.memory_space<hbm>> -> memref<1x256x256xf32, #tpu.memory_space<hbm>>
      %dma_start3A_25 = tpu.memref_squeeze %dma_start3A_24 : memref<1x256x256xf32, #tpu.memory_space<hbm>> -> memref<256x256xf32, #tpu.memory_space<hbm>>
      %dma_start3A_26 = arith.constant 0 : i32
      %dma_start3A_27 = tpu.memref_slice %arg5[%run_scoped3A_22, %mul3A_2, %dma_start3A_26] : memref<2x8192x256xf32, #tpu.memory_space<hbm>> -> memref<1x256x256xf32, #tpu.memory_space<hbm>>
      %dma_start3A_28 = tpu.memref_squeeze %dma_start3A_27 : memref<1x256x256xf32, #tpu.memory_space<hbm>> -> memref<256x256xf32, #tpu.memory_space<hbm>>
      tpu.enqueue_dma source(%arg11 : memref<256x256xf32, #tpu.memory_space<vmem>>) target(%dma_start3A_28 : memref<256x256xf32, #tpu.memory_space<hbm>>) target_semaphore(%run_scoped3A_23 : memref<!tpu.dma_semaphore, #tpu.memory_space<semaphore_mem>>)
      %dma_wait3A = arith.constant 0 : i32
      %dma_wait3A_29 = tpu.memref_slice %arg5[%run_scoped3A_22, %mul3A_2, %dma_wait3A] : memref<2x8192x256xf32, #tpu.memory_space<hbm>> -> memref<1x256x256xf32, #tpu.memory_space<hbm>>
      %dma_wait3A_30 = tpu.memref_squeeze %dma_wait3A_29 : memref<1x256x256xf32, #tpu.memory_space<hbm>> -> memref<256x256xf32, #tpu.memory_space<hbm>>
      %dma_wait3A_31 = arith.constant 0 : i32
      %dma_wait3A_32 = tpu.memref_slice %arg5[%run_scoped3A_22, %mul3A_2, %dma_wait3A_31] : memref<2x8192x256xf32, #tpu.memory_space<hbm>> -> memref<1x256x256xf32, #tpu.memory_space<hbm>>
      %dma_wait3A_33 = tpu.memref_squeeze %dma_wait3A_32 : memref<1x256x256xf32, #tpu.memory_space<hbm>> -> memref<256x256xf32, #tpu.memory_space<hbm>>
      tpu.wait_dma2 semaphore(%run_scoped3A_23 : memref<!tpu.dma_semaphore, #tpu.memory_space<semaphore_mem>>) src(%arg11 : memref<256x256xf32, #tpu.memory_space<vmem>>) dst(%dma_wait3A_33 : memref<256x256xf32, #tpu.memory_space<hbm>>)
      tpu.yield
    }) : () -> ()
    return
  }
}

module attributes {stable_mosaic.version = 14 : i64} {
  func.func @body(%arg0: i32, %arg1: memref<2x1024x256xf32, #tpu.memory_space<vmem>>, %arg2: memref<1024x16xf32, #tpu.memory_space<vmem>>, %arg3: memref<1024x512xf32, #tpu.memory_space<vmem>>, %arg4: memref<512x512xf32, #tpu.memory_space<vmem>>, %arg5: memref<1x512xf32, #tpu.memory_space<vmem>>, %arg6: memref<512x512xf32, #tpu.memory_space<vmem>>, %arg7: memref<512x256xf32, #tpu.memory_space<vmem>>, %arg8: memref<1x256xf32, #tpu.memory_space<vmem>>, %arg9: memref<256x128xf32, #tpu.memory_space<vmem>>, %arg10: memref<1x128xf32, #tpu.memory_space<vmem>>, %arg11: memref<128x64xf32, #tpu.memory_space<vmem>>, %arg12: memref<1x64xf32, #tpu.memory_space<vmem>>, %arg13: memref<64x128xf32, #tpu.memory_space<vmem>>, %arg14: memref<1x128xf32, #tpu.memory_space<vmem>>, %arg15: memref<1024x128xf32, #tpu.memory_space<vmem>>) attributes {dimension_semantics = [#tpu.dimension_semantics<arbitrary>], iteration_bounds = array<i64: 8>, scalar_prefetch = 0 : i64, scratch_operands = 0 : i64, tpu.core_type = #tpu.core_type<tc>, window_params = [{transform_indices = @transform_0, window_bounds = array<i64: 2, 1024, 256>}, {transform_indices = @transform_1, window_bounds = array<i64: 1024, 16>}, {transform_indices = @transform_2, window_bounds = array<i64: 1024, 512>}, {pipeline_mode = #tpu.pipeline_mode<synchronous>, transform_indices = @transform_3, window_bounds = array<i64: 512, 512>}, {pipeline_mode = #tpu.pipeline_mode<synchronous>, transform_indices = @transform_4, window_bounds = array<i64: 1, 512>}, {pipeline_mode = #tpu.pipeline_mode<synchronous>, transform_indices = @transform_5, window_bounds = array<i64: 512, 512>}, {pipeline_mode = #tpu.pipeline_mode<synchronous>, transform_indices = @transform_6, window_bounds = array<i64: 512, 256>}, {pipeline_mode = #tpu.pipeline_mode<synchronous>, transform_indices = @transform_7, window_bounds = array<i64: 1, 256>}, {pipeline_mode = #tpu.pipeline_mode<synchronous>, transform_indices = @transform_8, window_bounds = array<i64: 256, 128>}, {pipeline_mode = #tpu.pipeline_mode<synchronous>, transform_indices = @transform_9, window_bounds = array<i64: 1, 128>}, {pipeline_mode = #tpu.pipeline_mode<synchronous>, transform_indices = @transform_10, window_bounds = array<i64: 128, 64>}, {pipeline_mode = #tpu.pipeline_mode<synchronous>, transform_indices = @transform_11, window_bounds = array<i64: 1, 64>}, {pipeline_mode = #tpu.pipeline_mode<synchronous>, transform_indices = @transform_12, window_bounds = array<i64: 64, 128>}, {pipeline_mode = #tpu.pipeline_mode<synchronous>, transform_indices = @transform_13, window_bounds = array<i64: 1, 128>}, {transform_indices = @transform_14, window_bounds = array<i64: 1024, 128>}]} {
    %get3A = arith.constant 0 : index
    %get3A_0 = arith.constant 0 : index
    %get3A_1 = arith.constant 0 : index
    %get3A_2 = vector.load %arg1[%get3A, %get3A_0, %get3A_1] : memref<2x1024x256xf32, #tpu.memory_space<vmem>>, vector<2x1024x256xf32>
    %get3A_3 = arith.constant 0 : index
    %get3A_4 = arith.constant 0 : index
    %get3A_5 = vector.load %arg2[%get3A_3, %get3A_4] : memref<1024x16xf32, #tpu.memory_space<vmem>>, vector<1024x16xf32>
    %slice3A = vector.extract_strided_slice %get3A_5 {offsets = [0, 0], sizes = [1024, 1], strides = [1, 1]} : vector<1024x16xf32> to vector<1024x1xf32>
    %squeeze3A = vector.shape_cast %slice3A : vector<1024x1xf32> to vector<1024xf32>
    %max3A = arith.constant 1.000000e+00 : f32
    %max3A_6 = vector.broadcast %max3A : f32 to vector<1024xf32>
    %max3A_7 = arith.maximumf %squeeze3A, %max3A_6 : vector<1024xf32>
    %div3A = arith.constant 1.000000e+00 : f32
    %div3A_8 = vector.broadcast %div3A : f32 to vector<1024xf32>
    %div3A_9 = arith.divf %div3A_8, %max3A_7 : vector<1024xf32>
    %slice3A_10 = vector.extract_strided_slice %get3A_2 {offsets = [0, 0, 0], sizes = [1, 1024, 256], strides = [1, 1, 1]} : vector<2x1024x256xf32> to vector<1x1024x256xf32>
    %squeeze3A_11 = vector.shape_cast %slice3A_10 : vector<1x1024x256xf32> to vector<1024x256xf32>
    %slice3A_12 = vector.extract_strided_slice %get3A_2 {offsets = [1, 0, 0], sizes = [1, 1024, 256], strides = [1, 1, 1]} : vector<2x1024x256xf32> to vector<1x1024x256xf32>
    %squeeze3A_13 = vector.shape_cast %slice3A_12 : vector<1x1024x256xf32> to vector<1024x256xf32>
    %concatenate3A = tpu.concatenate %squeeze3A_11, %squeeze3A_13 in 1 : vector<1024x256xf32>, vector<1024x256xf32> -> vector<1024x512xf32>
    %broadcast_in_dim3A = vector.shape_cast %div3A_9 : vector<1024xf32> to vector<1024x1xf32>
    %mul3A = vector.broadcast %broadcast_in_dim3A : vector<1024x1xf32> to vector<1024x512xf32>
    %mul3A_14 = arith.mulf %concatenate3A, %mul3A : vector<1024x512xf32>
    %get3A_15 = arith.constant 0 : index
    %get3A_16 = arith.constant 0 : index
    %get3A_17 = vector.load %arg4[%get3A_15, %get3A_16] : memref<512x512xf32, #tpu.memory_space<vmem>>, vector<512x512xf32>
    %dot_general3A = arith.constant dense<0.000000e+00> : vector<1024x512xf32>
    %dot_general3A_18 = tpu.matmul %mul3A_14, %get3A_17, %dot_general3A {dimension_numbers = #tpu.dot_dimension_numbers<[1], [0], [0], [1], [0, 0, 1, 1], [], []>, transpose_lhs_hint = false} : vector<1024x512xf32>, vector<512x512xf32>, vector<1024x512xf32> -> vector<1024x512xf32>
    %get3A_19 = arith.constant 0 : index
    %get3A_20 = arith.constant 0 : index
    %get3A_21 = vector.load %arg3[%get3A_19, %get3A_20] : memref<1024x512xf32, #tpu.memory_space<vmem>>, vector<1024x512xf32>
    %get3A_22 = arith.constant 0 : index
    %get3A_23 = arith.constant 0 : index
    %get3A_24 = vector.load %arg6[%get3A_22, %get3A_23] : memref<512x512xf32, #tpu.memory_space<vmem>>, vector<512x512xf32>
    %dot_general3A_25 = arith.constant dense<0.000000e+00> : vector<1024x512xf32>
    %dot_general3A_26 = tpu.matmul %get3A_21, %get3A_24, %dot_general3A_25 {dimension_numbers = #tpu.dot_dimension_numbers<[1], [0], [0], [1], [0, 0, 1, 1], [], []>, transpose_lhs_hint = false} : vector<1024x512xf32>, vector<512x512xf32>, vector<1024x512xf32> -> vector<1024x512xf32>
    %add3A = arith.addf %dot_general3A_18, %dot_general3A_26 : vector<1024x512xf32>
    %get3A_27 = arith.constant 0 : index
    %get3A_28 = arith.constant 0 : index
    %get3A_29 = vector.load %arg5[%get3A_27, %get3A_28] : memref<1x512xf32, #tpu.memory_space<vmem>>, vector<1x512xf32>
    %add3A_30 = vector.broadcast %get3A_29 : vector<1x512xf32> to vector<1024x512xf32>
    %add3A_31 = arith.addf %add3A, %add3A_30 : vector<1024x512xf32>
    %max3A_32 = arith.constant 0.000000e+00 : f32
    %max3A_33 = vector.broadcast %max3A_32 : f32 to vector<1024x512xf32>
    %max3A_34 = arith.maximumf %add3A_31, %max3A_33 : vector<1024x512xf32>
    %get3A_35 = arith.constant 0 : index
    %get3A_36 = arith.constant 0 : index
    %get3A_37 = vector.load %arg7[%get3A_35, %get3A_36] : memref<512x256xf32, #tpu.memory_space<vmem>>, vector<512x256xf32>
    %dot_general3A_38 = arith.constant dense<0.000000e+00> : vector<1024x256xf32>
    %dot_general3A_39 = tpu.matmul %max3A_34, %get3A_37, %dot_general3A_38 {dimension_numbers = #tpu.dot_dimension_numbers<[1], [0], [0], [1], [0, 0, 1, 1], [], []>, transpose_lhs_hint = false} : vector<1024x512xf32>, vector<512x256xf32>, vector<1024x256xf32> -> vector<1024x256xf32>
    %get3A_40 = arith.constant 0 : index
    %get3A_41 = arith.constant 0 : index
    %get3A_42 = vector.load %arg8[%get3A_40, %get3A_41] : memref<1x256xf32, #tpu.memory_space<vmem>>, vector<1x256xf32>
    %add3A_43 = vector.broadcast %get3A_42 : vector<1x256xf32> to vector<1024x256xf32>
    %add3A_44 = arith.addf %dot_general3A_39, %add3A_43 : vector<1024x256xf32>
    %max3A_45 = arith.constant 0.000000e+00 : f32
    %max3A_46 = vector.broadcast %max3A_45 : f32 to vector<1024x256xf32>
    %max3A_47 = arith.maximumf %add3A_44, %max3A_46 : vector<1024x256xf32>
    %get3A_48 = arith.constant 0 : index
    %get3A_49 = arith.constant 0 : index
    %get3A_50 = vector.load %arg9[%get3A_48, %get3A_49] : memref<256x128xf32, #tpu.memory_space<vmem>>, vector<256x128xf32>
    %dot_general3A_51 = arith.constant dense<0.000000e+00> : vector<1024x128xf32>
    %dot_general3A_52 = tpu.matmul %max3A_47, %get3A_50, %dot_general3A_51 {dimension_numbers = #tpu.dot_dimension_numbers<[1], [0], [0], [1], [0, 0, 1, 1], [], []>, transpose_lhs_hint = false} : vector<1024x256xf32>, vector<256x128xf32>, vector<1024x128xf32> -> vector<1024x128xf32>
    %get3A_53 = arith.constant 0 : index
    %get3A_54 = arith.constant 0 : index
    %get3A_55 = vector.load %arg10[%get3A_53, %get3A_54] : memref<1x128xf32, #tpu.memory_space<vmem>>, vector<1x128xf32>
    %add3A_56 = vector.broadcast %get3A_55 : vector<1x128xf32> to vector<1024x128xf32>
    %add3A_57 = arith.addf %dot_general3A_52, %add3A_56 : vector<1024x128xf32>
    %max3A_58 = arith.constant 0.000000e+00 : f32
    %max3A_59 = vector.broadcast %max3A_58 : f32 to vector<1024x128xf32>
    %max3A_60 = arith.maximumf %add3A_57, %max3A_59 : vector<1024x128xf32>
    %get3A_61 = arith.constant 0 : index
    %get3A_62 = arith.constant 0 : index
    %get3A_63 = vector.load %arg11[%get3A_61, %get3A_62] : memref<128x64xf32, #tpu.memory_space<vmem>>, vector<128x64xf32>
    %dot_general3A_64 = arith.constant dense<0.000000e+00> : vector<1024x64xf32>
    %dot_general3A_65 = tpu.matmul %max3A_60, %get3A_63, %dot_general3A_64 {dimension_numbers = #tpu.dot_dimension_numbers<[1], [0], [0], [1], [0, 0, 1, 1], [], []>, transpose_lhs_hint = false} : vector<1024x128xf32>, vector<128x64xf32>, vector<1024x64xf32> -> vector<1024x64xf32>
    %get3A_66 = arith.constant 0 : index
    %get3A_67 = arith.constant 0 : index
    %get3A_68 = vector.load %arg12[%get3A_66, %get3A_67] : memref<1x64xf32, #tpu.memory_space<vmem>>, vector<1x64xf32>
    %add3A_69 = vector.broadcast %get3A_68 : vector<1x64xf32> to vector<1024x64xf32>
    %add3A_70 = arith.addf %dot_general3A_65, %add3A_69 : vector<1024x64xf32>
    %max3A_71 = arith.constant 0.000000e+00 : f32
    %max3A_72 = vector.broadcast %max3A_71 : f32 to vector<1024x64xf32>
    %max3A_73 = arith.maximumf %add3A_70, %max3A_72 : vector<1024x64xf32>
    %get3A_74 = arith.constant 0 : index
    %get3A_75 = arith.constant 0 : index
    %get3A_76 = vector.load %arg13[%get3A_74, %get3A_75] : memref<64x128xf32, #tpu.memory_space<vmem>>, vector<64x128xf32>
    %dot_general3A_77 = arith.constant dense<0.000000e+00> : vector<1024x128xf32>
    %dot_general3A_78 = tpu.matmul %max3A_73, %get3A_76, %dot_general3A_77 {dimension_numbers = #tpu.dot_dimension_numbers<[1], [0], [0], [1], [0, 0, 1, 1], [], []>, transpose_lhs_hint = false} : vector<1024x64xf32>, vector<64x128xf32>, vector<1024x128xf32> -> vector<1024x128xf32>
    %get3A_79 = arith.constant 0 : index
    %get3A_80 = arith.constant 0 : index
    %get3A_81 = vector.load %arg14[%get3A_79, %get3A_80] : memref<1x128xf32, #tpu.memory_space<vmem>>, vector<1x128xf32>
    %add3A_82 = vector.broadcast %get3A_81 : vector<1x128xf32> to vector<1024x128xf32>
    %add3A_83 = arith.addf %dot_general3A_78, %add3A_82 : vector<1024x128xf32>
    %swap3A = arith.constant 0 : index
    %swap3A_84 = arith.constant 0 : index
    %swap3A_85 = vector.load %arg15[%swap3A, %swap3A_84] : memref<1024x128xf32, #tpu.memory_space<vmem>>, vector<1024x128xf32>
    tpu.vector_store %arg15[%swap3A, %swap3A_84], %add3A_83 {strides = array<i32>} : memref<1024x128xf32, #tpu.memory_space<vmem>>, vector<1024x128xf32>,
    return
  }
  func.func @transform_0(%arg0: i32) -> (i32, i32, i32) {
    %c0_i32 = arith.constant 0 : i32
    %c0_i32_0 = arith.constant 0 : i32
    %c0_i32_1 = arith.constant 0 : i32
    return %c0_i32, %arg0, %c0_i32_0 : i32, i32, i32
  }
  func.func @transform_1(%arg0: i32) -> (i32, i32) {
    %c0_i32 = arith.constant 0 : i32
    %c0_i32_0 = arith.constant 0 : i32
    return %arg0, %c0_i32 : i32, i32
  }
  func.func @transform_2(%arg0: i32) -> (i32, i32) {
    %c0_i32 = arith.constant 0 : i32
    %c0_i32_0 = arith.constant 0 : i32
    return %arg0, %c0_i32 : i32, i32
  }
  func.func @transform_3(%arg0: i32) -> (i32, i32) {
    %c0_i32 = arith.constant 0 : i32
    %c0_i32_0 = arith.constant 0 : i32
    %c0_i32_1 = arith.constant 0 : i32
    return %c0_i32, %c0_i32_0 : i32, i32
  }
  func.func @transform_4(%arg0: i32) -> (i32, i32) {
    %c0_i32 = arith.constant 0 : i32
    %c0_i32_0 = arith.constant 0 : i32
    %c0_i32_1 = arith.constant 0 : i32
    return %c0_i32, %c0_i32_0 : i32, i32
  }
  func.func @transform_5(%arg0: i32) -> (i32, i32) {
    %c0_i32 = arith.constant 0 : i32
    %c0_i32_0 = arith.constant 0 : i32
    %c0_i32_1 = arith.constant 0 : i32
    return %c0_i32, %c0_i32_0 : i32, i32
  }
  func.func @transform_6(%arg0: i32) -> (i32, i32) {
    %c0_i32 = arith.constant 0 : i32
    %c0_i32_0 = arith.constant 0 : i32
    %c0_i32_1 = arith.constant 0 : i32
    return %c0_i32, %c0_i32_0 : i32, i32
  }
  func.func @transform_7(%arg0: i32) -> (i32, i32) {
    %c0_i32 = arith.constant 0 : i32
    %c0_i32_0 = arith.constant 0 : i32
    %c0_i32_1 = arith.constant 0 : i32
    return %c0_i32, %c0_i32_0 : i32, i32
  }
  func.func @transform_8(%arg0: i32) -> (i32, i32) {
    %c0_i32 = arith.constant 0 : i32
    %c0_i32_0 = arith.constant 0 : i32
    %c0_i32_1 = arith.constant 0 : i32
    return %c0_i32, %c0_i32_0 : i32, i32
  }
  func.func @transform_9(%arg0: i32) -> (i32, i32) {
    %c0_i32 = arith.constant 0 : i32
    %c0_i32_0 = arith.constant 0 : i32
    %c0_i32_1 = arith.constant 0 : i32
    return %c0_i32, %c0_i32_0 : i32, i32
  }
  func.func @transform_10(%arg0: i32) -> (i32, i32) {
    %c0_i32 = arith.constant 0 : i32
    %c0_i32_0 = arith.constant 0 : i32
    %c0_i32_1 = arith.constant 0 : i32
    return %c0_i32, %c0_i32_0 : i32, i32
  }
  func.func @transform_11(%arg0: i32) -> (i32, i32) {
    %c0_i32 = arith.constant 0 : i32
    %c0_i32_0 = arith.constant 0 : i32
    %c0_i32_1 = arith.constant 0 : i32
    return %c0_i32, %c0_i32_0 : i32, i32
  }
  func.func @transform_12(%arg0: i32) -> (i32, i32) {
    %c0_i32 = arith.constant 0 : i32
    %c0_i32_0 = arith.constant 0 : i32
    %c0_i32_1 = arith.constant 0 : i32
    return %c0_i32, %c0_i32_0 : i32, i32
  }
  func.func @transform_13(%arg0: i32) -> (i32, i32) {
    %c0_i32 = arith.constant 0 : i32
    %c0_i32_0 = arith.constant 0 : i32
    %c0_i32_1 = arith.constant 0 : i32
    return %c0_i32, %c0_i32_0 : i32, i32
  }
  func.func @transform_14(%arg0: i32) -> (i32, i32) {
    %c0_i32 = arith.constant 0 : i32
    %c0_i32_0 = arith.constant 0 : i32
    return %arg0, %c0_i32 : i32, i32
  }
}

module attributes {stable_mosaic.version = 14 : i64} {
  func.func @body(%arg0: i32, %arg1: i32, %arg2: memref<1024x128xf32, #tpu.memory_space<vmem>>, %arg3: memref<1024x128xf32, #tpu.memory_space<vmem>>, %arg4: memref<1024x1024xf32, #tpu.memory_space<vmem>>) attributes {dimension_semantics = [#tpu.dimension_semantics<arbitrary>, #tpu.dimension_semantics<arbitrary>], iteration_bounds = array<i64: 8, 8>, scalar_prefetch = 0 : i64, scratch_operands = 0 : i64, tpu.core_type = #tpu.core_type<tc>, window_params = [{transform_indices = @transform_0, window_bounds = array<i64: 1024, 128>}, {transform_indices = @transform_1, window_bounds = array<i64: 1024, 128>}, {transform_indices = @transform_2, window_bounds = array<i64: 1024, 1024>}]} {
    %get3A = arith.constant 0 : index
    %get3A_0 = arith.constant 0 : index
    %get3A_1 = vector.load %arg2[%get3A, %get3A_0] : memref<1024x128xf32, #tpu.memory_space<vmem>>, vector<1024x128xf32>
    %get3A_2 = arith.constant 0 : index
    %get3A_3 = arith.constant 0 : index
    %get3A_4 = vector.load %arg3[%get3A_2, %get3A_3] : memref<1024x128xf32, #tpu.memory_space<vmem>>, vector<1024x128xf32>
    %dot_general3A = arith.constant dense<0.000000e+00> : vector<1024x1024xf32>
    %dot_general3A_5 = tpu.matmul %get3A_1, %get3A_4, %dot_general3A {dimension_numbers = #tpu.dot_dimension_numbers<[1], [1], [0], [0], [0, 0, 1, 0], [], []>, transpose_lhs_hint = false} : vector<1024x128xf32>, vector<1024x128xf32>, vector<1024x1024xf32> -> vector<1024x1024xf32>
    %mul3A = arith.mulf %get3A_1, %get3A_1 : vector<1024x128xf32>
    %reduce_sum3A = arith.constant dense<0.000000e+00> : vector<1024xf32>
    %reduce_sum3A_6 = vector.multi_reduction <add>, %mul3A, %reduce_sum3A [1] : vector<1024x128xf32> to vector<1024xf32>
    %broadcast_in_dim3A = vector.shape_cast %reduce_sum3A_6 : vector<1024xf32> to vector<1024x1xf32>
    %mul3A_7 = arith.mulf %get3A_4, %get3A_4 : vector<1024x128xf32>
    %reduce_sum3A_8 = arith.constant dense<0.000000e+00> : vector<1024xf32>
    %reduce_sum3A_9 = vector.multi_reduction <add>, %mul3A_7, %reduce_sum3A_8 [1] : vector<1024x128xf32> to vector<1024xf32>
    %broadcast_in_dim3A_10 = vector.shape_cast %reduce_sum3A_9 : vector<1024xf32> to vector<1x1024xf32>
    %add3A = vector.broadcast %broadcast_in_dim3A : vector<1024x1xf32> to vector<1024x1024xf32>
    %add3A_11 = vector.broadcast %broadcast_in_dim3A_10 : vector<1x1024xf32> to vector<1024x1024xf32>
    %add3A_12 = arith.addf %add3A, %add3A_11 : vector<1024x1024xf32>
    %mul3A_13 = arith.constant 2.000000e+00 : f32
    %mul3A_14 = vector.broadcast %mul3A_13 : f32 to vector<1024x1024xf32>
    %mul3A_15 = arith.mulf %mul3A_14, %dot_general3A_5 : vector<1024x1024xf32>
    %sub3A = arith.subf %add3A_12, %mul3A_15 : vector<1024x1024xf32>
    %max3A = arith.constant 9.99999996E-13 : f32
    %max3A_16 = vector.broadcast %max3A : f32 to vector<1024x1024xf32>
    %max3A_17 = arith.maximumf %sub3A, %max3A_16 : vector<1024x1024xf32>
    %sqrt3A = math.sqrt %max3A_17 : vector<1024x1024xf32>
    %swap3A = arith.constant 0 : index
    %swap3A_18 = arith.constant 0 : index
    %swap3A_19 = vector.load %arg4[%swap3A, %swap3A_18] : memref<1024x1024xf32, #tpu.memory_space<vmem>>, vector<1024x1024xf32>
    tpu.vector_store %arg4[%swap3A, %swap3A_18], %sqrt3A {strides = array<i32>} : memref<1024x1024xf32, #tpu.memory_space<vmem>>, vector<1024x1024xf32>,
    return
  }
  func.func @transform_0(%arg0: i32, %arg1: i32) -> (i32, i32) {
    %c0_i32 = arith.constant 0 : i32
    %c0_i32_0 = arith.constant 0 : i32
    return %arg0, %c0_i32 : i32, i32
  }
  func.func @transform_1(%arg0: i32, %arg1: i32) -> (i32, i32) {
    %c0_i32 = arith.constant 0 : i32
    %c0_i32_0 = arith.constant 0 : i32
    return %arg1, %c0_i32 : i32, i32
  }
  func.func @transform_2(%arg0: i32, %arg1: i32) -> (i32, i32) {
    %c0_i32 = arith.constant 0 : i32
    return %arg0, %arg1 : i32, i32
  }
}

</mosaic_0001>

<sc_bundles>
// kernel: kernel.5.cloned.1.call-start
scs
__scs_entry_jumppad:
0x0: {  	(pc) =	sbr.rel $0x88, $3  }
0x1: {  	(tag) =	ssettag $0x0;
	lr =	simm.s32 $0x1  }
0x2: {  	[smem:$0x3F94] =	sst lr;
	_ =	strace $0xD0000000  }
0x3: {  	_ = 	snop  }
0x4: {  	_ = 	snop  }
0x5: {  	_ = 	snop  }
0x6: {  	_ = 	snop  }
0x7: {  	_ = 	snop  }
__scs_overlays_trampoline_lowered:
0x8: {  	[smem:$0x3FA3] =	sst s0  }
0x9: {  	[smem:$0x3FA4] =	sst s1  }
0xa: {  	[smem:$0x3FA5] =	sst s2  }
0xb: {  	[smem:$0x3FA6] =	sst s3  }
0xc: {  	[smem:$0x3FA7] =	sst s4  }
0xd: {  	[smem:$0x3FA8] =	sst s5  }
0xe: {  	[smem:$0x3FA9] =	sst s6  }
0xf: {  	[smem:$0x3FAA] =	sst s7  }
0x10: {  	[smem:$0x3FAB] =	sst s8  }
0x11: {  	[smem:$0x3FAC] =	sst s9;
	s0 =	simm.s32 @!p0 $0x0  }
0x12: {  	s1 =	sld [smem:$0x3F92];
	s0 =	simm.s32 @p0 $0x1  }
0x13: {  	[smem:$0x3FAD] =	sst s0;
	s0 =	simm.s32 @!p1 $0x0  }
0x14: {  	s2 =	sld [smem:$0x3F91];
	s0 =	simm.s32 @p1 $0x1  }
0x15: {  	[smem:$0x3FAE] =	sst s0;
	s0 =	simm.s32 @!p2 $0x0  }
0x16: {  	s3 =	sld [smem:$0x3FDB];
	s0 =	simm.s32 @p2 $0x1  }
0x17: {  	s4 =	simm.s32 $0x1BF5;
	[smem:$0x3FB0] =	sst s0  }
0x18: {  	s0 =	sld [smem:$0x3F93];
	_ =	swait.ge [sflag:s4], $0x0  }
0x19: {  	s7 =	sld [smem:$0x3F94]  }
0x1a: {  	s8 =	sadd.s32 $0xFFFFE003, lr  }
0x1b: {  	s9 =	sadd.s32 $0xFFFFFEF7, lr;
	s5 =	simm.s32 $0xFFFFFFFF;
	p2 =	slt.u32 s8, $0xFFFFF086  }
0x1c: {  	p1 =	slt.u32 s9, $0xF7A;
	s5 =	simm.s32 @!p2 $0x0  }
0x1d: {  	s5 =	simm.s32 @p1 $0x1;
	p0 =	seq.s32 s7, s2  }
0x1e: {  	s7 =	smul.u32 @!p0 $0xF7A, s2;
	p2 =	seq.s32 @!p0 s5, $0x0  }
0x1f: {  	s9 =	smul.u32 $0xF7A, s1;
	s8 =	simm.s32 @!p0 $0x1BF5;
	p2 =	por !p2, p0  }
0x20: {  	[sflag:s8] =	ssyncset.s32 @!p0 $0xFFFFF086;
	s6 =	sadd.s32 @!p0 s3, s7;
	s7 =	simm.s32 @!p0 $0x108  }
0x21: {  	s3 =	sadd.s32 s3, s9;
	s6 =	sadd.s32 @!p0 $0x88, s6;
	s7 =	simm.s32 @p2 $0x1082  }
0x22: {  	[simem:s7], [sflag:s8] =	dma.local @!p0 [hbm:s6], $0xF7A  }
0x23: {  	s9 =	sor.u32 $0xD0000000, s2;
	s6 =	simm.s32 $0x108;
	_ =	swait.ge @!p0 [sflag:s8], $0x0  }
0x24: {  	s3 =	sadd.s32 $0x88, s3;
	s6 =	simm.s32 @!p1 $0x1082;
	[sflag:s4] =	ssyncset.s32 $0xFFFFF086  }
0x25: {  	[simem:s6], [sflag:s4] =	dma.local [hbm:s3], $0xF7A  }
0x26: {  	[smem:$0x3F94] =	sst s1;
	(tag) =	ssettag s2;
	_ =	strace s9  }
0x27: {  	s1 =	sld [smem:$0x3FA4]  }
0x28: {  	s2 =	sld [smem:$0x3FA5]  }
0x29: {  	s4 =	sld [smem:$0x3FA7]  }
0x2a: {  	p0 =	seq.s32 s5, $0x0;
	s5 =	sld [smem:$0x3FA8]  }
0x2b: {  	s6 =	sld [smem:$0x3FA9]  }
0x2c: {  	s7 =	sld [smem:$0x3FAA]  }
0x2d: {  	s3 =	simm.s32 $0x108;
	s8 =	sld [smem:$0x3FAB]  }
0x2e: {  	s3 =	simm.s32 @!p0 $0x1082;
	s9 =	sld [smem:$0x3FAC]  }
0x2f: {  	lr =	sadd.s32 s0, s3;
	s0 =	sld [smem:$0x3FA3]  }
0x30: {  	s3 =	sld [smem:$0x3FA6]  }
0x31: {  	[smem:$0x3FAF] =	sst s10  }
0x32: {  	s10 =	sld [smem:$0x3FAD];
	_ =	sdelay $0x3  }
0x33: {  	p0 =	seq.s32 s10, $0x1;
	s10 =	sld [smem:$0x3FAF];
	_ =	sdelay $0x3  }
0x34: {  	[smem:$0x3FAF] =	sst s10  }
0x35: {  	s10 =	sld [smem:$0x3FAE];
	_ =	sdelay $0x3  }
0x36: {  	p1 =	seq.s32 s10, $0x1;
	s10 =	sld [smem:$0x3FAF];
	_ =	sdelay $0x3  }
0x37: {  	[smem:$0x3FAF] =	sst s10  }
0x38: {  	s10 =	sld [smem:$0x3FB0]  }
0x39: {  	_ = 	snop;
	(pc) =	sbr.ind lr, $3  }
0x3a: {  	_ = 	snop  }
0x3b: {  	_ = 	snop  }
0x3c: {  	p2 =	seq.s32 s10, $0x1;
	s10 =	sld [smem:$0x3FAF]  }
0x3d: {  	_ =	shalt  }
0x3e: {  	_ =	shalt  }
0x3f: {  	_ =	shalt  }
0x40: {  	_ =	shalt  }
0x41: {  	_ =	shalt  }
0x42: {  	_ =	shalt  }
0x43: {  	_ =	shalt  }
0x44: {  	_ =	shalt  }
0x45: {  	_ =	shalt  }
0x46: {  	_ =	shalt  }
0x47: {  	_ =	shalt  }
0x48: {  	_ =	shalt  }
0x49: {  	_ =	shalt  }
0x4a: {  	_ =	shalt  }
0x4b: {  	_ =	shalt  }
0x4c: {  	_ =	shalt  }
0x4d: {  	_ =	shalt  }
0x4e: {  	_ =	shalt  }
0x4f: {  	_ =	shalt  }
0x50: {  	_ =	shalt  }
0x51: {  	_ =	shalt  }
0x52: {  	_ =	shalt  }
0x53: {  	_ =	shalt  }
0x54: {  	_ =	shalt  }
0x55: {  	_ =	shalt  }
0x56: {  	_ =	shalt  }
0x57: {  	_ =	shalt  }
0x58: {  	_ =	shalt  }
0x59: {  	_ =	shalt  }
0x5a: {  	_ =	shalt  }
0x5b: {  	_ =	shalt  }
0x5c: {  	_ =	shalt  }
0x5d: {  	_ =	shalt  }
0x5e: {  	_ =	shalt  }
0x5f: {  	_ =	shalt  }
0x60: {  	_ =	shalt  }
0x61: {  	_ =	shalt  }
0x62: {  	_ =	shalt  }
0x63: {  	_ =	shalt  }
0x64: {  	_ =	shalt  }
0x65: {  	_ =	shalt  }
0x66: {  	_ =	shalt  }
0x67: {  	_ =	shalt  }
0x68: {  	_ =	shalt  }
0x69: {  	_ =	shalt  }
0x6a: {  	_ =	shalt  }
0x6b: {  	_ =	shalt  }
0x6c: {  	_ =	shalt  }
0x6d: {  	_ =	shalt  }
0x6e: {  	_ =	shalt  }
0x6f: {  	_ =	shalt  }
0x70: {  	_ =	shalt  }
0x71: {  	_ =	shalt  }
0x72: {  	_ =	shalt  }
0x73: {  	_ =	shalt  }
0x74: {  	_ =	shalt  }
0x75: {  	_ =	shalt  }
0x76: {  	_ =	shalt  }
0x77: {  	_ =	shalt  }
0x78: {  	_ =	shalt  }
0x79: {  	_ =	shalt  }
0x7a: {  	_ =	shalt  }
0x7b: {  	_ =	shalt  }
0x7c: {  	_ =	shalt  }
0x7d: {  	_ =	shalt  }
0x7e: {  	_ =	shalt  }
0x7f: {  	_ =	shalt  }
0x80: {  	_ =	shalt  }
0x81: {  	_ =	shalt  }
0x82: {  	_ =	shalt  }
0x83: {  	_ =	shalt  }
0x84: {  	_ =	shalt  }
0x85: {  	_ =	shalt  }
0x86: {  	_ =	shalt  }
0x87: {  	_ =	shalt  }
.Lfunc_end0:
.L_simem_size_0:
called_computation_lowered:
.L_overlay_start_0:
0x88: {  	s2 =	sld [smem:$0x3FD9]  }
0x89: {  	s3 =	sld [smem:$0x3FFE];
	_ =	sdelay $0x1  }
0x8a: {  	s1 =	srdreg.scid  }
0x8b: {  	s0 =	sand.u32 $0x1, s1  }
0x8c: {  	s17 =	sshll.u32 s0, $0xA;
	s2 =	sadd.s32 s3, s2  }
0x8d: {  	s2 =	sadd.s32 s2, s17  }
0x8e: {  	[smem:$0x3FBB] =	sst s2  }
0x8f: {  	_ = 	snop  }
0x90: {  	s2 =	sld [smem:$0x3FD0];
	(tm) =	ssettm $0x1  }
0x91: {  	s18 =	sld [smem:$0x3FFB];
	_ =	sdelay $0x3  }
0x92: {  	_ =	strace s18  }
0x93: {  	s3 =	sld [smem:$0x3FFC];
	_ =	sdelay $0x3  }
0x94: {  	_ =	strace s3  }
0x95: {  	s3 =	sld [smem:$0x3FFD];
	_ =	sdelay $0x3  }
0x96: {  	_ =	strace s3  }
0x97: {  	_ =	strace $0x8FFFFFFF  }
0x98: {  	s19 =	sld [smem:$0x3FDB];
	_ =	sdelay $0x1  }
0x99: {  	s4 =	simm.s32 $_scs_section_size  }
0x9a: {  	s5 =	simm.s32 $_size__tile_overlayer_lowered;
	s6 =	simm.s32 $_tile_overlayer_lowered  }
0x9b: {  	s22 =	simm.s32 $0x1BFF;
	s21 =	sshll.u32 s6, $0x1;
	s3 =	sadd.s32 s4, s19  }
0x9c: {  	s7 =	simm.s32 $0x0;
	s20 =	sshll.u32 s5, $0x1;
	s5 =	sadd.s32 s21, s3  }
0x9d: {  	[timem:s7], [sflag:s22] =	dma.local [hbm:s5], s20  }
0x9e: {  	_ =	swait.ge [sflag:s22], s20  }
0x9f: {  	s4 =	ssub.s32 $0x0, s20;
	[sflag:s22] =	ssyncset.done $0x0  }
0xa0: {  	[sflag:s22] =	ssyncadd.s32 s4;
	_ =	sdelay $0x1  }
0xa1: {  	s23 =	simm.s32 $0x1B8B  }
0xa2: {  	_ =	swait.ge [sflag:s23], $0x1  }
0xa3: {  	[sflag:s23] =	ssyncset.done $0x0  }
0xa4: {  	s25 =	simm.s32 $0x1B8E;
	s24 =	sld [smem:$0x3FFE];
	[sflag:s23] =	ssyncadd.s32 $0xFFFFFFFF  }
0xa5: {  	s26 =	simm.s32 $execute0_lowered;
	[smem:$0x3FD2] =	sst s25  }
0xa6: {  	s5 =	sshll.u32 s26, $0x1;
	_ =	strace $0x80000046;
	[dreg:$0x1] =	wrdreg $0xFFFFFFFF  }
0xa7: {  	s28 =	simm.s32 $_size_execute0_lowered;
	s3 =	sadd.s32 s3, s5;
	[dreg:$0x0] =	wrdreg $0x0  }
0xa8: {  	s5 =	sshll.u32 s28, $0x1;
	[dreg:$0x2] =	wrdreg s3  }
0xa9: {  	[dreg:$0x3] =	wrdreg s5  }
0xaa: {  	[dreg:$0x4] =	wrdreg $0xC0  }
0xab: {  	_ =	task [dreg:s7], $0x5FFFF  }
0xac: {  	[dreg:$0x1] =	wrdreg $0xFFFFFFFF  }
0xad: {  	[dreg:$0x0] =	wrdreg $0x60  }
0xae: {  	[dreg:$0x2] =	wrdreg s24  }
0xaf: {  	[dreg:$0x3] =	wrdreg s2  }
0xb0: {  	[dreg:$0x4] =	wrdreg $0x9  }
0xb1: {  	_ =	task.clear_ibuf [dreg:s7], $0x5FFFF;
	_ =	strace $0x90000046  }
0xb2: {  	s29 =	simm.s32 $0x9;
	_ =	strace $0x80000048  }
0xb3: {  	_ =	swait.ge [sflag:s29], $0x1  }
0xb4: {  	[sflag:s29] =	ssyncadd.s32 $0xFFFFFFFF  }
0xb5: {  	_ =	strace $0x90000048  }
0xb6: {  	_ =	sfence  }
0xb7: {  	s30 =	sld [smem:$0x0];
	_ =	sdelay $0x2  }
0xb8: {  	s31 =	sshll.u32 s1, $0xD;
	s1 =	sshrl.u32 s1, $0x2  }
0xb9: {  	s3 =	sand.u32 $0x4000, s31;
	s1 =	sadd.s32 s1, s30  }
0xba: {  	s0 =	sor.u32 s3, s0;
	s1 =	sshll.u32 s1, $0x11  }
0xbb: {  	s0 =	sor.u32 s1, s0  }
0xbc: {  	s0 =	sadd.s32 $0x8F2B, s0  }
0xbd: {  	[sflag:s0] =	ssyncadd.remote.s32 $0x1  }
0xbe: {  	_ =	sfence.sel $0xFFFF  }
0xbf: {  	[dreg:$0x0] =	wrdreg $0xFFFFFFFF;
	(pc) =	sbr.abs _section_cstart, $3  }
0xc0: {  	[dreg:$0x1] =	wrdreg $0xFFFFFFFF  }
0xc1: {  	_ =	task.clear_ibuf [dreg:s7], $0x2FFFF;
	_ =	strace $0x9FFFFFFF  }
0xc2: {  	(tm) =	ssettm $0x7FFFFFFF  }
0xc3: {  	_ =	shalt  }
tec
execute0_lowered:
.L_overlay_start_1:
0x0: {  	(tag) =	ssettag $0x1  }
0x1: {  	s0 =	rddreg [dreg:$0x0]  }
0x2: {  	s2 =	rddreg [dreg:$0x1];
	s1 =	simm.s32 $0x0  }
0x3: {  	s4 =	srdreg.scid;
	s6 =	stileid.u32;
	s10 =	simm.s32 $0x1  }
0x4: {  	s12 =	simm.s32 $0x3100;
	s13 =	simm.s32 $0x3900;
	s14 =	simm.s32 $0x4900  }
0x5: {  	s15 =	simm.s32 $0x5100;
	[smem:$0x7FF] =	sst s1;
	s3 =	sadd.s32 $0x42400, s0  }
0x6: {  	s5 =	sand.u32 $0x1, s4;
	s4 =	sadd.s32 $0x2400, s0;
	s6 =	sshll.u32 s6, $0x9  }
0x7: {  	s8 =	sadd.s32 $0x82400, s0;
	_ =	strace $0x80000047;
	s7 =	sshll.u32 s5, $0x8  }
0x8: {  	[dreg:$0x3] =	wrdreg s8;
	s5 =	ssub.s32 $0x2, s5;
	s6 =	sor.u32 s7, s6  }
0x9: {  	s29 =	sshrl.u32 s5, $0x1;
	s7 =	sshll.u32 s6, $0x4;
	s9 =	sshll.u32 s6, $0x5  }
.Ltmp0:
0xa: {  	s5 =	ssub.s32 s5, s29;
	s2 =	sadd.s32 s2, s9;
	(pc) =	sbr.rel .LBB2_1-.Ltmp0, $4  }
0xb: {  	v5 =	vlaneseq.u32;
	s0 =	sadd.s32 s7, s0;
	s31 =	smax.u32 s5, $0x1;
	[dreg:$0x4] =	wrdreg s2  }
0xc: {  	v1 =	vimm.f32 $0.0e+00;
	v2 =	vimm.s32 $0x0;
	s16 =	simm.s32 $0x5900;
	vm0 =	vmmov $0xffff;
	s0 =	sadd.s32 $0x8A400, s0;
	[dreg:$0x7] =	wrdreg s31  }
0xd: {  	s17 =	simm.s32 $0x6100;
	v6 =	vimm.f32 $1.000000000e+00;
	v4 =	vshrl.u32 v5, $0x3;
	v3 =	vand.u32 $0x7, v5;
	s30 =	sadd.s32 $0x40000, s2;
	[dreg:$0x5] =	wrdreg s0  }
0xe: {  	s18 =	simm.s32 $0x6900;
	v5 =	vor.u32 $0x8, v5;
	v4 =	vmul.u32 $0x8, v4;
	v0 =	vmov s6;
	s2 =	simm.s32 $0x0;
	[dreg:$0x6] =	wrdreg s30  }
.LBB2_41:
0xf: {  	s0 =	rddreg [dreg:$0x6];
	s2 =	simm.s32 $0x7100  }
0x10: {  	[hbm4b:s0+s1] =	stream.linear.scatter [tilespmem:s2], [sflag:$0x1], $0x10000, $0x38;
	[tilespmem:$0x1F100] =	vst v63  }
0x11: {  	_ =	swait.ge [sflag:s10], $0x10000  }
0x12: {  	s30 =	rddreg [dreg:$0x8]  }
0x13: {  	s31 =	rddreg [dreg:$0x7];
	s2 =	sadd.s32 $0x1, s30  }
0x14: {  	p0 =	sne.s32 s2, s31  }
.Ltmp1:
0x15: {  	_ = 	snop;
	(pc) =	sbr.rel @!p0 .LBB2_42-.Ltmp1, $3  }
0x16: {  	_ =	sdelay $0x1  }
0x17: {  	[sflag:s10] =	ssyncset.done $0x0  }
0x18: {  	[sflag:s10] =	ssyncadd.s32 $0xFFFF0000  }
.LBB2_1:
0x19: {  	s0 =	sand.u32 $0xF800, s1;
	s31 =	sand.u32 $0x380, s1  }
0x1a: {  	[dreg:$0x8] =	wrdreg s2;
	s0 =	sor.u32 s31, s0  }
0x1b: {  	[tilespmem:s0+$0x7100] =	vst v1  }
0x1c: {  	[tilespmem:s0+$0x7110] =	vst v1  }
0x1d: {  	[tilespmem:s0+$0x7120] =	vst v1  }
0x1e: {  	[tilespmem:s0+$0x7130] =	vst v1  }
0x1f: {  	[tilespmem:s0+$0x7140] =	vst v1  }
0x20: {  	[tilespmem:s0+$0x7150] =	vst v1  }
0x21: {  	[tilespmem:s0+$0x7160] =	vst v1  }
0x22: {  	[tilespmem:s0+$0x7170] =	vst v1  }
0x23: {  	[tilespmem:s0+$0x7500] =	vst v1  }
0x24: {  	[tilespmem:s0+$0x7510] =	vst v1  }
0x25: {  	[tilespmem:s0+$0x7520] =	vst v1  }
0x26: {  	[tilespmem:s0+$0x7530] =	vst v1  }
0x27: {  	[tilespmem:s0+$0x7540] =	vst v1  }
0x28: {  	[tilespmem:s0+$0x7550] =	vst v1  }
0x29: {  	s5 =	simm.s32 $0x80;
	s6 =	simm.s32 $0x100;
	s2 =	simm.s32 $0x17100;
	[tilespmem:s0+$0x7560] =	vst v1  }
.LBB2_2:
0x2a: {  	s7 =	sand.u32 $0xF800, s6;
	s8 =	sand.u32 $0x380, s5;
	p0 =	sne.s32 s6, $0xFF00;
	[tilespmem:s0+$0x7570] =	vst v1  }
0x2b: {  	s0 =	sor.u32 s8, s7;
	[tilespmem:s2+$0x0] =	vst v1  }
0x2c: {  	[tilespmem:s0+$0x7100] =	vst v1  }
0x2d: {  	[tilespmem:s0+$0x7110] =	vst v1  }
0x2e: {  	[tilespmem:s0+$0x7120] =	vst v1  }
0x2f: {  	[tilespmem:s0+$0x7130] =	vst v1  }
0x30: {  	[tilespmem:s0+$0x7140] =	vst v1  }
0x31: {  	[tilespmem:s0+$0x7150] =	vst v1  }
0x32: {  	[tilespmem:s0+$0x7160] =	vst v1  }
0x33: {  	[tilespmem:s0+$0x7170] =	vst v1  }
0x34: {  	[tilespmem:s0+$0x7500] =	vst v1  }
0x35: {  	[tilespmem:s0+$0x7510] =	vst v1  }
.Ltmp2:
0x36: {  	[tilespmem:s0+$0x7520] =	vst v1;
	(pc) =	sbr.rel @p0 .LBB2_2-.Ltmp2, $4  }
0x37: {  	[tilespmem:s0+$0x7530] =	vst v1  }
0x38: {  	[tilespmem:s0+$0x7540] =	vst v1  }
0x39: {  	[tilespmem:s0+$0x7550] =	vst v1  }
0x3a: {  	s5 =	sadd.s32 $0x80, s5;
	s6 =	sadd.s32 $0x100, s6;
	s2 =	sadd.s32 $0x80, s2;
	[tilespmem:s0+$0x7560] =	vst v1  }
.Ltmp3:
0x3b: {  	(pc) =	sbr.rel .LBB2_4-.Ltmp3, $3  }
0x3c: {  	_ =	sdelay $0x1  }
0x3d: {  	[tilespmem:s0+$0x7570] =	vst v1  }
0x3e: {  	s0 =	simm.s32 $0x0;
	[tilespmem:s2+$0x0] =	vst v1  }
.LBB2_19:
0x3f: {  	s0 =	rddreg [dreg:$0xa]  }
0x40: {  	s0 =	sadd.s32 $0x1, s0  }
0x41: {  	p0 =	sne.s32 s0, $0x20  }
.Ltmp4:
0x42: {  	_ = 	snop;
	(pc) =	sbr.rel @!p0 .LBB2_20-.Ltmp4, $1  }
0x43: {  	_ =	sdelay $0x3  }
.LBB2_4:
0x44: {  	s25 =	sshll.u32 s0, $0xA;
	s2 =	rddreg [dreg:$0x3]  }
0x45: {  	[dreg:$0xa] =	wrdreg s0;
	s7 =	simm.s32 $0x0;
	s0 =	sadd.s32 s2, s25  }
0x46: {  	[tilespmem:s7], [sflag:$0x1] =	stream.linear.gather [hbm4b:s0+s7], $0x2000, $0x38;
	[tilespmem:$0x1F100] =	vst v63  }
0x47: {  	_ =	swait.ge [sflag:s10], $0x2000  }
0x48: {  	s26 =	sand.u32 $0x70, s7;
	s28 =	sand.u32 $0x1F00, s7;
	[sflag:s10] =	ssyncset.done $0x0  }
0x49: {  	s0 =	sor.u32 s26, s28;
	[sflag:s10] =	ssyncadd.s32 $0xFFFFE000  }
0x4a: {  	v7 =	vld [tilespmem:s0+$0x80];
	_ =	sdelay $0x4  }
0x4b: {  	v7 =	vsub.s32 v7, v0  }
0x4c: {  	v8 =	vsub.s32 $0xFF, v7  }
0x4d: {  	v8 =	vor.u32 v7, v8  }
0x4e: {  	vm1 =	vgt.s32 v8, $0xFFFFFFFF  }
0x4f: {  	v12 =	vsel vm1, $0x1, v2  }
0x50: {  	(v2sf) =	vpush v12, $0x1  }
0x51: {  	(v2sf) =	vpush v12, $0x0  }
0x52: {  	(v2sf) =	vpush v12, $0x2  }
0x53: {  	(v2sf) =	vpush v12, $0x3;
	_ =	sdelay $0x1  }
0x54: {  	(v2sf) =	vpush v12, $0x4  }
0x55: {  	(v2sf) =	vpush v12, $0x6  }
0x56: {  	(v2sf) =	vpush v12, $0x5  }
0x57: {  	v8 =	vld [tilespmem:s0+$0x0];
	(v2sf) =	vpush v12, $0x7  }
0x58: {  	(v2sf) =	vpush v12, $0x8  }
0x59: {  	(v2sf) =	vpush v12, $0x9  }
0x5a: {  	(v2sf) =	vpush v12, $0xA  }
0x5b: {  	(v2sf) =	vpush v12, $0xB  }
0x5c: {  	v8 =	vshll.u32 v8, $0x8;
	(v2sf) =	vpush v12, $0xC  }
0x5d: {  	v7 =	vadd.s32 v8, v7;
	(v2sf) =	vpush v12, $0xD  }
0x5e: {  	v9 =	vbroadcast v7, $0x0;
	s30 =	spop (v2sf);
	(v2sf) =	vpush v12, $0xF  }
0x5f: {  	s29 =	simm.s32 $0x10;
	s6 =	simm.s32 $0x20;
	v13 =	vbroadcast v7, $0x1;
	s5 =	spop (v2sf);
	(v2sf) =	vpush v12, $0xE  }
0x60: {  	s2 =	simm.s32 $0x20;
	v8 =	vbroadcast v7, $0x5;
	v11 =	vbroadcast v7, $0x2;
	[tilespmem:s7+$0x2000] =	vst v9;
	s31 =	sadd.s32 $0x0, s5;
	s5 =	spop (v2sf)  }
0x61: {  	s0 =	sand.u32 $0x70, s29;
	v10 =	vbroadcast v7, $0x3;
	v9 =	vbroadcast v7, $0x4;
	[tilespmem:s31+$0x2000] =	vst v13;
	s9 =	sadd.s32 s30, s31;
	s8 =	spop (v2sf)  }
.LBB2_5:
0x62: {  	s7 =	sand.u32 $0x1F00, s2  }
0x63: {  	[tilespmem:s9+$0x2000] =	vst v11;
	s9 =	sadd.s32 s5, s9;
	s19 =	spop (v2sf);
	s5 =	smov.u32 s6  }
0x64: {  	s5 =	sor.u32 s0, s7;
	[tilespmem:s9+$0x2000] =	vst v10;
	s7 =	sadd.s32 s8, s9;
	v10 =	vbroadcast v7, $0x6;
	s8 =	spop (v2sf)  }
0x65: {  	s0 =	sand.u32 $0x70, s6;
	[tilespmem:s7+$0x2000] =	vst v9;
	s9 =	sadd.s32 s19, s7;
	v9 =	vbroadcast v7, $0x7;
	s19 =	spop (v2sf)  }
0x66: {  	s7 =	sadd.s32 $0x10, s6;
	[tilespmem:s9+$0x2000] =	vst v8;
	s9 =	sadd.s32 s19, s9;
	v8 =	vbroadcast v7, $0x8;
	s19 =	spop (v2sf)  }
0x67: {  	p0 =	sne.s32 s6, $0xFF0;
	[tilespmem:s9+$0x2000] =	vst v10;
	s6 =	sadd.s32 s8, s9;
	v10 =	vbroadcast v7, $0x9;
	s8 =	spop (v2sf)  }
0x68: {  	[tilespmem:s6+$0x2000] =	vst v9;
	s6 =	sadd.s32 s19, s6;
	v9 =	vbroadcast v7, $0xA;
	s9 =	spop (v2sf)  }
0x69: {  	[tilespmem:s6+$0x2000] =	vst v8;
	s6 =	sadd.s32 s8, s6;
	v8 =	vbroadcast v7, $0xB;
	s8 =	spop (v2sf)  }
0x6a: {  	[tilespmem:s6+$0x2000] =	vst v10;
	s6 =	sadd.s32 s9, s6;
	v10 =	vbroadcast v7, $0xC;
	s9 =	spop (v2sf)  }
0x6b: {  	[tilespmem:s6+$0x2000] =	vst v9;
	s6 =	sadd.s32 s8, s6;
	v9 =	vbroadcast v7, $0xD;
	s8 =	spop (v2sf)  }
0x6c: {  	[tilespmem:s6+$0x2000] =	vst v8;
	s6 =	sadd.s32 s9, s6;
	v8 =	vbroadcast v7, $0xE;
	s9 =	spop (v2sf)  }
0x6d: {  	v7 =	vbroadcast v7, $0xF;
	[tilespmem:s6+$0x2000] =	vst v10;
	s6 =	sadd.s32 s8, s6;
	s8 =	spop (v2sf)  }
0x6e: {  	[tilespmem:s6+$0x2000] =	vst v9;
	s6 =	sadd.s32 s9, s6;
	s9 =	spop (v2sf)  }
0x6f: {  	[tilespmem:s6+$0x2000] =	vst v8;
	s6 =	sadd.s32 s9, s6  }
0x70: {  	[tilespmem:s6+$0x2000] =	vst v7;
	s6 =	sadd.s32 s8, s6  }
0x71: {  	v7 =	vld [tilespmem:s5+$0x80];
	_ =	sdelay $0x4  }
0x72: {  	v8 =	vld [tilespmem:s5+$0x0];
	v7 =	vsub.s32 v7, v0  }
0x73: {  	v9 =	vsub.s32 $0xFF, v7  }
0x74: {  	v9 =	vor.u32 v7, v9  }
0x75: {  	vm1 =	vgt.s32 v9, $0xFFFFFFFF  }
0x76: {  	v12 =	vsel vm1, $0x1, v2  }
0x77: {  	v8 =	vshll.u32 v8, $0x8;
	(v2sf) =	vpush v12, $0x1  }
0x78: {  	v7 =	vadd.s32 v8, v7;
	(v2sf) =	vpush v12, $0x0  }
0x79: {  	v9 =	vbroadcast v7, $0x0;
	v13 =	vbroadcast v7, $0x1;
	(v2sf) =	vpush v12, $0x2  }
0x7a: {  	v8 =	vbroadcast v7, $0x5;
	(v2sf) =	vpush v12, $0x3  }
0x7b: {  	v11 =	vbroadcast v7, $0x2;
	[tilespmem:s6+$0x2000] =	vst v9;
	(v2sf) =	vpush v12, $0x4  }
0x7c: {  	v10 =	vbroadcast v7, $0x3;
	(v2sf) =	vpush v12, $0x6  }
0x7d: {  	v9 =	vbroadcast v7, $0x4;
	(v2sf) =	vpush v12, $0x5  }
0x7e: {  	(v2sf) =	vpush v12, $0x7  }
0x7f: {  	(v2sf) =	vpush v12, $0x8  }
0x80: {  	(v2sf) =	vpush v12, $0x9  }
0x81: {  	(v2sf) =	vpush v12, $0xA  }
0x82: {  	(v2sf) =	vpush v12, $0xB  }
0x83: {  	(v2sf) =	vpush v12, $0xC  }
0x84: {  	(v2sf) =	vpush v12, $0xD  }
.Ltmp5:
0x85: {  	(v2sf) =	vpush v12, $0xF;
	(pc) =	sbr.rel @p0 .LBB2_5-.Ltmp5, $4  }
0x86: {  	s8 =	spop (v2sf);
	(v2sf) =	vpush v12, $0xE  }
0x87: {  	s5 =	spop (v2sf)  }
0x88: {  	s2 =	sadd.s32 $0x20, s2;
	s6 =	sadd.s32 s6, s5;
	s5 =	spop (v2sf)  }
0x89: {  	[tilespmem:s6+$0x2000] =	vst v13;
	s9 =	sadd.s32 s8, s6;
	s8 =	spop (v2sf);
	s6 =	smov.u32 s7  }
0x8a: {  	[tilespmem:s9+$0x2000] =	vst v11;
	s5 =	sadd.s32 s5, s9;
	s6 =	spop (v2sf)  }
0x8b: {  	[tilespmem:s5+$0x2000] =	vst v10;
	s5 =	sadd.s32 s8, s5;
	s7 =	spop (v2sf)  }
0x8c: {  	v49 =	vbroadcast v7, $0x6;
	[tilespmem:s5+$0x2000] =	vst v9;
	s5 =	sadd.s32 s6, s5;
	s19 =	spop (v2sf)  }
0x8d: {  	v50 =	vbroadcast v7, $0x7;
	[tilespmem:s5+$0x2000] =	vst v8;
	s5 =	sadd.s32 s19, s5;
	s20 =	spop (v2sf)  }
0x8e: {  	v8 =	vbroadcast v7, $0x8;
	[tilespmem:s5+$0x2000] =	vst v49;
	s5 =	sadd.s32 s7, s5;
	s21 =	spop (v2sf)  }
0x8f: {  	v51 =	vbroadcast v7, $0x9;
	[tilespmem:s5+$0x2000] =	vst v50;
	s5 =	sadd.s32 s20, s5;
	s22 =	spop (v2sf)  }
0x90: {  	v52 =	vbroadcast v7, $0xA;
	[tilespmem:s5+$0x2000] =	vst v8;
	s5 =	sadd.s32 s21, s5;
	s23 =	spop (v2sf)  }
0x91: {  	v8 =	vbroadcast v7, $0xB;
	[tilespmem:s5+$0x2000] =	vst v51;
	s5 =	sadd.s32 s22, s5;
	s24 =	spop (v2sf)  }
0x92: {  	v53 =	vbroadcast v7, $0xC;
	[tilespmem:s5+$0x2000] =	vst v52;
	s5 =	sadd.s32 s23, s5;
	s25 =	spop (v2sf)  }
0x93: {  	v54 =	vbroadcast v7, $0xD;
	[tilespmem:s5+$0x2000] =	vst v8;
	s5 =	sadd.s32 s24, s5;
	s26 =	spop (v2sf)  }
0x94: {  	v8 =	vbroadcast v7, $0xE;
	[tilespmem:s5+$0x2000] =	vst v53;
	s5 =	sadd.s32 s25, s5;
	s28 =	spop (v2sf)  }
0x95: {  	v7 =	vbroadcast v7, $0xF;
	[tilespmem:s5+$0x2000] =	vst v54;
	s5 =	sadd.s32 s26, s5;
	s29 =	spop (v2sf)  }
0x96: {  	s2 =	sand.u32 $0x1F00, s2;
	[tilespmem:s5+$0x2000] =	vst v8;
	s5 =	sadd.s32 s29, s5  }
0x97: {  	s0 =	sor.u32 s0, s2;
	[tilespmem:s5+$0x2000] =	vst v7  }
0x98: {  	v7 =	vld [tilespmem:s0+$0x80];
	_ =	sdelay $0x4  }
0x99: {  	v7 =	vsub.s32 v7, v0  }
0x9a: {  	v8 =	vsub.s32 $0xFF, v7  }
0x9b: {  	v8 =	vor.u32 v7, v8  }
0x9c: {  	vm1 =	vgt.s32 v8, $0xFFFFFFFF  }
0x9d: {  	v8 =	vsel vm1, $0x1, v2  }
0x9e: {  	(v2sf) =	vpush v8, $0x1  }
0x9f: {  	(v2sf) =	vpush v8, $0x0  }
0xa0: {  	(v2sf) =	vpush v8, $0x2  }
0xa1: {  	(v2sf) =	vpush v8, $0x3  }
0xa2: {  	(v2sf) =	vpush v8, $0x4  }
0xa3: {  	(v2sf) =	vpush v8, $0x6  }
0xa4: {  	(v2sf) =	vpush v8, $0x5  }
0xa5: {  	(v2sf) =	vpush v8, $0x7  }
0xa6: {  	(v2sf) =	vpush v8, $0x8  }
0xa7: {  	(v2sf) =	vpush v8, $0x9  }
0xa8: {  	(v2sf) =	vpush v8, $0xA  }
0xa9: {  	(v2sf) =	vpush v8, $0xB  }
0xaa: {  	(v2sf) =	vpush v8, $0xC  }
0xab: {  	v9 =	vld [tilespmem:s0+$0x0];
	(v2sf) =	vpush v8, $0xD  }
0xac: {  	(v2sf) =	vpush v8, $0xF  }
0xad: {  	s30 =	spop (v2sf);
	(v2sf) =	vpush v8, $0xE  }
0xae: {  	s31 =	sadd.s32 s28, s5;
	s6 =	spop (v2sf)  }
0xaf: {  	s5 =	sadd.s32 s31, s6;
	s7 =	spop (v2sf)  }
0xb0: {  	v8 =	vshll.u32 v9, $0x8;
	s0 =	sadd.s32 s30, s5;
	s8 =	spop (v2sf)  }
0xb1: {  	v7 =	vadd.s32 v8, v7;
	s6 =	sadd.s32 s7, s0;
	s9 =	spop (v2sf)  }
0xb2: {  	v8 =	vbroadcast v7, $0x0;
	s7 =	sadd.s32 s8, s6;
	s11 =	spop (v2sf)  }
0xb3: {  	v55 =	vbroadcast v7, $0x1;
	s8 =	sadd.s32 s9, s7;
	s19 =	spop (v2sf)  }
0xb4: {  	[tilespmem:s31+$0x2000] =	vst v8;
	v8 =	vbroadcast v7, $0x2;
	s20 =	sadd.s32 s19, s8;
	s21 =	spop (v2sf)  }
0xb5: {  	v56 =	vbroadcast v7, $0x3;
	[tilespmem:s5+$0x2000] =	vst v55;
	s22 =	sadd.s32 s11, s20;
	s24 =	spop (v2sf)  }
0xb6: {  	v57 =	vbroadcast v7, $0x4;
	[tilespmem:s0+$0x2000] =	vst v8;
	s25 =	sadd.s32 s21, s22;
	s23 =	spop (v2sf)  }
0xb7: {  	v8 =	vbroadcast v7, $0x5;
	[tilespmem:s6+$0x2000] =	vst v56;
	s24 =	sadd.s32 s24, s25;
	s26 =	spop (v2sf)  }
0xb8: {  	v58 =	vbroadcast v7, $0x6;
	[tilespmem:s7+$0x2000] =	vst v57;
	s28 =	sadd.s32 s23, s24;
	s29 =	spop (v2sf)  }
0xb9: {  	v59 =	vbroadcast v7, $0x7;
	[tilespmem:s8+$0x2000] =	vst v8;
	s30 =	sadd.s32 s26, s28;
	s31 =	spop (v2sf)  }
0xba: {  	v8 =	vbroadcast v7, $0x8;
	[tilespmem:s20+$0x2000] =	vst v58;
	s11 =	sadd.s32 s29, s30;
	s20 =	spop (v2sf)  }
0xbb: {  	[tilespmem:s22+$0x2000] =	vst v59;
	s21 =	sadd.s32 s31, s11;
	s22 =	spop (v2sf)  }
0xbc: {  	v60 =	vbroadcast v7, $0x9;
	[tilespmem:s25+$0x2000] =	vst v8;
	s23 =	sadd.s32 s20, s21;
	s25 =	spop (v2sf)  }
0xbd: {  	v61 =	vbroadcast v7, $0xA;
	s26 =	sadd.s32 s25, s23  }
0xbe: {  	[tilespmem:s24+$0x2000] =	vst v60;
	s24 =	sadd.s32 s22, s26  }
0xbf: {  	v8 =	vbroadcast v7, $0xB;
	[tilespmem:s28+$0x2000] =	vst v61;
	s28 =	sadd.s32 $0x3F, s24  }
0xc0: {  	s29 =	sand.u32 $0x3F, s28  }
0xc1: {  	[tilespmem:s30+$0x2000] =	vst v8;
	s30 =	sshra.s32 s28, $0x1F;
	p1 =	slt.s32 s28, $0x1;
	p0 =	sne.s32 s29, $0x0  }
0xc2: {  	v62 =	vbroadcast v7, $0xC;
	s31 =	sshrl.u32 s30, $0x1A;
	p0 =	por !p1, !p0  }
0xc3: {  	s2 =	simm.s32 $0x1;
	v63 =	vbroadcast v7, $0xD;
	s0 =	sadd.s32 s31, s28;
	p0 =	por !p0, !p0  }
0xc4: {  	v8 =	vbroadcast v7, $0xE;
	[tilespmem:s11+$0x2000] =	vst v62;
	s0 =	sshra.s32 s0, $0x6;
	s2 =	simm.s32 @!p0 $0x0  }
0xc5: {  	v7 =	vbroadcast v7, $0xF;
	[tilespmem:s21+$0x2000] =	vst v63;
	s25 =	ssub.s32 s0, s2  }
0xc6: {  	[tilespmem:s23+$0x2000] =	vst v8;
	p0 =	slt.s32 s25, $0x1  }
.Ltmp6:
0xc7: {  	[tilespmem:s26+$0x2000] =	vst v7;
	(pc) =	sbr.rel @p0 .LBB2_19-.Ltmp6, $4  }
0xc8: {  	[tilespmem:s24+$0x2000] =	vst v2  }
0xc9: {  	[tilespmem:s24+$0x2010] =	vst v2  }
0xca: {  	[tilespmem:s24+$0x2020] =	vst v2  }
0xcb: {  	[tilespmem:s24+$0x2030] =	vst v2  }
.Ltmp7:
0xcc: {  	(pc) =	sbr.rel .LBB2_8-.Ltmp7, $2  }
0xcd: {  	_ =	sdelay $0x2  }
0xce: {  	s26 =	simm.s32 $0x0;
	s28 =	simm.s32 $0x2000;
	s29 =	smov.u32 s24  }
.LBB2_10:
0xcf: {  	_ = 	snop  }
.LBB2_17:
0xd0: {  	s9 =	sor.u32 s21, s20  }
0xd1: {  	v9 =	vld [tilespmem:s9+$0x3100]  }
0xd2: {  	s6 =	spop (v2sf)  }
0xd3: {  	s8 =	sshll.u32 s6, $0x8;
	s11 =	sshll.u32 s6, $0x7  }
0xd4: {  	s8 =	sand.u32 $0xF800, s8;
	s11 =	sand.u32 $0x380, s11  }
0xd5: {  	s8 =	sor.u32 s11, s8  }
0xd6: {  	[tilespmem:s8+$0x7100] =	vst.add.f32.msk $0xffff, v9  }
0xd7: {  	v9 =	vld [tilespmem:s9+$0x3110];
	_ =	sdelay $0x4  }
0xd8: {  	[tilespmem:s8+$0x7110] =	vst.add.f32.msk $0xffff, v9  }
0xd9: {  	v9 =	vld [tilespmem:s9+$0x3120];
	_ =	sdelay $0x4  }
0xda: {  	[tilespmem:s8+$0x7120] =	vst.add.f32.msk $0xffff, v9  }
0xdb: {  	v9 =	vld [tilespmem:s9+$0x3130];
	_ =	sdelay $0x4  }
0xdc: {  	[tilespmem:s8+$0x7130] =	vst.add.f32.msk $0xffff, v9  }
0xdd: {  	v9 =	vld [tilespmem:s9+$0x3140];
	_ =	sdelay $0x4  }
0xde: {  	[tilespmem:s8+$0x7140] =	vst.add.f32.msk $0xffff, v9  }
0xdf: {  	v9 =	vld [tilespmem:s9+$0x3150];
	_ =	sdelay $0x1  }
0xe0: {  	[tilespmem:s7+$0x7150] =	vst.add.f32.msk @p0 $0xffff, v8  }
0xe1: {  	v8 =	vld @p0 [tilespmem:s2+$0x3160];
	_ =	sdelay $0x1  }
0xe2: {  	[tilespmem:s8+$0x7150] =	vst.add.f32.msk $0xffff, v9  }
0xe3: {  	v9 =	vld [tilespmem:s9+$0x3160];
	_ =	sdelay $0x1  }
0xe4: {  	[tilespmem:s7+$0x7160] =	vst.add.f32.msk @p0 $0xffff, v8  }
0xe5: {  	v8 =	vld @p0 [tilespmem:s2+$0x3170];
	_ =	sdelay $0x1  }
0xe6: {  	[tilespmem:s8+$0x7160] =	vst.add.f32.msk $0xffff, v9  }
0xe7: {  	v9 =	vld [tilespmem:s9+$0x3170];
	_ =	sdelay $0x1  }
0xe8: {  	[tilespmem:s7+$0x7170] =	vst.add.f32.msk @p0 $0xffff, v8  }
0xe9: {  	v8 =	vld @p0 [tilespmem:s2+$0x3500];
	_ =	sdelay $0x1  }
0xea: {  	[tilespmem:s8+$0x7170] =	vst.add.f32.msk $0xffff, v9  }
0xeb: {  	v9 =	vld [tilespmem:s9+$0x3500];
	_ =	sdelay $0x1  }
0xec: {  	[tilespmem:s7+$0x7500] =	vst.add.f32.msk @p0 $0xffff, v8  }
0xed: {  	v8 =	vld @p0 [tilespmem:s2+$0x3510];
	_ =	sdelay $0x1  }
0xee: {  	[tilespmem:s8+$0x7500] =	vst.add.f32.msk $0xffff, v9  }
0xef: {  	v9 =	vld [tilespmem:s9+$0x3510];
	_ =	sdelay $0x1  }
0xf0: {  	[tilespmem:s7+$0x7510] =	vst.add.f32.msk @p0 $0xffff, v8  }
0xf1: {  	v8 =	vld @p0 [tilespmem:s2+$0x3520];
	_ =	sdelay $0x1  }
0xf2: {  	[tilespmem:s8+$0x7510] =	vst.add.f32.msk $0xffff, v9  }
0xf3: {  	v9 =	vld [tilespmem:s9+$0x3520];
	_ =	sdelay $0x1  }
0xf4: {  	[tilespmem:s7+$0x7520] =	vst.add.f32.msk @p0 $0xffff, v8  }
0xf5: {  	v8 =	vld @p0 [tilespmem:s2+$0x3530];
	_ =	sdelay $0x1  }
0xf6: {  	[tilespmem:s8+$0x7520] =	vst.add.f32.msk $0xffff, v9  }
0xf7: {  	v9 =	vld [tilespmem:s9+$0x3530]  }
0xf8: {  	[tilespmem:s30+$0x7530] =	vst.add.f32.msk @p1 $0xffff, v7  }
0xf9: {  	v7 =	vld @p1 [tilespmem:s31+$0x3540];
	s7 =	smov.u32 @p0 s7;
	v8 =	vpsel p0, v8, v0  }
0xfa: {  	s2 =	smov.u32 @p0 s2;
	[tilespmem:s7+$0x7530] =	vst.add.f32.msk @p0 $0xffff, v8  }
0xfb: {  	v8 =	vld @p0 [tilespmem:s2+$0x3540]  }
0xfc: {  	[tilespmem:s8+$0x7530] =	vst.add.f32.msk $0xffff, v9  }
0xfd: {  	v9 =	vld [tilespmem:s9+$0x3540]  }
0xfe: {  	[tilespmem:s30+$0x7540] =	vst.add.f32.msk @p1 $0xffff, v7  }
0xff: {  	v7 =	vld @p1 [tilespmem:s31+$0x3550]  }
0x100: {  	[tilespmem:s7+$0x7540] =	vst.add.f32.msk @p0 $0xffff, v8  }
0x101: {  	v8 =	vld @p0 [tilespmem:s2+$0x3550]  }
0x102: {  	[tilespmem:s8+$0x7540] =	vst.add.f32.msk $0xffff, v9  }
0x103: {  	v9 =	vld [tilespmem:s9+$0x3550]  }
0x104: {  	[tilespmem:s30+$0x7550] =	vst.add.f32.msk @p1 $0xffff, v7  }
0x105: {  	v7 =	vld @p1 [tilespmem:s31+$0x3560]  }
0x106: {  	[tilespmem:s7+$0x7550] =	vst.add.f32.msk @p0 $0xffff, v8  }
0x107: {  	v8 =	vld @p0 [tilespmem:s2+$0x3560]  }
0x108: {  	[tilespmem:s8+$0x7550] =	vst.add.f32.msk $0xffff, v9  }
0x109: {  	v9 =	vld [tilespmem:s9+$0x3560]  }
0x10a: {  	[tilespmem:s30+$0x7560] =	vst.add.f32.msk @p1 $0xffff, v7  }
0x10b: {  	v7 =	vld @p1 [tilespmem:s31+$0x3570]  }
0x10c: {  	[tilespmem:s7+$0x7560] =	vst.add.f32.msk @p0 $0xffff, v8  }
0x10d: {  	v8 =	vld @p0 [tilespmem:s2+$0x3570]  }
0x10e: {  	[tilespmem:s8+$0x7560] =	vst.add.f32.msk $0xffff, v9  }
0x10f: {  	s2 =	sand.u32 @p1 $0xFF, s5;
	v9 =	vld [tilespmem:s9+$0x3570]  }
0x110: {  	s0 =	smov.u32 @p0 s0;
	[tilespmem:s30+$0x7570] =	vst.add.f32.msk @p1 $0xffff, v7;
	s2 =	sshll.u32 @p1 s2, $0x7  }
0x111: {  	s0 =	sand.u32 @p0 $0xFF, s0;
	[tilespmem:s2+$0x17100] =	vst.add.f32.msk @p1 $0xffff, v6  }
0x112: {  	s0 =	sshll.u32 @p0 s0, $0x7;
	[tilespmem:s7+$0x7570] =	vst.add.f32.msk @p0 $0xffff, v8  }
0x113: {  	s31 =	sand.u32 $0xFF, s6;
	[tilespmem:s0+$0x17100] =	vst.add.f32.msk @p0 $0xffff, v6  }
0x114: {  	s0 =	sshll.u32 s31, $0x7;
	[tilespmem:s8+$0x7570] =	vst.add.f32.msk $0xffff, v9  }
0x115: {  	[tilespmem:s0+$0x17100] =	vst.add.f32.msk $0xffff, v6  }
.LBB2_18:
0x116: {  	s26 =	sadd.s32 $0x1, s26  }
0x117: {  	p0 =	seq.s32 s26, s25  }
.Ltmp8:
0x118: {  	_ = 	snop;
	(pc) =	sbr.rel @p0 .LBB2_19-.Ltmp8, $2  }
0x119: {  	_ =	sdelay $0x2  }
0x11a: {  	s29 =	sadd.s32 $0xFFFFFFC0, s29;
	s28 =	sadd.s32 $0x40, s28  }
.LBB2_8:
0x11b: {  	s0 =	sshll.u32 s26, $0x6  }
0x11c: {  	v7 =	vld [tilespmem:s0+$0x2000];
	_ =	sdelay $0x4  }
0x11d: {  	v7 =	vshra.s32 v7, $0x8  }
0x11e: {  	[tilespmem:$0x3080] =	vst v7  }
0x11f: {  	v8 =	vld [tilespmem:s0+$0x2010];
	_ =	sdelay $0x4  }
0x120: {  	v8 =	vshra.s32 v8, $0x8  }
0x121: {  	[tilespmem:$0x3090] =	vst v8  }
0x122: {  	v8 =	vld [tilespmem:s0+$0x2020];
	_ =	sdelay $0x3  }
0x123: {  	v9 =	vshll.u32 v7, $0x1  }
0x124: {  	v7 =	vand.u32 $0x7, v7;
	v9 =	vand.u32 $0xFFFFFFF0, v9;
	v8 =	vshra.s32 v8, $0x8  }
0x125: {  	v7 =	vor.u32 v7, v9;
	[tilespmem:$0x30A0] =	vst v8  }
0x126: {  	v9 =	vperm.xlane v7, v3;
	v8 =	vld [tilespmem:s0+$0x2030];
	_ =	sdelay $0x1  }
0x127: {  	v7 =	vperm.xlane v7, v5;
	v9 =	vadd.s32 v4, v9;
	_ =	sdelay $0x1  }
0x128: {  	v7 =	vadd.s32 v4, v7  }
0x129: {  	v8 =	vshra.s32 v8, $0x8  }
0x12a: {  	[tilespmem:$0x30B0] =	vst v8  }
0x12b: {  	[tilespmem:s12], [sflag:$0x1] =	stream.indirect_vreg.gather [hbm4b:s3+s1], $0x80, v9, vm0, $0xb8;
	[tilespmem:$0x1F100] =	vst v63  }
0x12c: {  	_ = 	snop  }
0x12d: {  	[tilespmem:s13], [sflag:$0x1] =	stream.indirect_vreg.gather [hbm4b:s3+s1], $0x80, v7, vm0, $0xb8;
	[tilespmem:$0x1F100] =	vst v63  }
0x12e: {  	v7 =	vld [tilespmem:$0x3090];
	_ =	sdelay $0x4  }
0x12f: {  	v8 =	vshll.u32 v7, $0x1  }
0x130: {  	v7 =	vand.u32 $0x7, v7;
	v8 =	vand.u32 $0xFFFFFFF0, v8  }
0x131: {  	v7 =	vor.u32 v7, v8  }
0x132: {  	v8 =	vperm.xlane v7, v3;
	_ =	sdelay $0x1  }
0x133: {  	v7 =	vperm.xlane v7, v5;
	v8 =	vadd.s32 v4, v8;
	_ =	sdelay $0x1  }
0x134: {  	v7 =	vadd.s32 v4, v7;
	_ =	sdelay $0x1  }
0x135: {  	s2 =	simm.s32 $0x4100  }
0x136: {  	[tilespmem:s2], [sflag:$0x1] =	stream.indirect_vreg.gather [hbm4b:s3+s1], $0x80, v8, vm0, $0xb8;
	[tilespmem:$0x1F100] =	vst v63  }
0x137: {  	_ = 	snop  }
0x138: {  	[tilespmem:s14], [sflag:$0x1] =	stream.indirect_vreg.gather [hbm4b:s3+s1], $0x80, v7, vm0, $0xb8;
	[tilespmem:$0x1F100] =	vst v63  }
0x139: {  	v7 =	vld [tilespmem:$0x30A0];
	_ =	sdelay $0x4  }
0x13a: {  	v8 =	vshll.u32 v7, $0x1  }
0x13b: {  	v7 =	vand.u32 $0x7, v7;
	v8 =	vand.u32 $0xFFFFFFF0, v8  }
0x13c: {  	v7 =	vor.u32 v7, v8  }
0x13d: {  	v8 =	vperm.xlane v7, v3;
	_ =	sdelay $0x1  }
0x13e: {  	v7 =	vperm.xlane v7, v5;
	v8 =	vadd.s32 v4, v8;
	_ =	sdelay $0x1  }
0x13f: {  	v7 =	vadd.s32 v4, v7;
	_ =	sdelay $0x2  }
0x140: {  	[tilespmem:s15], [sflag:$0x1] =	stream.indirect_vreg.gather [hbm4b:s3+s1], $0x80, v8, vm0, $0xb8;
	[tilespmem:$0x1F100] =	vst v63  }
0x141: {  	_ = 	snop  }
0x142: {  	[tilespmem:s16], [sflag:$0x1] =	stream.indirect_vreg.gather [hbm4b:s3+s1], $0x80, v7, vm0, $0xb8;
	[tilespmem:$0x1F100] =	vst v63  }
0x143: {  	v7 =	vld [tilespmem:$0x30B0];
	_ =	sdelay $0x4  }
0x144: {  	v8 =	vshll.u32 v7, $0x1  }
0x145: {  	v7 =	vand.u32 $0x7, v7;
	v8 =	vand.u32 $0xFFFFFFF0, v8  }
0x146: {  	v7 =	vor.u32 v7, v8  }
0x147: {  	v8 =	vperm.xlane v7, v3;
	_ =	sdelay $0x1  }
0x148: {  	v7 =	vperm.xlane v7, v5;
	v8 =	vadd.s32 v4, v8;
	_ =	sdelay $0x1  }
0x149: {  	v7 =	vadd.s32 v4, v7  }
0x14a: {  	s0 =	ssub.s32 s24, s0  }
0x14b: {  	p0 =	slt.s32 s0, $0x1  }
0x14c: {  	[tilespmem:s17], [sflag:$0x1] =	stream.indirect_vreg.gather [hbm4b:s3+s1], $0x80, v8, vm0, $0xb8;
	[tilespmem:$0x1F100] =	vst v63  }
.Ltmp9:
0x14d: {  	_ = 	snop;
	(pc) =	sbr.rel @p0 .LBB2_18-.Ltmp9, $4  }
0x14e: {  	[tilespmem:s18], [sflag:$0x1] =	stream.indirect_vreg.gather [hbm4b:s3+s1], $0x80, v7, vm0, $0xb8;
	[tilespmem:$0x1F100] =	vst v63  }
0x14f: {  	_ =	swait.ge [sflag:s10], $0x4000  }
0x150: {  	[sflag:s10] =	ssyncset.done $0x0  }
0x151: {  	[sflag:s10] =	ssyncadd.s32 $0xFFFFC000  }
0x152: {  	v7 =	vld [tilespmem:s28+$0x0];
	_ =	sdelay $0x4  }
0x153: {  	(v2sf) =	vpush v7, $0x0;
	_ =	sdelay $0x2  }
0x154: {  	p0 =	sgt.s32 s29, $0x1;
	s0 =	smov.u32 s29  }
0x155: {  	s0 =	simm.s32 @!p0 $0x1  }
0x156: {  	s0 =	smin.u32 s0, $0x40  }
0x157: {  	s8 =	sshll.u32 s0, $0x8  }
0x158: {  	p2 =	seq.s32 s8, $0x100  }
.Ltmp10:
0x159: {  	_ = 	snop;
	(pc) =	sbr.rel @p2 .LBB2_10-.Ltmp10, $4  }
0x15a: {  	_ = 	snop  }
0x15b: {  	s31 =	simm.s32 $0x0  }
0x15c: {  	s2 =	simm.s32 $0x100;
	s6 =	sadd.s32 $0x1, s28;
	p1 =	por $0x0, $0x0  }
0x15d: {  	s20 =	sand.u32 $0xFFFFF800, s31;
	s21 =	sand.u32 $0x380, s31;
	p0 =	por $0x0, $0x0  }
0x15e: {  	s31 =	sor.u32 s21, s20  }
0x15f: {  	v7 =	vld [tilespmem:s31+$0x3100]  }
0x160: {  	s0 =	spop (v2sf)  }
0x161: {  	s5 =	sshll.u32 s0, $0x8;
	s7 =	sshll.u32 s0, $0x7  }
0x162: {  	s5 =	sand.u32 $0xF800, s5;
	s7 =	sand.u32 $0x380, s7  }
0x163: {  	s30 =	sor.u32 s7, s5  }
0x164: {  	[tilespmem:s30+$0x7100] =	vst.add.f32.msk $0xffff, v7  }
0x165: {  	v7 =	vld [tilespmem:s31+$0x3110];
	_ =	sdelay $0x4  }
0x166: {  	[tilespmem:s30+$0x7110] =	vst.add.f32.msk $0xffff, v7  }
0x167: {  	v7 =	vld [tilespmem:s31+$0x3120]  }
0x168: {  	v8 =	vld [tilespmem:s6+$0x0];
	_ =	sdelay $0x3  }
0x169: {  	[tilespmem:s30+$0x7120] =	vst.add.f32.msk $0xffff, v7  }
0x16a: {  	(v2sf) =	vpush v8, $0x0;
	v7 =	vld [tilespmem:s31+$0x3130];
	_ =	sdelay $0x4  }
0x16b: {  	[tilespmem:s30+$0x7130] =	vst.add.f32.msk $0xffff, v7  }
0x16c: {  	v7 =	vld [tilespmem:s31+$0x3140]  }
0x16d: {  	p2 =	seq.s32 s8, $0x200  }
.Ltmp11:
0x16e: {  	_ = 	snop;
	(pc) =	sbr.rel @p2 .LBB2_12-.Ltmp11, $3  }
0x16f: {  	_ =	sdelay $0x1  }
0x170: {  	s23 =	simm.s32 $0x80;
	s20 =	sand.u32 $0xFFFFF800, s2;
	s22 =	sadd.s32 $0x1, s6;
	[tilespmem:s30+$0x7140] =	vst.add.f32.msk $0xffff, v7  }
0x171: {  	p0 =	por $0x1, $0x1;
	s21 =	sand.u32 $0x380, s23;
	s5 =	simm.s32 $0x200;
	v8 =	vld [tilespmem:s31+$0x3150]  }
0x172: {  	_ =	sdelay $0x1  }
0x173: {  	s2 =	sor.u32 s21, s20  }
0x174: {  	v7 =	vld [tilespmem:s2+$0x3100]  }
0x175: {  	s19 =	spop (v2sf);
	[tilespmem:s30+$0x7150] =	vst.add.f32.msk $0xffff, v8  }
0x176: {  	s6 =	sshll.u32 s19, $0x8;
	s7 =	sshll.u32 s19, $0x7;
	v8 =	vld [tilespmem:s31+$0x3160]  }
0x177: {  	s6 =	sand.u32 $0xF800, s6;
	s7 =	sand.u32 $0x380, s7  }
0x178: {  	s7 =	sor.u32 s7, s6  }
0x179: {  	[tilespmem:s7+$0x7100] =	vst.add.f32.msk $0xffff, v7  }
0x17a: {  	v7 =	vld [tilespmem:s2+$0x3110]  }
0x17b: {  	[tilespmem:s30+$0x7160] =	vst.add.f32.msk $0xffff, v8  }
0x17c: {  	v8 =	vld [tilespmem:s31+$0x3170];
	_ =	sdelay $0x2  }
0x17d: {  	[tilespmem:s7+$0x7110] =	vst.add.f32.msk $0xffff, v7  }
0x17e: {  	v7 =	vld [tilespmem:s2+$0x3120]  }
0x17f: {  	[tilespmem:s30+$0x7170] =	vst.add.f32.msk $0xffff, v8  }
0x180: {  	v8 =	vld [tilespmem:s31+$0x3500]  }
0x181: {  	v10 =	vld [tilespmem:s22+$0x0];
	_ =	sdelay $0x1  }
0x182: {  	[tilespmem:s7+$0x7120] =	vst.add.f32.msk $0xffff, v7  }
0x183: {  	v7 =	vld [tilespmem:s2+$0x3130]  }
0x184: {  	[tilespmem:s30+$0x7500] =	vst.add.f32.msk $0xffff, v8  }
0x185: {  	(v2sf) =	vpush v10, $0x0;
	v8 =	vld [tilespmem:s31+$0x3510];
	_ =	sdelay $0x2  }
0x186: {  	[tilespmem:s7+$0x7130] =	vst.add.f32.msk $0xffff, v7  }
0x187: {  	v7 =	vld [tilespmem:s2+$0x3140]  }
0x188: {  	[tilespmem:s30+$0x7510] =	vst.add.f32.msk $0xffff, v8  }
0x189: {  	v9 =	vld [tilespmem:s31+$0x3520]  }
0x18a: {  	p2 =	seq.s32 s8, $0x300  }
.Ltmp12:
0x18b: {  	_ = 	snop;
	(pc) =	sbr.rel @p2 .LBB2_14-.Ltmp12, $4  }
0x18c: {  	[tilespmem:s7+$0x7140] =	vst.add.f32.msk $0xffff, v7  }
0x18d: {  	v8 =	vld [tilespmem:s2+$0x3150]  }
0x18e: {  	s9 =	simm.s32 $0x100;
	s20 =	sand.u32 $0xFFFFF800, s5;
	s5 =	sadd.s32 $0x1, s22;
	[tilespmem:s30+$0x7520] =	vst.add.f32.msk $0xffff, v9  }
0x18f: {  	p1 =	por $0x1, $0x1;
	s21 =	sand.u32 $0x380, s9;
	s6 =	simm.s32 $0x300;
	v7 =	vld [tilespmem:s31+$0x3530]  }
.LBB2_15:
0x190: {  	v9 =	vld [tilespmem:s5+$0x0];
	s22 =	sor.u32 s21, s20;
	s20 =	smov.u32 s6  }
0x191: {  	v10 =	vld [tilespmem:s22+$0x3100]  }
0x192: {  	s21 =	spop (v2sf);
	[tilespmem:s7+$0x7150] =	vst.add.f32.msk $0xffff, v8  }
0x193: {  	s23 =	sshll.u32 s21, $0x8;
	s11 =	sshll.u32 s21, $0x7;
	v8 =	vld [tilespmem:s2+$0x3160]  }
0x194: {  	s23 =	sand.u32 $0xF800, s23;
	s11 =	sand.u32 $0x380, s11;
	[tilespmem:s30+$0x7530] =	vst.add.f32.msk $0xffff, v7  }
0x195: {  	s11 =	sor.u32 s11, s23;
	v7 =	vld [tilespmem:s31+$0x3540]  }
0x196: {  	[tilespmem:s11+$0x7100] =	vst.add.f32.msk $0xffff, v10  }
0x197: {  	v10 =	vld [tilespmem:s22+$0x3110]  }
0x198: {  	[tilespmem:s7+$0x7160] =	vst.add.f32.msk $0xffff, v8  }
0x199: {  	v8 =	vld [tilespmem:s2+$0x3170]  }
0x19a: {  	[tilespmem:s30+$0x7540] =	vst.add.f32.msk $0xffff, v7  }
0x19b: {  	v7 =	vld [tilespmem:s31+$0x3550]  }
0x19c: {  	[tilespmem:s11+$0x7110] =	vst.add.f32.msk $0xffff, v10  }
0x19d: {  	v10 =	vld [tilespmem:s22+$0x3120]  }
0x19e: {  	[tilespmem:s7+$0x7170] =	vst.add.f32.msk $0xffff, v8  }
0x19f: {  	v8 =	vld [tilespmem:s2+$0x3500]  }
0x1a0: {  	[tilespmem:s30+$0x7550] =	vst.add.f32.msk $0xffff, v7  }
0x1a1: {  	s6 =	sadd.s32 $0x100, s6;
	v7 =	vld [tilespmem:s31+$0x3560]  }
0x1a2: {  	p2 =	seq.s32 s8, s6;
	[tilespmem:s11+$0x7120] =	vst.add.f32.msk $0xffff, v10  }
0x1a3: {  	v10 =	vld [tilespmem:s22+$0x3130]  }
0x1a4: {  	[tilespmem:s7+$0x7500] =	vst.add.f32.msk $0xffff, v8  }
0x1a5: {  	(v2sf) =	vpush v9, $0x0;
	v8 =	vld [tilespmem:s2+$0x3510]  }
0x1a6: {  	[tilespmem:s30+$0x7560] =	vst.add.f32.msk $0xffff, v7  }
0x1a7: {  	v7 =	vld [tilespmem:s31+$0x3570];
	s31 =	smov.u32 s2;
	s2 =	smov.u32 s22  }
0x1a8: {  	[tilespmem:s11+$0x7130] =	vst.add.f32.msk $0xffff, v10  }
0x1a9: {  	v9 =	vld [tilespmem:s2+$0x3140]  }
0x1aa: {  	[tilespmem:s7+$0x7510] =	vst.add.f32.msk $0xffff, v8  }
0x1ab: {  	s22 =	sand.u32 $0xFF, s0;
	s0 =	smov.u32 s19;
	s19 =	smov.u32 s21;
	v10 =	vld [tilespmem:s31+$0x3520]  }
0x1ac: {  	s21 =	sshll.u32 s22, $0x7;
	[tilespmem:s30+$0x7570] =	vst.add.f32.msk $0xffff, v7;
	s30 =	smov.u32 s7;
	s7 =	smov.u32 s11  }
.Ltmp13:
0x1ad: {  	[tilespmem:s21+$0x17100] =	vst.add.f32.msk $0xffff, v6;
	(pc) =	sbr.rel @!p2 .LBB2_15-.Ltmp13, $4  }
0x1ae: {  	[tilespmem:s7+$0x7140] =	vst.add.f32.msk $0xffff, v9  }
0x1af: {  	v8 =	vld [tilespmem:s2+$0x3150]  }
0x1b0: {  	s9 =	sadd.s32 $0x80, s9;
	[tilespmem:s30+$0x7520] =	vst.add.f32.msk $0xffff, v10  }
0x1b1: {  	s5 =	sadd.s32 $0x1, s5;
	s20 =	sand.u32 $0xFFFFF800, s20;
	s21 =	sand.u32 $0x380, s9;
	v7 =	vld [tilespmem:s31+$0x3530]  }
.Ltmp14:
0x1b2: {  	(pc) =	sbr.rel .LBB2_17-.Ltmp14, $2  }
0x1b3: {  	_ =	sdelay $0x2  }
0x1b4: {  	s5 =	smov.u32 s0;
	s0 =	smov.u32 s19  }
.LBB2_12:
.Ltmp15:
0x1b5: {  	(pc) =	sbr.rel .LBB2_17-.Ltmp15, $2  }
0x1b6: {  	_ =	sdelay $0x2  }
0x1b7: {  	s7 =	smov.u32 s30;
	s2 =	smov.u32 s31  }
.LBB2_14:
.Ltmp16:
0x1b8: {  	(pc) =	sbr.rel .LBB2_17-.Ltmp16, $2  }
0x1b9: {  	_ =	sdelay $0x2  }
0x1ba: {  	s5 =	smov.u32 s0;
	s0 =	smov.u32 s19  }
.LBB2_20:
0x1bb: {  	s8 =	simm.s32 $0x0;
	s0 =	rddreg [dreg:$0x4];
	s2 =	simm.s32 $0x7100  }
0x1bc: {  	[hbm4b:s0+s8] =	stream.linear.scatter [tilespmem:s2], [sflag:$0x1], $0x10000, $0x38;
	[tilespmem:$0x1F100] =	vst v63  }
0x1bd: {  	_ =	swait.ge [sflag:s10], $0x10000  }
0x1be: {  	[sflag:s10] =	ssyncset.done $0x0  }
0x1bf: {  	s29 =	simm.s32 $0x17100;
	s28 =	rddreg [dreg:$0x5];
	[sflag:s10] =	ssyncadd.s32 $0xFFFF0000  }
0x1c0: {  	[hbm4b:s28+s8] =	stream.linear.scatter [tilespmem:s29], [sflag:$0x1], $0x8000, $0x38;
	[tilespmem:$0x1F100] =	vst v63  }
0x1c1: {  	_ =	swait.ge [sflag:s10], $0x8000  }
0x1c2: {  	s30 =	sand.u32 $0xF800, s8;
	s31 =	sand.u32 $0x380, s8;
	[sflag:s10] =	ssyncset.done $0x0  }
0x1c3: {  	s0 =	sor.u32 s31, s30;
	[sflag:s10] =	ssyncadd.s32 $0xFFFF8000  }
0x1c4: {  	[tilespmem:s0+$0x7570] =	vst v1  }
0x1c5: {  	[tilespmem:s0+$0x7100] =	vst v1  }
0x1c6: {  	[tilespmem:s0+$0x7110] =	vst v1  }
0x1c7: {  	[tilespmem:s0+$0x7120] =	vst v1  }
0x1c8: {  	[tilespmem:s0+$0x7130] =	vst v1  }
0x1c9: {  	[tilespmem:s0+$0x7140] =	vst v1  }
0x1ca: {  	[tilespmem:s0+$0x7150] =	vst v1  }
0x1cb: {  	[tilespmem:s0+$0x7160] =	vst v1  }
0x1cc: {  	[tilespmem:s0+$0x7170] =	vst v1  }
0x1cd: {  	[tilespmem:s0+$0x7500] =	vst v1  }
0x1ce: {  	[tilespmem:s0+$0x7510] =	vst v1  }
0x1cf: {  	[tilespmem:s0+$0x7520] =	vst v1  }
0x1d0: {  	[tilespmem:s0+$0x7530] =	vst v1  }
0x1d1: {  	s5 =	simm.s32 $0x100;
	s2 =	simm.s32 $0x80;
	[tilespmem:s0+$0x7540] =	vst v1  }
0x1d2: {  	s6 =	sand.u32 $0xF800, s5;
	s5 =	simm.s32 $0x200;
	s7 =	sand.u32 $0x380, s2;
	[tilespmem:s0+$0x7550] =	vst v1  }
.LBB2_21:
0x1d3: {  	p0 =	sne.s32 s5, $0xFF00;
	[tilespmem:s0+$0x7560] =	vst v1;
	s0 =	sor.u32 s7, s6  }
0x1d4: {  	[tilespmem:s0+$0x7570] =	vst v1  }
0x1d5: {  	[tilespmem:s0+$0x7100] =	vst v1  }
0x1d6: {  	[tilespmem:s0+$0x7110] =	vst v1  }
0x1d7: {  	[tilespmem:s0+$0x7120] =	vst v1  }
0x1d8: {  	[tilespmem:s0+$0x7130] =	vst v1  }
0x1d9: {  	[tilespmem:s0+$0x7140] =	vst v1  }
0x1da: {  	[tilespmem:s0+$0x7150] =	vst v1  }
0x1db: {  	[tilespmem:s0+$0x7160] =	vst v1  }
0x1dc: {  	[tilespmem:s0+$0x7170] =	vst v1  }
0x1dd: {  	[tilespmem:s0+$0x7500] =	vst v1  }
.Ltmp17:
0x1de: {  	[tilespmem:s0+$0x7510] =	vst v1;
	(pc) =	sbr.rel @p0 .LBB2_21-.Ltmp17, $4  }
0x1df: {  	[tilespmem:s0+$0x7520] =	vst v1  }
0x1e0: {  	[tilespmem:s0+$0x7530] =	vst v1  }
0x1e1: {  	s2 =	sadd.s32 $0x80, s2;
	[tilespmem:s0+$0x7540] =	vst v1  }
0x1e2: {  	s6 =	sand.u32 $0xF800, s5;
	s5 =	sadd.s32 $0x100, s5;
	s7 =	sand.u32 $0x380, s2;
	[tilespmem:s0+$0x7550] =	vst v1  }
0x1e3: {  	s2 =	sor.u32 s7, s6;
	[tilespmem:s0+$0x7560] =	vst v1  }
0x1e4: {  	[tilespmem:s2+$0x7570] =	vst v1  }
0x1e5: {  	[tilespmem:s2+$0x7100] =	vst v1  }
0x1e6: {  	[tilespmem:s2+$0x7110] =	vst v1  }
0x1e7: {  	[tilespmem:s2+$0x7120] =	vst v1  }
0x1e8: {  	[tilespmem:s2+$0x7130] =	vst v1  }
0x1e9: {  	[tilespmem:s2+$0x7140] =	vst v1  }
0x1ea: {  	[tilespmem:s2+$0x7150] =	vst v1  }
0x1eb: {  	[tilespmem:s2+$0x7160] =	vst v1  }
0x1ec: {  	[tilespmem:s2+$0x7170] =	vst v1  }
0x1ed: {  	[tilespmem:s2+$0x7500] =	vst v1  }
0x1ee: {  	[tilespmem:s2+$0x7510] =	vst v1  }
.Ltmp18:
0x1ef: {  	[tilespmem:s2+$0x7520] =	vst v1;
	(pc) =	sbr.rel .LBB2_23-.Ltmp18, $4  }
0x1f0: {  	[tilespmem:s2+$0x7530] =	vst v1  }
0x1f1: {  	[tilespmem:s2+$0x7540] =	vst v1  }
0x1f2: {  	[tilespmem:s2+$0x7550] =	vst v1  }
0x1f3: {  	[tilespmem:s2+$0x7560] =	vst v1  }
.LBB2_40:
0x1f4: {  	s8 =	rddreg [dreg:$0x9]  }
0x1f5: {  	s8 =	sadd.s32 $0x1, s8  }
0x1f6: {  	p0 =	sne.s32 s8, $0x20  }
.Ltmp19:
0x1f7: {  	_ = 	snop;
	(pc) =	sbr.rel @!p0 .LBB2_41-.Ltmp19, $1  }
0x1f8: {  	_ =	sdelay $0x3  }
.LBB2_23:
0x1f9: {  	s0 =	sshll.u32 s8, $0xA;
	s2 =	rddreg [dreg:$0x3]  }
0x1fa: {  	[dreg:$0x9] =	wrdreg s8;
	s26 =	simm.s32 $0x0;
	s0 =	sadd.s32 s2, s0  }
0x1fb: {  	[tilespmem:s26], [sflag:$0x1] =	stream.linear.gather [hbm4b:s0+s26], $0x2000, $0x38;
	[tilespmem:$0x1F100] =	vst v63  }
0x1fc: {  	_ =	swait.ge [sflag:s10], $0x2000  }
0x1fd: {  	s28 =	sand.u32 $0x70, s26;
	s5 =	sand.u32 $0x1F00, s26;
	[sflag:s10] =	ssyncset.done $0x0  }
0x1fe: {  	s0 =	sor.u32 s28, s5;
	[sflag:s10] =	ssyncadd.s32 $0xFFFFE000  }
0x1ff: {  	v7 =	vld [tilespmem:s0+$0x80];
	_ =	sdelay $0x4  }
0x200: {  	v7 =	vsub.s32 v7, v0  }
0x201: {  	v8 =	vsub.s32 $0xFF, v7  }
0x202: {  	v8 =	vor.u32 v7, v8  }
0x203: {  	vm1 =	vgt.s32 v8, $0xFFFFFFFF  }
0x204: {  	v12 =	vsel vm1, $0x1, v2  }
0x205: {  	(v2sf) =	vpush v12, $0x1  }
0x206: {  	(v2sf) =	vpush v12, $0x0  }
0x207: {  	(v2sf) =	vpush v12, $0x2  }
0x208: {  	(v2sf) =	vpush v12, $0x3;
	_ =	sdelay $0x1  }
0x209: {  	(v2sf) =	vpush v12, $0x4  }
0x20a: {  	(v2sf) =	vpush v12, $0x6  }
0x20b: {  	(v2sf) =	vpush v12, $0x5  }
0x20c: {  	v8 =	vld [tilespmem:s0+$0x0];
	(v2sf) =	vpush v12, $0x7  }
0x20d: {  	(v2sf) =	vpush v12, $0x8  }
0x20e: {  	(v2sf) =	vpush v12, $0x9  }
0x20f: {  	(v2sf) =	vpush v12, $0xA  }
0x210: {  	(v2sf) =	vpush v12, $0xB  }
0x211: {  	v8 =	vshll.u32 v8, $0x8;
	(v2sf) =	vpush v12, $0xC  }
0x212: {  	v7 =	vadd.s32 v8, v7;
	(v2sf) =	vpush v12, $0xD  }
0x213: {  	v9 =	vbroadcast v7, $0x0;
	s7 =	spop (v2sf);
	(v2sf) =	vpush v12, $0xF  }
0x214: {  	s29 =	simm.s32 $0x10;
	s6 =	simm.s32 $0x20;
	v13 =	vbroadcast v7, $0x1;
	s30 =	spop (v2sf);
	(v2sf) =	vpush v12, $0xE  }
0x215: {  	s2 =	simm.s32 $0x20;
	v8 =	vbroadcast v7, $0x5;
	v11 =	vbroadcast v7, $0x2;
	[tilespmem:s26+$0x2000] =	vst v9;
	s31 =	sadd.s32 $0x0, s30;
	s5 =	spop (v2sf)  }
0x216: {  	s0 =	sand.u32 $0x70, s29;
	v10 =	vbroadcast v7, $0x3;
	v9 =	vbroadcast v7, $0x4;
	[tilespmem:s31+$0x2000] =	vst v13;
	s9 =	sadd.s32 s7, s31;
	s8 =	spop (v2sf)  }
.LBB2_24:
0x217: {  	s7 =	sand.u32 $0x1F00, s2  }
0x218: {  	[tilespmem:s9+$0x2000] =	vst v11;
	s9 =	sadd.s32 s5, s9;
	s11 =	spop (v2sf);
	s5 =	smov.u32 s6  }
0x219: {  	s5 =	sor.u32 s0, s7;
	[tilespmem:s9+$0x2000] =	vst v10;
	s7 =	sadd.s32 s8, s9;
	v10 =	vbroadcast v7, $0x6;
	s8 =	spop (v2sf)  }
0x21a: {  	s0 =	sand.u32 $0x70, s6;
	[tilespmem:s7+$0x2000] =	vst v9;
	s9 =	sadd.s32 s11, s7;
	v9 =	vbroadcast v7, $0x7;
	s11 =	spop (v2sf)  }
0x21b: {  	s7 =	sadd.s32 $0x10, s6;
	[tilespmem:s9+$0x2000] =	vst v8;
	s9 =	sadd.s32 s11, s9;
	v8 =	vbroadcast v7, $0x8;
	s11 =	spop (v2sf)  }
0x21c: {  	p0 =	sne.s32 s6, $0xFF0;
	[tilespmem:s9+$0x2000] =	vst v10;
	s6 =	sadd.s32 s8, s9;
	v10 =	vbroadcast v7, $0x9;
	s8 =	spop (v2sf)  }
0x21d: {  	[tilespmem:s6+$0x2000] =	vst v9;
	s6 =	sadd.s32 s11, s6;
	v9 =	vbroadcast v7, $0xA;
	s9 =	spop (v2sf)  }
0x21e: {  	[tilespmem:s6+$0x2000] =	vst v8;
	s6 =	sadd.s32 s8, s6;
	v8 =	vbroadcast v7, $0xB;
	s8 =	spop (v2sf)  }
0x21f: {  	[tilespmem:s6+$0x2000] =	vst v10;
	s6 =	sadd.s32 s9, s6;
	v10 =	vbroadcast v7, $0xC;
	s9 =	spop (v2sf)  }
0x220: {  	[tilespmem:s6+$0x2000] =	vst v9;
	s6 =	sadd.s32 s8, s6;
	v9 =	vbroadcast v7, $0xD;
	s8 =	spop (v2sf)  }
0x221: {  	[tilespmem:s6+$0x2000] =	vst v8;
	s6 =	sadd.s32 s9, s6;
	v8 =	vbroadcast v7, $0xE;
	s9 =	spop (v2sf)  }
0x222: {  	v7 =	vbroadcast v7, $0xF;
	[tilespmem:s6+$0x2000] =	vst v10;
	s6 =	sadd.s32 s8, s6;
	s8 =	spop (v2sf)  }
0x223: {  	[tilespmem:s6+$0x2000] =	vst v9;
	s6 =	sadd.s32 s9, s6;
	s9 =	spop (v2sf)  }
0x224: {  	[tilespmem:s6+$0x2000] =	vst v8;
	s6 =	sadd.s32 s9, s6  }
0x225: {  	[tilespmem:s6+$0x2000] =	vst v7;
	s6 =	sadd.s32 s8, s6  }
0x226: {  	v7 =	vld [tilespmem:s5+$0x80];
	_ =	sdelay $0x4  }
0x227: {  	v8 =	vld [tilespmem:s5+$0x0];
	v7 =	vsub.s32 v7, v0  }
0x228: {  	v9 =	vsub.s32 $0xFF, v7  }
0x229: {  	v9 =	vor.u32 v7, v9  }
0x22a: {  	vm1 =	vgt.s32 v9, $0xFFFFFFFF  }
0x22b: {  	v12 =	vsel vm1, $0x1, v2  }
0x22c: {  	v8 =	vshll.u32 v8, $0x8;
	(v2sf) =	vpush v12, $0x1  }
0x22d: {  	v7 =	vadd.s32 v8, v7;
	(v2sf) =	vpush v12, $0x0  }
0x22e: {  	v9 =	vbroadcast v7, $0x0;
	v13 =	vbroadcast v7, $0x1;
	(v2sf) =	vpush v12, $0x2  }
0x22f: {  	v8 =	vbroadcast v7, $0x5;
	(v2sf) =	vpush v12, $0x3  }
0x230: {  	v11 =	vbroadcast v7, $0x2;
	[tilespmem:s6+$0x2000] =	vst v9;
	(v2sf) =	vpush v12, $0x4  }
0x231: {  	v10 =	vbroadcast v7, $0x3;
	(v2sf) =	vpush v12, $0x6  }
0x232: {  	v9 =	vbroadcast v7, $0x4;
	(v2sf) =	vpush v12, $0x5  }
0x233: {  	(v2sf) =	vpush v12, $0x7  }
0x234: {  	(v2sf) =	vpush v12, $0x8  }
0x235: {  	(v2sf) =	vpush v12, $0x9  }
0x236: {  	(v2sf) =	vpush v12, $0xA  }
0x237: {  	(v2sf) =	vpush v12, $0xB  }
0x238: {  	(v2sf) =	vpush v12, $0xC  }
0x239: {  	(v2sf) =	vpush v12, $0xD  }
.Ltmp20:
0x23a: {  	(v2sf) =	vpush v12, $0xF;
	(pc) =	sbr.rel @p0 .LBB2_24-.Ltmp20, $4  }
0x23b: {  	s8 =	spop (v2sf);
	(v2sf) =	vpush v12, $0xE  }
0x23c: {  	s5 =	spop (v2sf)  }
0x23d: {  	s2 =	sadd.s32 $0x20, s2;
	s6 =	sadd.s32 s6, s5;
	s5 =	spop (v2sf)  }
0x23e: {  	[tilespmem:s6+$0x2000] =	vst v13;
	s9 =	sadd.s32 s8, s6;
	s8 =	spop (v2sf);
	s6 =	smov.u32 s7  }
0x23f: {  	[tilespmem:s9+$0x2000] =	vst v11;
	s5 =	sadd.s32 s5, s9;
	s6 =	spop (v2sf)  }
0x240: {  	[tilespmem:s5+$0x2000] =	vst v10;
	s5 =	sadd.s32 s8, s5;
	s7 =	spop (v2sf)  }
0x241: {  	v49 =	vbroadcast v7, $0x6;
	[tilespmem:s5+$0x2000] =	vst v9;
	s5 =	sadd.s32 s6, s5;
	s19 =	spop (v2sf)  }
0x242: {  	v50 =	vbroadcast v7, $0x7;
	[tilespmem:s5+$0x2000] =	vst v8;
	s5 =	sadd.s32 s19, s5;
	s20 =	spop (v2sf)  }
0x243: {  	v8 =	vbroadcast v7, $0x8;
	[tilespmem:s5+$0x2000] =	vst v49;
	s5 =	sadd.s32 s7, s5;
	s21 =	spop (v2sf)  }
0x244: {  	v51 =	vbroadcast v7, $0x9;
	[tilespmem:s5+$0x2000] =	vst v50;
	s5 =	sadd.s32 s20, s5;
	s22 =	spop (v2sf)  }
0x245: {  	v52 =	vbroadcast v7, $0xA;
	[tilespmem:s5+$0x2000] =	vst v8;
	s5 =	sadd.s32 s21, s5;
	s23 =	spop (v2sf)  }
0x246: {  	v8 =	vbroadcast v7, $0xB;
	[tilespmem:s5+$0x2000] =	vst v51;
	s5 =	sadd.s32 s22, s5;
	s24 =	spop (v2sf)  }
0x247: {  	v53 =	vbroadcast v7, $0xC;
	[tilespmem:s5+$0x2000] =	vst v52;
	s5 =	sadd.s32 s23, s5;
	s25 =	spop (v2sf)  }
0x248: {  	v54 =	vbroadcast v7, $0xD;
	[tilespmem:s5+$0x2000] =	vst v8;
	s5 =	sadd.s32 s24, s5;
	s26 =	spop (v2sf)  }
0x249: {  	v8 =	vbroadcast v7, $0xE;
	[tilespmem:s5+$0x2000] =	vst v53;
	s5 =	sadd.s32 s25, s5;
	s28 =	spop (v2sf)  }
0x24a: {  	v7 =	vbroadcast v7, $0xF;
	[tilespmem:s5+$0x2000] =	vst v54;
	s5 =	sadd.s32 s26, s5;
	s29 =	spop (v2sf)  }
0x24b: {  	s2 =	sand.u32 $0x1F00, s2;
	[tilespmem:s5+$0x2000] =	vst v8;
	s5 =	sadd.s32 s29, s5  }
0x24c: {  	s0 =	sor.u32 s0, s2;
	[tilespmem:s5+$0x2000] =	vst v7  }
0x24d: {  	v7 =	vld [tilespmem:s0+$0x80];
	_ =	sdelay $0x4  }
0x24e: {  	v7 =	vsub.s32 v7, v0  }
0x24f: {  	v8 =	vsub.s32 $0xFF, v7  }
0x250: {  	v8 =	vor.u32 v7, v8  }
0x251: {  	vm1 =	vgt.s32 v8, $0xFFFFFFFF  }
0x252: {  	v8 =	vsel vm1, $0x1, v2  }
0x253: {  	(v2sf) =	vpush v8, $0x1  }
0x254: {  	(v2sf) =	vpush v8, $0x0  }
0x255: {  	(v2sf) =	vpush v8, $0x2  }
0x256: {  	(v2sf) =	vpush v8, $0x3  }
0x257: {  	(v2sf) =	vpush v8, $0x4  }
0x258: {  	(v2sf) =	vpush v8, $0x6  }
0x259: {  	(v2sf) =	vpush v8, $0x5  }
0x25a: {  	(v2sf) =	vpush v8, $0x7  }
0x25b: {  	(v2sf) =	vpush v8, $0x8  }
0x25c: {  	(v2sf) =	vpush v8, $0x9  }
0x25d: {  	(v2sf) =	vpush v8, $0xA  }
0x25e: {  	(v2sf) =	vpush v8, $0xB  }
0x25f: {  	(v2sf) =	vpush v8, $0xC  }
0x260: {  	v9 =	vld [tilespmem:s0+$0x0];
	(v2sf) =	vpush v8, $0xD  }
0x261: {  	(v2sf) =	vpush v8, $0xF  }
0x262: {  	s30 =	spop (v2sf);
	(v2sf) =	vpush v8, $0xE  }
0x263: {  	s31 =	sadd.s32 s28, s5;
	s7 =	spop (v2sf)  }
0x264: {  	s5 =	sadd.s32 s31, s7;
	s8 =	spop (v2sf)  }
0x265: {  	v8 =	vshll.u32 v9, $0x8;
	s0 =	sadd.s32 s30, s5;
	s9 =	spop (v2sf)  }
0x266: {  	v7 =	vadd.s32 v8, v7;
	s6 =	sadd.s32 s8, s0;
	s11 =	spop (v2sf)  }
0x267: {  	v8 =	vbroadcast v7, $0x0;
	s7 =	sadd.s32 s9, s6;
	s19 =	spop (v2sf)  }
0x268: {  	v55 =	vbroadcast v7, $0x1;
	s8 =	sadd.s32 s11, s7;
	s11 =	spop (v2sf)  }
0x269: {  	[tilespmem:s31+$0x2000] =	vst v8;
	v8 =	vbroadcast v7, $0x2;
	s20 =	sadd.s32 s11, s8;
	s21 =	spop (v2sf)  }
0x26a: {  	v56 =	vbroadcast v7, $0x3;
	[tilespmem:s5+$0x2000] =	vst v55;
	s22 =	sadd.s32 s19, s20;
	s23 =	spop (v2sf)  }
0x26b: {  	v57 =	vbroadcast v7, $0x4;
	[tilespmem:s0+$0x2000] =	vst v8;
	s24 =	sadd.s32 s21, s22;
	s25 =	spop (v2sf)  }
0x26c: {  	v8 =	vbroadcast v7, $0x5;
	[tilespmem:s6+$0x2000] =	vst v56;
	s26 =	sadd.s32 s23, s24;
	s28 =	spop (v2sf)  }
0x26d: {  	v58 =	vbroadcast v7, $0x6;
	[tilespmem:s7+$0x2000] =	vst v57;
	s29 =	sadd.s32 s25, s26;
	s30 =	spop (v2sf)  }
0x26e: {  	v59 =	vbroadcast v7, $0x7;
	[tilespmem:s8+$0x2000] =	vst v8;
	s31 =	sadd.s32 s28, s29;
	s19 =	spop (v2sf)  }
0x26f: {  	v8 =	vbroadcast v7, $0x8;
	[tilespmem:s20+$0x2000] =	vst v58;
	s20 =	sadd.s32 s30, s31;
	s21 =	spop (v2sf)  }
0x270: {  	v60 =	vbroadcast v7, $0x9;
	[tilespmem:s22+$0x2000] =	vst v59;
	s22 =	sadd.s32 s19, s20;
	s23 =	spop (v2sf)  }
0x271: {  	[tilespmem:s24+$0x2000] =	vst v8;
	s24 =	sadd.s32 s21, s22;
	s25 =	spop (v2sf)  }
0x272: {  	[tilespmem:s26+$0x2000] =	vst v60;
	s26 =	sadd.s32 s25, s24  }
0x273: {  	v61 =	vbroadcast v7, $0xA;
	s23 =	sadd.s32 s23, s26  }
0x274: {  	s28 =	sadd.s32 $0x3F, s23  }
0x275: {  	v8 =	vbroadcast v7, $0xB;
	[tilespmem:s29+$0x2000] =	vst v61;
	s29 =	sand.u32 $0x3F, s28  }
0x276: {  	v62 =	vbroadcast v7, $0xC;
	s30 =	sshra.s32 s28, $0x1F;
	p1 =	slt.s32 s28, $0x1;
	p0 =	sne.s32 s29, $0x0  }
0x277: {  	v63 =	vbroadcast v7, $0xD;
	[tilespmem:s31+$0x2000] =	vst v8;
	s31 =	sshrl.u32 s30, $0x1A;
	p0 =	por !p1, !p0  }
0x278: {  	s2 =	simm.s32 $0x1;
	v8 =	vbroadcast v7, $0xE;
	[tilespmem:s20+$0x2000] =	vst v62;
	s0 =	sadd.s32 s31, s28;
	p0 =	por !p0, !p0  }
0x279: {  	[tilespmem:s22+$0x2000] =	vst v63;
	s0 =	sshra.s32 s0, $0x6;
	s2 =	simm.s32 @!p0 $0x0  }
0x27a: {  	v7 =	vbroadcast v7, $0xF;
	[tilespmem:s24+$0x2000] =	vst v8;
	s24 =	ssub.s32 s0, s2  }
0x27b: {  	p0 =	slt.s32 s24, $0x1  }
.Ltmp21:
0x27c: {  	[tilespmem:s26+$0x2000] =	vst v7;
	(pc) =	sbr.rel @p0 .LBB2_40-.Ltmp21, $4  }
0x27d: {  	[tilespmem:s23+$0x2000] =	vst v2  }
0x27e: {  	[tilespmem:s23+$0x2010] =	vst v2  }
0x27f: {  	[tilespmem:s23+$0x2020] =	vst v2  }
0x280: {  	[tilespmem:s23+$0x2030] =	vst v2  }
.Ltmp22:
0x281: {  	(pc) =	sbr.rel .LBB2_27-.Ltmp22, $2  }
0x282: {  	_ =	sdelay $0x2  }
0x283: {  	s25 =	simm.s32 $0x0;
	s26 =	simm.s32 $0x2000;
	s28 =	smov.u32 s23  }
.LBB2_29:
0x284: {  	s8 =	smov.u32 s6  }
.LBB2_38:
0x285: {  	_ =	sdelay $0x3  }
0x286: {  	s5 =	spop (v2sf)  }
0x287: {  	s11 =	sshll.u32 s5, $0x8;
	s5 =	sshll.u32 s5, $0x7  }
0x288: {  	s11 =	sand.u32 $0xF800, s11;
	s5 =	sand.u32 $0x380, s5  }
0x289: {  	s5 =	sor.u32 s5, s11  }
0x28a: {  	[tilespmem:s5+$0x7100] =	vst.add.f32.msk $0xffff, v7  }
0x28b: {  	v7 =	vld [tilespmem:s8+$0x3110];
	_ =	sdelay $0x4  }
0x28c: {  	[tilespmem:s5+$0x7110] =	vst.add.f32.msk $0xffff, v7  }
0x28d: {  	v7 =	vld [tilespmem:s8+$0x3120];
	_ =	sdelay $0x4  }
0x28e: {  	[tilespmem:s5+$0x7120] =	vst.add.f32.msk $0xffff, v7  }
0x28f: {  	v7 =	vld [tilespmem:s8+$0x3130];
	_ =	sdelay $0x2  }
0x290: {  	[tilespmem:s2+$0x7140] =	vst.add.f32.msk @p0 $0xffff, v9  }
0x291: {  	v9 =	vld @p0 [tilespmem:s20+$0x3150]  }
0x292: {  	[tilespmem:s5+$0x7130] =	vst.add.f32.msk $0xffff, v7  }
0x293: {  	v7 =	vld [tilespmem:s8+$0x3140];
	_ =	sdelay $0x2  }
0x294: {  	[tilespmem:s2+$0x7150] =	vst.add.f32.msk @p0 $0xffff, v9  }
0x295: {  	v9 =	vld @p0 [tilespmem:s20+$0x3160]  }
0x296: {  	[tilespmem:s5+$0x7140] =	vst.add.f32.msk $0xffff, v7  }
0x297: {  	v7 =	vld [tilespmem:s8+$0x3150];
	_ =	sdelay $0x1  }
0x298: {  	[tilespmem:s0+$0x7540] =	vst.add.f32.msk @p2 $0xffff, v8  }
0x299: {  	[tilespmem:s2+$0x7160] =	vst.add.f32.msk @p0 $0xffff, v9  }
0x29a: {  	v8 =	vld @p0 [tilespmem:s20+$0x3170]  }
0x29b: {  	[tilespmem:s5+$0x7150] =	vst.add.f32.msk $0xffff, v7  }
0x29c: {  	v7 =	vld [tilespmem:s8+$0x3160];
	_ =	sdelay $0x2  }
0x29d: {  	s11 =	smov.u32 @p0 s20;
	[tilespmem:s2+$0x7170] =	vst.add.f32.msk @p0 $0xffff, v8  }
0x29e: {  	v8 =	vld @p0 [tilespmem:s11+$0x3500]  }
0x29f: {  	[tilespmem:s5+$0x7160] =	vst.add.f32.msk $0xffff, v7  }
0x2a0: {  	v7 =	vld [tilespmem:s8+$0x3170]  }
0x2a1: {  	v10 =	vld @p1 [tilespmem:s9+$0x3510]  }
0x2a2: {  	v9 =	vld @p2 [tilespmem:s7+$0x3550]  }
0x2a3: {  	s6 =	smov.u32 @p0 s11;
	[tilespmem:s2+$0x7500] =	vst.add.f32.msk @p0 $0xffff, v8  }
0x2a4: {  	v8 =	vld @p0 [tilespmem:s6+$0x3510]  }
0x2a5: {  	[tilespmem:s5+$0x7170] =	vst.add.f32.msk $0xffff, v7  }
0x2a6: {  	v7 =	vld [tilespmem:s8+$0x3500]  }
0x2a7: {  	[tilespmem:s30+$0x7510] =	vst.add.f32.msk @p1 $0xffff, v10  }
0x2a8: {  	s19 =	smov.u32 @p0 s2;
	[tilespmem:s0+$0x7550] =	vst.add.f32.msk @p2 $0xffff, v9  }
0x2a9: {  	[tilespmem:s19+$0x7510] =	vst.add.f32.msk @p0 $0xffff, v8  }
0x2aa: {  	v8 =	vld @p0 [tilespmem:s6+$0x3520]  }
0x2ab: {  	[tilespmem:s5+$0x7500] =	vst.add.f32.msk $0xffff, v7  }
0x2ac: {  	v7 =	vld [tilespmem:s8+$0x3510]  }
0x2ad: {  	v9 =	vld @p1 [tilespmem:s9+$0x3520]  }
0x2ae: {  	v10 =	vld @p2 [tilespmem:s7+$0x3560]  }
0x2af: {  	[tilespmem:s19+$0x7520] =	vst.add.f32.msk @p0 $0xffff, v8  }
0x2b0: {  	v8 =	vld @p0 [tilespmem:s6+$0x3530]  }
0x2b1: {  	[tilespmem:s5+$0x7510] =	vst.add.f32.msk $0xffff, v7  }
0x2b2: {  	v7 =	vld [tilespmem:s8+$0x3520]  }
0x2b3: {  	[tilespmem:s30+$0x7520] =	vst.add.f32.msk @p1 $0xffff, v9  }
0x2b4: {  	[tilespmem:s0+$0x7560] =	vst.add.f32.msk @p2 $0xffff, v10;
	s2 =	smov.u32 @p1 s9  }
0x2b5: {  	v9 =	vld @p1 [tilespmem:s2+$0x3530]  }
0x2b6: {  	[tilespmem:s19+$0x7530] =	vst.add.f32.msk @p0 $0xffff, v8  }
0x2b7: {  	[tilespmem:s5+$0x7520] =	vst.add.f32.msk $0xffff, v7  }
0x2b8: {  	v7 =	vld [tilespmem:s8+$0x3530]  }
0x2b9: {  	v8 =	vld @p0 [tilespmem:s6+$0x3540]  }
0x2ba: {  	[tilespmem:s30+$0x7530] =	vst.add.f32.msk @p1 $0xffff, v9  }
0x2bb: {  	v9 =	vld @p1 [tilespmem:s2+$0x3540]  }
0x2bc: {  	v10 =	vld @p2 [tilespmem:s7+$0x3570]  }
0x2bd: {  	s9 =	smov.u32 @p0 s19;
	[tilespmem:s5+$0x7530] =	vst.add.f32.msk $0xffff, v7  }
0x2be: {  	s9 =	smov.u32 @p0 s9;
	v8 =	vpsel p0, v8, v0;
	v63 =	vld [tilespmem:s8+$0x3540]  }
0x2bf: {  	s7 =	smov.u32 @p1 s30;
	s6 =	smov.u32 @p0 s6;
	[tilespmem:s9+$0x7540] =	vst.add.f32.msk @p0 $0xffff, v8  }
0x2c0: {  	s7 =	smov.u32 @p1 s7;
	v8 =	vld @p0 [tilespmem:s6+$0x3550];
	v7 =	vpsel p1, v9, v0  }
0x2c1: {  	s2 =	smov.u32 @p1 s2;
	[tilespmem:s7+$0x7540] =	vst.add.f32.msk @p1 $0xffff, v7  }
0x2c2: {  	v7 =	vld @p1 [tilespmem:s2+$0x3550]  }
0x2c3: {  	[tilespmem:s5+$0x7540] =	vst.add.f32.msk $0xffff, v63  }
0x2c4: {  	v9 =	vld [tilespmem:s8+$0x3550]  }
0x2c5: {  	[tilespmem:s9+$0x7550] =	vst.add.f32.msk @p0 $0xffff, v8  }
0x2c6: {  	v8 =	vld @p0 [tilespmem:s6+$0x3560]  }
0x2c7: {  	[tilespmem:s7+$0x7550] =	vst.add.f32.msk @p1 $0xffff, v7  }
0x2c8: {  	v7 =	vld @p1 [tilespmem:s2+$0x3560]  }
0x2c9: {  	[tilespmem:s5+$0x7550] =	vst.add.f32.msk $0xffff, v9  }
0x2ca: {  	v9 =	vld [tilespmem:s8+$0x3560]  }
0x2cb: {  	[tilespmem:s9+$0x7560] =	vst.add.f32.msk @p0 $0xffff, v8  }
0x2cc: {  	v8 =	vld @p0 [tilespmem:s6+$0x3570]  }
0x2cd: {  	[tilespmem:s7+$0x7560] =	vst.add.f32.msk @p1 $0xffff, v7  }
0x2ce: {  	v7 =	vld @p1 [tilespmem:s2+$0x3570]  }
0x2cf: {  	[tilespmem:s5+$0x7560] =	vst.add.f32.msk $0xffff, v9  }
0x2d0: {  	v9 =	vld [tilespmem:s8+$0x3570];
	_ =	sdelay $0x1  }
0x2d1: {  	[tilespmem:s0+$0x7570] =	vst.add.f32.msk @p2 $0xffff, v10  }
0x2d2: {  	[tilespmem:s9+$0x7570] =	vst.add.f32.msk @p0 $0xffff, v8  }
0x2d3: {  	[tilespmem:s7+$0x7570] =	vst.add.f32.msk @p1 $0xffff, v7  }
0x2d4: {  	[tilespmem:s5+$0x7570] =	vst.add.f32.msk $0xffff, v9  }
.LBB2_39:
0x2d5: {  	s25 =	sadd.s32 $0x1, s25  }
0x2d6: {  	p0 =	seq.s32 s25, s24  }
.Ltmp23:
0x2d7: {  	_ = 	snop;
	(pc) =	sbr.rel @p0 .LBB2_40-.Ltmp23, $2  }
0x2d8: {  	_ =	sdelay $0x2  }
0x2d9: {  	s28 =	sadd.s32 $0xFFFFFFC0, s28;
	s26 =	sadd.s32 $0x40, s26  }
.LBB2_27:
0x2da: {  	s0 =	sshll.u32 s25, $0x6  }
0x2db: {  	v7 =	vld [tilespmem:s0+$0x2000];
	_ =	sdelay $0x4  }
0x2dc: {  	v7 =	vshra.s32 v7, $0x8  }
0x2dd: {  	[tilespmem:$0x3080] =	vst v7  }
0x2de: {  	v8 =	vld [tilespmem:s0+$0x2010];
	_ =	sdelay $0x4  }
0x2df: {  	v8 =	vshra.s32 v8, $0x8  }
0x2e0: {  	[tilespmem:$0x3090] =	vst v8  }
0x2e1: {  	v8 =	vld [tilespmem:s0+$0x2020];
	_ =	sdelay $0x3  }
0x2e2: {  	v9 =	vshll.u32 v7, $0x1  }
0x2e3: {  	v7 =	vand.u32 $0x7, v7;
	v9 =	vand.u32 $0xFFFFFFF0, v9;
	v8 =	vshra.s32 v8, $0x8  }
0x2e4: {  	v7 =	vor.u32 v7, v9;
	[tilespmem:$0x30A0] =	vst v8  }
0x2e5: {  	v9 =	vperm.xlane v7, v3;
	v8 =	vld [tilespmem:s0+$0x2030];
	_ =	sdelay $0x1  }
0x2e6: {  	v7 =	vperm.xlane v7, v5;
	v9 =	vadd.s32 v4, v9;
	_ =	sdelay $0x1  }
0x2e7: {  	v7 =	vadd.s32 v4, v7  }
0x2e8: {  	v8 =	vshra.s32 v8, $0x8  }
0x2e9: {  	[tilespmem:$0x30B0] =	vst v8  }
0x2ea: {  	[tilespmem:s12], [sflag:$0x1] =	stream.indirect_vreg.gather [hbm4b:s4+s1], $0x80, v9, vm0, $0xb8;
	[tilespmem:$0x1F100] =	vst v63  }
0x2eb: {  	_ = 	snop  }
0x2ec: {  	[tilespmem:s13], [sflag:$0x1] =	stream.indirect_vreg.gather [hbm4b:s4+s1], $0x80, v7, vm0, $0xb8;
	[tilespmem:$0x1F100] =	vst v63  }
0x2ed: {  	v7 =	vld [tilespmem:$0x3090];
	_ =	sdelay $0x4  }
0x2ee: {  	v8 =	vshll.u32 v7, $0x1  }
0x2ef: {  	v7 =	vand.u32 $0x7, v7;
	v8 =	vand.u32 $0xFFFFFFF0, v8  }
0x2f0: {  	v7 =	vor.u32 v7, v8  }
0x2f1: {  	v8 =	vperm.xlane v7, v3;
	_ =	sdelay $0x1  }
0x2f2: {  	v7 =	vperm.xlane v7, v5;
	v8 =	vadd.s32 v4, v8;
	_ =	sdelay $0x1  }
0x2f3: {  	v7 =	vadd.s32 v4, v7;
	_ =	sdelay $0x1  }
0x2f4: {  	s2 =	simm.s32 $0x4100  }
0x2f5: {  	[tilespmem:s2], [sflag:$0x1] =	stream.indirect_vreg.gather [hbm4b:s4+s1], $0x80, v8, vm0, $0xb8;
	[tilespmem:$0x1F100] =	vst v63  }
0x2f6: {  	_ = 	snop  }
0x2f7: {  	[tilespmem:s14], [sflag:$0x1] =	stream.indirect_vreg.gather [hbm4b:s4+s1], $0x80, v7, vm0, $0xb8;
	[tilespmem:$0x1F100] =	vst v63  }
0x2f8: {  	v7 =	vld [tilespmem:$0x30A0];
	_ =	sdelay $0x4  }
0x2f9: {  	v8 =	vshll.u32 v7, $0x1  }
0x2fa: {  	v7 =	vand.u32 $0x7, v7;
	v8 =	vand.u32 $0xFFFFFFF0, v8  }
0x2fb: {  	v7 =	vor.u32 v7, v8  }
0x2fc: {  	v8 =	vperm.xlane v7, v3;
	_ =	sdelay $0x1  }
0x2fd: {  	v7 =	vperm.xlane v7, v5;
	v8 =	vadd.s32 v4, v8;
	_ =	sdelay $0x1  }
0x2fe: {  	v7 =	vadd.s32 v4, v7;
	_ =	sdelay $0x2  }
0x2ff: {  	[tilespmem:s15], [sflag:$0x1] =	stream.indirect_vreg.gather [hbm4b:s4+s1], $0x80, v8, vm0, $0xb8;
	[tilespmem:$0x1F100] =	vst v63  }
0x300: {  	_ = 	snop  }
0x301: {  	[tilespmem:s16], [sflag:$0x1] =	stream.indirect_vreg.gather [hbm4b:s4+s1], $0x80, v7, vm0, $0xb8;
	[tilespmem:$0x1F100] =	vst v63  }
0x302: {  	v7 =	vld [tilespmem:$0x30B0];
	_ =	sdelay $0x4  }
0x303: {  	v8 =	vshll.u32 v7, $0x1  }
0x304: {  	v7 =	vand.u32 $0x7, v7;
	v8 =	vand.u32 $0xFFFFFFF0, v8  }
0x305: {  	v7 =	vor.u32 v7, v8  }
0x306: {  	v8 =	vperm.xlane v7, v3;
	_ =	sdelay $0x1  }
0x307: {  	v7 =	vperm.xlane v7, v5;
	v8 =	vadd.s32 v4, v8;
	_ =	sdelay $0x1  }
0x308: {  	v7 =	vadd.s32 v4, v7  }
0x309: {  	s0 =	ssub.s32 s23, s0  }
0x30a: {  	p0 =	slt.s32 s0, $0x1  }
0x30b: {  	[tilespmem:s17], [sflag:$0x1] =	stream.indirect_vreg.gather [hbm4b:s4+s1], $0x80, v8, vm0, $0xb8;
	[tilespmem:$0x1F100] =	vst v63  }
.Ltmp24:
0x30c: {  	_ = 	snop;
	(pc) =	sbr.rel @p0 .LBB2_39-.Ltmp24, $4  }
0x30d: {  	[tilespmem:s18], [sflag:$0x1] =	stream.indirect_vreg.gather [hbm4b:s4+s1], $0x80, v7, vm0, $0xb8;
	[tilespmem:$0x1F100] =	vst v63  }
0x30e: {  	_ =	swait.ge [sflag:s10], $0x4000  }
0x30f: {  	[sflag:s10] =	ssyncset.done $0x0  }
0x310: {  	[sflag:s10] =	ssyncadd.s32 $0xFFFFC000  }
0x311: {  	v8 =	vld [tilespmem:s26+$0x0];
	_ =	sdelay $0x4  }
0x312: {  	(v2sf) =	vpush v8, $0x0  }
0x313: {  	p0 =	sgt.s32 s28, $0x1;
	s0 =	smov.u32 s28  }
0x314: {  	s0 =	simm.s32 @!p0 $0x1  }
0x315: {  	s0 =	smin.u32 s0, $0x40  }
0x316: {  	s20 =	sshll.u32 s0, $0x8  }
0x317: {  	p3 =	seq.s32 s20, $0x100  }
.Ltmp25:
0x318: {  	_ = 	snop;
	(pc) =	sbr.rel @p3 .LBB2_29-.Ltmp25, $4  }
0x319: {  	s31 =	simm.s32 $0x0  }
0x31a: {  	s5 =	sand.u32 $0x380, s31;
	s0 =	sand.u32 $0xFFFFF800, s31  }
0x31b: {  	s2 =	simm.s32 $0x100;
	s6 =	sor.u32 s5, s0  }
0x31c: {  	p1 =	por $0x0, $0x0;
	p2 =	por $0x0, $0x0;
	p0 =	por $0x0, $0x0;
	v7 =	vld [tilespmem:s6+$0x3100]  }
0x31d: {  	_ =	sdelay $0x3  }
0x31e: {  	s0 =	spop (v2sf)  }
0x31f: {  	s5 =	sshll.u32 s0, $0x8;
	s0 =	sshll.u32 s0, $0x7  }
0x320: {  	s5 =	sand.u32 $0xF800, s5;
	s0 =	sand.u32 $0x380, s0  }
0x321: {  	s19 =	sor.u32 s0, s5  }
0x322: {  	[tilespmem:s19+$0x7100] =	vst.add.f32.msk $0xffff, v7  }
0x323: {  	v7 =	vld [tilespmem:s6+$0x3110];
	_ =	sdelay $0x1  }
0x324: {  	s0 =	sadd.s32 $0x1, s26  }
0x325: {  	v9 =	vld [tilespmem:s0+$0x0];
	_ =	sdelay $0x1  }
0x326: {  	[tilespmem:s19+$0x7110] =	vst.add.f32.msk $0xffff, v7  }
0x327: {  	v7 =	vld [tilespmem:s6+$0x3120];
	_ =	sdelay $0x1  }
0x328: {  	(v2sf) =	vpush v9, $0x0;
	_ =	sdelay $0x2  }
0x329: {  	[tilespmem:s19+$0x7120] =	vst.add.f32.msk $0xffff, v7  }
0x32a: {  	v8 =	vld [tilespmem:s6+$0x3130]  }
0x32b: {  	s30 =	simm.s32 $0x80;
	p3 =	seq.s32 s20, $0x200  }
.Ltmp26:
0x32c: {  	s2 =	sand.u32 $0xFFFFF800, s2;
	s5 =	sand.u32 $0x380, s30;
	(pc) =	sbr.rel @p3 .LBB2_31-.Ltmp26, $4  }
0x32d: {  	s31 =	sor.u32 s5, s2  }
0x32e: {  	v7 =	vld [tilespmem:s31+$0x3100]  }
0x32f: {  	[tilespmem:s19+$0x7130] =	vst.add.f32.msk $0xffff, v8  }
0x330: {  	p0 =	por $0x1, $0x1;
	s2 =	simm.s32 $0x200;
	v9 =	vld [tilespmem:s6+$0x3140]  }
0x331: {  	_ =	sdelay $0x3  }
0x332: {  	[tilespmem:s19+$0x7140] =	vst.add.f32.msk $0xffff, v9;
	s5 =	spop (v2sf)  }
0x333: {  	v8 =	vld [tilespmem:s6+$0x3150];
	s7 =	sshll.u32 s5, $0x8;
	s5 =	sshll.u32 s5, $0x7  }
0x334: {  	s7 =	sand.u32 $0xF800, s7;
	s5 =	sand.u32 $0x380, s5  }
0x335: {  	s30 =	sor.u32 s5, s7  }
0x336: {  	[tilespmem:s30+$0x7100] =	vst.add.f32.msk $0xffff, v7  }
0x337: {  	v7 =	vld [tilespmem:s31+$0x3110]  }
0x338: {  	[tilespmem:s19+$0x7150] =	vst.add.f32.msk $0xffff, v8  }
0x339: {  	v8 =	vld [tilespmem:s6+$0x3160]  }
0x33a: {  	s5 =	sadd.s32 $0x1, s0  }
0x33b: {  	v10 =	vld [tilespmem:s5+$0x0]  }
0x33c: {  	[tilespmem:s30+$0x7110] =	vst.add.f32.msk $0xffff, v7  }
0x33d: {  	v7 =	vld [tilespmem:s31+$0x3120]  }
0x33e: {  	[tilespmem:s19+$0x7160] =	vst.add.f32.msk $0xffff, v8  }
0x33f: {  	v8 =	vld [tilespmem:s6+$0x3170]  }
0x340: {  	(v2sf) =	vpush v10, $0x0;
	_ =	sdelay $0x1  }
0x341: {  	[tilespmem:s30+$0x7120] =	vst.add.f32.msk $0xffff, v7  }
0x342: {  	v9 =	vld [tilespmem:s31+$0x3130]  }
0x343: {  	s29 =	simm.s32 $0x100;
	[tilespmem:s19+$0x7170] =	vst.add.f32.msk $0xffff, v8  }
0x344: {  	s2 =	sand.u32 $0xFFFFF800, s2;
	p3 =	seq.s32 s20, $0x300;
	s0 =	sand.u32 $0x380, s29;
	v8 =	vld [tilespmem:s6+$0x3500]  }
.Ltmp27:
0x345: {  	s8 =	sor.u32 s0, s2;
	(pc) =	sbr.rel @p3 .LBB2_33-.Ltmp27, $4  }
0x346: {  	v7 =	vld [tilespmem:s8+$0x3100]  }
0x347: {  	[tilespmem:s30+$0x7130] =	vst.add.f32.msk $0xffff, v9  }
0x348: {  	v9 =	vld [tilespmem:s31+$0x3140]  }
0x349: {  	p1 =	por $0x1, $0x1;
	s0 =	simm.s32 $0x300;
	[tilespmem:s19+$0x7500] =	vst.add.f32.msk $0xffff, v8  }
0x34a: {  	_ =	sdelay $0x2  }
0x34b: {  	[tilespmem:s30+$0x7140] =	vst.add.f32.msk $0xffff, v9  }
0x34c: {  	v8 =	vld [tilespmem:s31+$0x3150];
	s2 =	spop (v2sf)  }
0x34d: {  	s21 =	sshll.u32 s2, $0x8;
	s2 =	sshll.u32 s2, $0x7  }
0x34e: {  	s9 =	sadd.s32 $0x1, s5;
	s5 =	sand.u32 $0xF800, s21;
	s2 =	sand.u32 $0x380, s2  }
0x34f: {  	v9 =	vld [tilespmem:s6+$0x3510];
	s2 =	sor.u32 s2, s5  }
0x350: {  	[tilespmem:s2+$0x7100] =	vst.add.f32.msk $0xffff, v7  }
0x351: {  	[tilespmem:s30+$0x7150] =	vst.add.f32.msk $0xffff, v8  }
0x352: {  	v7 =	vld [tilespmem:s8+$0x3110]  }
0x353: {  	v8 =	vld [tilespmem:s31+$0x3160]  }
0x354: {  	v10 =	vld [tilespmem:s9+$0x0]  }
0x355: {  	[tilespmem:s19+$0x7510] =	vst.add.f32.msk $0xffff, v9  }
0x356: {  	v9 =	vld [tilespmem:s6+$0x3520]  }
0x357: {  	[tilespmem:s2+$0x7110] =	vst.add.f32.msk $0xffff, v7  }
0x358: {  	[tilespmem:s30+$0x7160] =	vst.add.f32.msk $0xffff, v8  }
0x359: {  	v7 =	vld [tilespmem:s8+$0x3120]  }
0x35a: {  	v8 =	vld [tilespmem:s31+$0x3170];
	_ =	sdelay $0x1  }
0x35b: {  	[tilespmem:s19+$0x7520] =	vst.add.f32.msk $0xffff, v9  }
0x35c: {  	(v2sf) =	vpush v10, $0x0;
	v9 =	vld [tilespmem:s6+$0x3530]  }
0x35d: {  	[tilespmem:s2+$0x7120] =	vst.add.f32.msk $0xffff, v7  }
0x35e: {  	s21 =	simm.s32 $0x180;
	[tilespmem:s30+$0x7170] =	vst.add.f32.msk $0xffff, v8  }
0x35f: {  	s0 =	sand.u32 $0xFFFFF800, s0;
	s22 =	sand.u32 $0x380, s21;
	v12 =	vld [tilespmem:s8+$0x3130]  }
0x360: {  	s29 =	sor.u32 s22, s0;
	v11 =	vld [tilespmem:s31+$0x3500]  }
0x361: {  	p3 =	seq.s32 s20, $0x400;
	v7 =	vld [tilespmem:s29+$0x3100]  }
.Ltmp28:
0x362: {  	[tilespmem:s19+$0x7530] =	vst.add.f32.msk $0xffff, v9;
	(pc) =	sbr.rel @p3 .LBB2_35-.Ltmp28, $4  }
0x363: {  	v8 =	vld [tilespmem:s6+$0x3540]  }
0x364: {  	[tilespmem:s2+$0x7130] =	vst.add.f32.msk $0xffff, v12  }
0x365: {  	p2 =	por $0x1, $0x1;
	[tilespmem:s30+$0x7500] =	vst.add.f32.msk $0xffff, v11  }
0x366: {  	s7 =	smov.u32 s6;
	s5 =	simm.s32 $0x400;
	s0 =	smov.u32 s19;
	v9 =	vld [tilespmem:s8+$0x3140]  }
.LBB2_36:
0x367: {  	s9 =	sadd.s32 $0x1, s9;
	v10 =	vld [tilespmem:s31+$0x3510];
	s11 =	smov.u32 s5;
	s5 =	sadd.s32 $0x100, s5  }
0x368: {  	p3 =	seq.s32 s20, s5;
	[tilespmem:s0+$0x7540] =	vst.add.f32.msk $0xffff, v8  }
0x369: {  	v8 =	vld [tilespmem:s7+$0x3550]  }
0x36a: {  	v11 =	vld [tilespmem:s9+$0x0]  }
0x36b: {  	[tilespmem:s2+$0x7140] =	vst.add.f32.msk $0xffff, v9  }
0x36c: {  	s21 =	sadd.s32 $0x80, s21;
	s22 =	spop (v2sf);
	v9 =	vld [tilespmem:s8+$0x3150]  }
0x36d: {  	s12 =	sand.u32 $0x380, s21;
	s13 =	sshll.u32 s22, $0x8;
	s22 =	sshll.u32 s22, $0x7;
	[tilespmem:s30+$0x7510] =	vst.add.f32.msk $0xffff, v10  }
0x36e: {  	s11 =	sand.u32 $0xFFFFF800, s11;
	s13 =	sand.u32 $0xF800, s13;
	s22 =	sand.u32 $0x380, s22;
	[tilespmem:s0+$0x7550] =	vst.add.f32.msk $0xffff, v8  }
0x36f: {  	s11 =	sor.u32 s12, s11;
	s12 =	sor.u32 s22, s13;
	v8 =	vld [tilespmem:s7+$0x3560]  }
0x370: {  	v10 =	vld [tilespmem:s11+$0x3100]  }
0x371: {  	[tilespmem:s2+$0x7150] =	vst.add.f32.msk $0xffff, v9  }
0x372: {  	v9 =	vld [tilespmem:s31+$0x3520]  }
0x373: {  	v12 =	vld [tilespmem:s8+$0x3160]  }
0x374: {  	[tilespmem:s12+$0x7100] =	vst.add.f32.msk $0xffff, v7  }
0x375: {  	v13 =	vld [tilespmem:s29+$0x3110];
	v7 =	vmov v10  }
0x376: {  	[tilespmem:s0+$0x7560] =	vst.add.f32.msk $0xffff, v8  }
0x377: {  	[tilespmem:s30+$0x7520] =	vst.add.f32.msk $0xffff, v9  }
0x378: {  	[tilespmem:s2+$0x7160] =	vst.add.f32.msk $0xffff, v12  }
0x379: {  	v8 =	vld [tilespmem:s8+$0x3170]  }
0x37a: {  	[tilespmem:s12+$0x7110] =	vst.add.f32.msk $0xffff, v13  }
0x37b: {  	v9 =	vld [tilespmem:s29+$0x3120]  }
0x37c: {  	v10 =	vld [tilespmem:s7+$0x3570];
	s7 =	smov.u32 s31;
	s31 =	smov.u32 s8;
	s8 =	smov.u32 s29  }
0x37d: {  	s29 =	smov.u32 s11;
	v12 =	vld [tilespmem:s7+$0x3530]  }
0x37e: {  	(v2sf) =	vpush v11, $0x0;
	[tilespmem:s2+$0x7170] =	vst.add.f32.msk $0xffff, v8  }
0x37f: {  	v11 =	vld [tilespmem:s31+$0x3500]  }
0x380: {  	[tilespmem:s12+$0x7120] =	vst.add.f32.msk $0xffff, v9  }
0x381: {  	v9 =	vld [tilespmem:s8+$0x3130]  }
0x382: {  	[tilespmem:s30+$0x7530] =	vst.add.f32.msk $0xffff, v12  }
.Ltmp29:
0x383: {  	v8 =	vld [tilespmem:s7+$0x3540];
	(pc) =	sbr.rel @!p3 .LBB2_36-.Ltmp29, $4  }
0x384: {  	[tilespmem:s2+$0x7500] =	vst.add.f32.msk $0xffff, v11  }
0x385: {  	[tilespmem:s0+$0x7570] =	vst.add.f32.msk $0xffff, v10;
	s0 =	smov.u32 s30;
	s30 =	smov.u32 s2;
	s2 =	smov.u32 s12  }
0x386: {  	[tilespmem:s2+$0x7130] =	vst.add.f32.msk $0xffff, v9  }
0x387: {  	v9 =	vld [tilespmem:s8+$0x3140]  }
.Ltmp30:
0x388: {  	(pc) =	sbr.rel .LBB2_38-.Ltmp30, $3  }
0x389: {  	_ =	sdelay $0x1  }
0x38a: {  	s20 =	smov.u32 s8;
	s9 =	smov.u32 s31  }
0x38b: {  	s8 =	smov.u32 s29;
	s12 =	simm.s32 $0x3100;
	s13 =	simm.s32 $0x3900  }
.LBB2_31:
.Ltmp31:
0x38c: {  	(pc) =	sbr.rel .LBB2_38-.Ltmp31, $2  }
0x38d: {  	_ =	sdelay $0x2  }
0x38e: {  	s2 =	smov.u32 s19;
	s20 =	smov.u32 s6;
	s8 =	smov.u32 s31  }
.LBB2_33:
.Ltmp32:
0x38f: {  	(pc) =	sbr.rel .LBB2_38-.Ltmp32, $3  }
0x390: {  	_ =	sdelay $0x1  }
0x391: {  	s2 =	smov.u32 s30  }
0x392: {  	s9 =	smov.u32 s6;
	s20 =	smov.u32 s31;
	s30 =	smov.u32 s19  }
.LBB2_35:
.Ltmp33:
0x393: {  	(pc) =	sbr.rel .LBB2_38-.Ltmp33, $4  }
0x394: {  	_ = 	snop  }
0x395: {  	s20 =	smov.u32 s8  }
0x396: {  	s9 =	smov.u32 s31;
	s0 =	smov.u32 s19;
	s7 =	smov.u32 s6  }
0x397: {  	s8 =	smov.u32 s29;
	s12 =	simm.s32 $0x3100;
	s13 =	simm.s32 $0x3900  }
.LBB2_42:
0x398: {  	_ =	sfence.sel $0x180000  }
0x399: {  	[bflag:$0x0] =	sbarrier.arrive $0xFFFF  }
0x39a: {  	_ =	strace $0x90000047  }
0x39b: {  	s0 =	stileid.u32;
	[bflag:$0x2] =	sbarrier.arrive $0xFFFF  }
0x39c: {  	p0 =	sne.s32 s0, $0x0;
	s0 =	rddreg [dreg:$0x2]  }
0x39d: {  	s0 =	sadd.s32 @!p0 $0x100000, s0  }
0x39e: {  	[sflag:s0] =	ssyncadd.tile.s32 @!p0 $0x1;
	_ =	shalt  }
.Lfunc_end2:
_tile_overlayer_lowered:
.L_overlay_start_2:
0x39f: {  	(tag) =	ssettag $0x2  }
0x3a0: {  	s0 =	rddreg [dreg:$0x0];
	s2 =	stileid.u32  }
0x3a1: {  	s1 =	rddreg [dreg:$0x1];
	p0 =	sne.s32 s2, $0x0  }
0x3a2: {  	s3 =	rddreg [dreg:$0x2];
	[bflag:$0x3] =	sbarrier.arrive $0xFFFF;
	s2 =	simm.s32 @!p0 $0x1C01  }
0x3a3: {  	[timem:s3], [sflag:s2] =	dma.local @!p0 [hbm:s0], s1  }
0x3a4: {  	s0 =	simm.s32 @!p0 $0x1  }
0x3a5: {  	_ =	swait.ge @!p0 [sflag:s0], s1  }
0x3a6: {  	s1 =	ssub.s32 @!p0 $0x0, s1;
	[sflag:s0] =	ssyncset.done @!p0 $0x0  }
0x3a7: {  	[sflag:s0] =	ssyncadd.s32 @!p0 s1  }
0x3a8: {  	[bflag:$0x3] =	sbarrier.arrive $0xFFFF  }
0x3a9: {  	_ =	shalt  }

</sc_bundles>
